<compile_context>
chip_gen: v7x
topology: tpu7x:2x2x1
jax: 0.10.2.dev20260603
libtpu: 0.0.44.dev20260713+nightly
codegen_flags: <defaults>
</compile_context>

<pallas_src>
import jax
import jax.numpy as jnp
from jax import lax
from jax.experimental import pallas as pl
from jax.experimental.pallas import tpu as pltpu
from jax.experimental.pallas import tpu_sc as plsc

B, L, D = 16, 4096, 128
NC, NS = 2, 16
HALF = L // 2
LANES = 16
NG = HALF // LANES
CHUNK = 128
NCH = HALF // CHUNK
GPC = CHUNK // LANES
NBUF = 6
PRIME = 3
AHEAD = 3


def _sc_body(x_hbm, atom_hbm, out_hbm, atom_v, idx_v, xbuf, gsems, ssems, asem):
    c = lax.axis_index("c")
    s = lax.axis_index("s")
    wid = c * NS + s
    b = wid // 2
    h = wid % 2
    row_base = b * L
    my_base = row_base + h * HALF

    atom_d = pltpu.async_copy(atom_hbm.at[b], atom_v, asem)

    gat = [None] * NBUF
    scat = [None] * NBUF
    for j in range(PRIME):
        gat[j] = pltpu.async_copy(
            x_hbm.at[pl.ds(my_base + j * CHUNK, CHUNK)], xbuf.at[j], gsems.at[j])
    atom_d.wait()

    def count_half(half):
        def grp(g, acc):
            accs = []
            for u in range(4):
                a = atom_v[pl.ds(half * HALF + (4 * g + u) * LANES, LANES)]
                accs.append(jnp.where(a < 3, 1, 0).astype(jnp.int32))
            return acc + ((accs[0] + accs[1]) + (accs[2] + accs[3]))
        acc = lax.fori_loop(0, NG // 4, grp, jnp.zeros((LANES,), jnp.int32))
        return jnp.sum(acc)

    c0 = count_half(0)
    c1 = count_half(1)

    bb_base = row_base + h * c0
    ot_base = row_base + (c0 + c1) + h * (HALF - c0)
    lane = lax.iota(jnp.int32, LANES)

    run = jnp.int32(0)
    for j in range(NCH):
        def grp(g, run):
            a = atom_v[pl.ds(h * HALF + j * CHUNK + g * LANES, LANES)]
            flag = a < 3
            f = jnp.where(flag, 1, 0).astype(jnp.int32)
            cs = plsc.cumsum(f)
            p = lane + (j * CHUNK + g * LANES)
            ib = run + cs
            dest = jnp.where(flag, bb_base + ib - 1, ot_base + p - ib)
            idx_v[j, pl.ds(g * LANES, LANES)] = dest
            return run + jnp.sum(f)
        run = lax.fori_loop(0, GPC, grp, run)

        bj = j % NBUF
        gat[bj].wait()
        scat[bj] = pltpu.async_copy(xbuf.at[bj], out_hbm.at[idx_v.at[j]],
                                    ssems.at[bj])
        jn = j + AHEAD
        if jn < NCH:
            bn = jn % NBUF
            if scat[bn] is not None:
                scat[bn].wait()
            gat[bn] = pltpu.async_copy(
                x_hbm.at[pl.ds(my_base + jn * CHUNK, CHUNK)], xbuf.at[bn],
                gsems.at[bn])

    for bj in range(NBUF):
        scat[bj].wait()


@jax.jit
def kernel(x, atom_type, aa_type):
    del aa_type
    x2 = x.reshape(B * L, D)
    at = atom_type.astype(jnp.int32)
    run = pl.kernel(
        _sc_body,
        out_type=jax.ShapeDtypeStruct((B * L, D), jnp.float32),
        mesh=plsc.VectorSubcoreMesh(core_axis_name="c", subcore_axis_name="s"),
        compiler_params=pltpu.CompilerParams(needs_layout_passes=False),
        scratch_types=[
            pltpu.VMEM((L,), jnp.int32),
            pltpu.VMEM((NCH, CHUNK), jnp.int32),
            pltpu.VMEM((NBUF, CHUNK, D), jnp.float32),
            pltpu.SemaphoreType.DMA((NBUF,)),
            pltpu.SemaphoreType.DMA((NBUF,)),
            pltpu.SemaphoreType.DMA,
        ],
    )(x2, at)
    return run.reshape(B, L, D)

# --- scband reference (transcript-rebuilt; emitter-appended) ---
"""Pipeline reference for scband-permutation-back-bone-12738873000449 (READ-ONLY COPY).

The authoritative reference and input builder live on the scoring server;
editing this copy changes nothing except your own understanding.
"""

import jax, jax.numpy as jnp
import numpy as np

# ATOM_TYPE_ENCODING_DICT (atom37 convention): 'N'=0, 'CA'=1, 'C'=2, others 3..36
BACKBONE_CODES = jnp.array([0, 1, 2], dtype=jnp.int64)


def setup_inputs(seed: int = 0) -> dict:
    key = jax.random.key(seed)
    k1, k2, k3 = jax.random.split(key, 3)
    B, L, D = 16, 4096, 128
    x = jax.random.normal(k1, (B, L, D), dtype=jnp.float32)
    atom_type = jax.random.randint(k2, (B, L), 0, 37, dtype=jnp.int64)
    aa_type = jax.random.randint(k3, (B, L), 0, 21, dtype=jnp.int64)
    return {"x": x, "atom_type": atom_type, "aa_type": aa_type}


def reference(x, atom_type, aa_type):
    # The torch module builds, per batch row, a permutation that places all
    # backbone atoms (codes for N, CA, C) first -- in their original order,
    # concatenated segment-by-segment -- followed by all non-backbone atoms in
    # their original order. Since both the backbone list and the "other" list
    # preserve the original index ordering (segments are visited in order and
    # indices within a segment are ascending), this is exactly a stable sort of
    # positions by the key (0 = backbone, 1 = other).
    # aa_type is only used as a cache key in the torch code and does not affect
    # the math.
    is_backbone = (atom_type[..., None] == BACKBONE_CODES[None, None, :]).any(axis=-1)
    sort_key = jnp.where(is_backbone, 0, 1).astype(jnp.int32)
    perm_idx = jnp.argsort(sort_key, axis=1, stable=True)  # [B, L]
    # gather: x_out[b, l] = x[b, perm_idx[b, l]]
    x_out = jnp.take_along_axis(x, perm_idx[:, :, None], axis=1)
    return x_out

if __name__ == "__main__":
    import jax
    _d = setup_inputs()
    print(jax.jit(kernel)(*tuple(_d.values())))

</pallas_src>

<mosaic_0001>
#map = affine_map<(d0, d1) -> (0, 0)>
module attributes {stable_mosaic.version = 14 : i64} {
  func.func @_sc_body(%arg0: i32, %arg1: i32, %arg2: memref<65536x128xf32, #tpu.memory_space<hbm>>, %arg3: memref<16x4096xi32, #tpu.memory_space<hbm>>, %arg4: memref<65536x128xf32, #tpu.memory_space<hbm>>, %arg5: memref<4096xi32, #tpu.memory_space<vmem>>, %arg6: memref<16x128xi32, #tpu.memory_space<vmem>>, %arg7: memref<6x128x128xf32, #tpu.memory_space<vmem>>, %arg8: memref<6x!tpu.dma_semaphore, #tpu.memory_space<semaphore_mem>>, %arg9: memref<6x!tpu.dma_semaphore, #tpu.memory_space<semaphore_mem>>, %arg10: memref<!tpu.dma_semaphore, #tpu.memory_space<semaphore_mem>>) attributes {dimension_semantics = [#tpu.dimension_semantics<core_parallel>, #tpu.dimension_semantics<subcore_parallel>], iteration_bounds = array<i64: 2, 16>, scalar_prefetch = 0 : i64, scratch_operands = 6 : i64, tpu.core_type = #tpu.core_type<sc_vector_subcore>, window_params = [{transform_indices = #map}, {transform_indices = #map}, {transform_indices = #map}]} {
    %mul3A = arith.constant 16 : i32
    %mul3A_0 = arith.muli %arg0, %mul3A : i32
    %add3A = arith.addi %mul3A_0, %arg1 : i32
    %jit3A = arith.constant 2 : i32
    %div3A = arith.divsi %add3A, %jit3A : i32
    %sign3A = arith.constant 0 : i32
    %sign3A_1 = arith.cmpi sgt, %add3A, %sign3A : i32
    %sign3A_2 = arith.extui %sign3A_1 : i1 to i32
    %sign3A_3 = arith.constant 0 : i32
    %sign3A_4 = arith.cmpi slt, %add3A, %sign3A_3 : i32
    %sign3A_5 = arith.extui %sign3A_4 : i1 to i32
    %sign3A_6 = arith.subi %sign3A_2, %sign3A_5 : i32
    %sign3A_7 = arith.constant 0 : i32
    %sign3A_8 = arith.cmpi sgt, %jit3A, %sign3A_7 : i32
    %sign3A_9 = arith.extui %sign3A_8 : i1 to i32
    %sign3A_10 = arith.constant 0 : i32
    %sign3A_11 = arith.cmpi slt, %jit3A, %sign3A_10 : i32
    %sign3A_12 = arith.extui %sign3A_11 : i1 to i32
    %sign3A_13 = arith.subi %sign3A_9, %sign3A_12 : i32
    %ne3A = arith.cmpi ne, %sign3A_6, %sign3A_13 : i32
    %rem3A = arith.remsi %add3A, %jit3A : i32
    %ne3A_14 = arith.constant 0 : i32
    %ne3A_15 = arith.cmpi ne, %rem3A, %ne3A_14 : i32
    %and3A = arith.andi %ne3A, %ne3A_15 : i1
    %sub3A = arith.constant 1 : i32
    %sub3A_16 = arith.subi %div3A, %sub3A : i32
    %select_n3A = arith.select %and3A, %sub3A_16, %div3A : i32
    %jit3A_17 = arith.constant 2 : i32
    %eq3A = arith.constant 0 : i32
    %eq3A_18 = arith.cmpi eq, %jit3A_17, %eq3A : i32
    %jit3A_19 = arith.constant 1 : i32
    %select_n3A_20 = arith.select %eq3A_18, %jit3A_19, %jit3A_17 : i32
    %rem3A_21 = arith.remsi %add3A, %select_n3A_20 : i32
    %ne3A_22 = arith.constant 0 : i32
    %ne3A_23 = arith.cmpi ne, %rem3A_21, %ne3A_22 : i32
    %lt3A = arith.constant 0 : i32
    %lt3A_24 = arith.cmpi slt, %rem3A_21, %lt3A : i32
    %lt3A_25 = arith.constant 0 : i32
    %lt3A_26 = arith.cmpi slt, %select_n3A_20, %lt3A_25 : i32
    %ne3A_27 = arith.xori %lt3A_24, %lt3A_26 : i1
    %and3A_28 = arith.andi %ne3A_27, %ne3A_23 : i1
    %add3A_29 = arith.addi %rem3A_21, %select_n3A_20 : i32
    %select_n3A_30 = arith.select %and3A_28, %add3A_29, %rem3A_21 : i32
    %mul3A_31 = arith.constant 4096 : i32
    %mul3A_32 = arith.muli %select_n3A, %mul3A_31 : i32
    %mul3A_33 = arith.constant 2048 : i32
    %mul3A_34 = arith.muli %select_n3A_30, %mul3A_33 : i32
    %add3A_35 = arith.addi %mul3A_32, %mul3A_34 : i32
    %dma_start3A = arith.constant 0 : i32
    %dma_start3A_36 = tpu.memref_slice %arg3[%select_n3A, %dma_start3A] : memref<16x4096xi32, #tpu.memory_space<hbm>> -> memref<1x4096xi32, #tpu.memory_space<hbm>>
    %dma_start3A_37 = tpu.memref_squeeze %dma_start3A_36 : memref<1x4096xi32, #tpu.memory_space<hbm>> -> memref<4096xi32, #tpu.memory_space<hbm>>
    %dma_start3A_38 = arith.constant 0 : i32
    %dma_start3A_39 = tpu.memref_slice %arg3[%select_n3A, %dma_start3A_38] : memref<16x4096xi32, #tpu.memory_space<hbm>> -> memref<1x4096xi32, #tpu.memory_space<hbm>>
    %dma_start3A_40 = tpu.memref_squeeze %dma_start3A_39 : memref<1x4096xi32, #tpu.memory_space<hbm>> -> memref<4096xi32, #tpu.memory_space<hbm>>
    tpu.enqueue_dma source(%dma_start3A_40 : memref<4096xi32, #tpu.memory_space<hbm>>) target(%arg5 : memref<4096xi32, #tpu.memory_space<vmem>>) target_semaphore(%arg10 : memref<!tpu.dma_semaphore, #tpu.memory_space<semaphore_mem>>)
    %add3A_41 = arith.constant 0 : i32
    %add3A_42 = arith.addi %add3A_35, %add3A_41 : i32
    %dma_start3A_43 = arith.constant 0 : i32
    %dma_start3A_44 = arith.constant 0 : i32
    %dma_start3A_45 = arith.constant 0 : i32
    %dma_start3A_46 = arith.constant 0 : i32
    %dma_start3A_47 = tpu.memref_slice %arg7[%dma_start3A_43, %dma_start3A_45, %dma_start3A_46] : memref<6x128x128xf32, #tpu.memory_space<vmem>> -> memref<1x128x128xf32, #tpu.memory_space<vmem>>
    %dma_start3A_48 = tpu.memref_squeeze %dma_start3A_47 : memref<1x128x128xf32, #tpu.memory_space<vmem>> -> memref<128x128xf32, #tpu.memory_space<vmem>>
    %dma_start3A_49 = arith.constant 0 : i32
    %dma_start3A_50 = tpu.memref_slice %arg2[%add3A_42, %dma_start3A_49] : memref<65536x128xf32, #tpu.memory_space<hbm>> -> memref<128x128xf32, #tpu.memory_space<hbm>>
    %dma_start3A_51 = tpu.memref_slice %arg8[%dma_start3A_44] : memref<6x!tpu.dma_semaphore, #tpu.memory_space<semaphore_mem>> -> memref<1x!tpu.dma_semaphore, #tpu.memory_space<semaphore_mem>>
    %dma_start3A_52 = tpu.memref_squeeze %dma_start3A_51 : memref<1x!tpu.dma_semaphore, #tpu.memory_space<semaphore_mem>> -> memref<!tpu.dma_semaphore, #tpu.memory_space<semaphore_mem>>
    %dma_start3A_53 = arith.constant 0 : i32
    %dma_start3A_54 = arith.constant 0 : i32
    %dma_start3A_55 = tpu.memref_slice %arg7[%dma_start3A_43, %dma_start3A_53, %dma_start3A_54] : memref<6x128x128xf32, #tpu.memory_space<vmem>> -> memref<1x128x128xf32, #tpu.memory_space<vmem>>
    %dma_start3A_56 = tpu.memref_squeeze %dma_start3A_55 : memref<1x128x128xf32, #tpu.memory_space<vmem>> -> memref<128x128xf32, #tpu.memory_space<vmem>>
    %dma_start3A_57 = arith.constant 0 : i32
    %dma_start3A_58 = tpu.memref_slice %arg2[%add3A_42, %dma_start3A_57] : memref<65536x128xf32, #tpu.memory_space<hbm>> -> memref<128x128xf32, #tpu.memory_space<hbm>>
    tpu.enqueue_dma source(%dma_start3A_58 : memref<128x128xf32, #tpu.memory_space<hbm>>) target(%dma_start3A_56 : memref<128x128xf32, #tpu.memory_space<vmem>>) target_semaphore(%dma_start3A_52 : memref<!tpu.dma_semaphore, #tpu.memory_space<semaphore_mem>>)
    %add3A_59 = arith.constant 128 : i32
    %add3A_60 = arith.addi %add3A_35, %add3A_59 : i32
    %dma_start3A_61 = arith.constant 1 : i32
    %dma_start3A_62 = arith.constant 1 : i32
    %dma_start3A_63 = arith.constant 0 : i32
    %dma_start3A_64 = arith.constant 0 : i32
    %dma_start3A_65 = tpu.memref_slice %arg7[%dma_start3A_61, %dma_start3A_63, %dma_start3A_64] : memref<6x128x128xf32, #tpu.memory_space<vmem>> -> memref<1x128x128xf32, #tpu.memory_space<vmem>>
    %dma_start3A_66 = tpu.memref_squeeze %dma_start3A_65 : memref<1x128x128xf32, #tpu.memory_space<vmem>> -> memref<128x128xf32, #tpu.memory_space<vmem>>
    %dma_start3A_67 = arith.constant 0 : i32
    %dma_start3A_68 = tpu.memref_slice %arg2[%add3A_60, %dma_start3A_67] : memref<65536x128xf32, #tpu.memory_space<hbm>> -> memref<128x128xf32, #tpu.memory_space<hbm>>
    %dma_start3A_69 = tpu.memref_slice %arg8[%dma_start3A_62] : memref<6x!tpu.dma_semaphore, #tpu.memory_space<semaphore_mem>> -> memref<1x!tpu.dma_semaphore, #tpu.memory_space<semaphore_mem>>
    %dma_start3A_70 = tpu.memref_squeeze %dma_start3A_69 : memref<1x!tpu.dma_semaphore, #tpu.memory_space<semaphore_mem>> -> memref<!tpu.dma_semaphore, #tpu.memory_space<semaphore_mem>>
    %dma_start3A_71 = arith.constant 0 : i32
    %dma_start3A_72 = arith.constant 0 : i32
    %dma_start3A_73 = tpu.memref_slice %arg7[%dma_start3A_61, %dma_start3A_71, %dma_start3A_72] : memref<6x128x128xf32, #tpu.memory_space<vmem>> -> memref<1x128x128xf32, #tpu.memory_space<vmem>>
    %dma_start3A_74 = tpu.memref_squeeze %dma_start3A_73 : memref<1x128x128xf32, #tpu.memory_space<vmem>> -> memref<128x128xf32, #tpu.memory_space<vmem>>
    %dma_start3A_75 = arith.constant 0 : i32
    %dma_start3A_76 = tpu.memref_slice %arg2[%add3A_60, %dma_start3A_75] : memref<65536x128xf32, #tpu.memory_space<hbm>> -> memref<128x128xf32, #tpu.memory_space<hbm>>
    tpu.enqueue_dma source(%dma_start3A_76 : memref<128x128xf32, #tpu.memory_space<hbm>>) target(%dma_start3A_74 : memref<128x128xf32, #tpu.memory_space<vmem>>) target_semaphore(%dma_start3A_70 : memref<!tpu.dma_semaphore, #tpu.memory_space<semaphore_mem>>)
    %add3A_77 = arith.constant 256 : i32
    %add3A_78 = arith.addi %add3A_35, %add3A_77 : i32
    %dma_start3A_79 = arith.constant 2 : i32
    %dma_start3A_80 = arith.constant 2 : i32
    %dma_start3A_81 = arith.constant 0 : i32
    %dma_start3A_82 = arith.constant 0 : i32
    %dma_start3A_83 = tpu.memref_slice %arg7[%dma_start3A_79, %dma_start3A_81, %dma_start3A_82] : memref<6x128x128xf32, #tpu.memory_space<vmem>> -> memref<1x128x128xf32, #tpu.memory_space<vmem>>
    %dma_start3A_84 = tpu.memref_squeeze %dma_start3A_83 : memref<1x128x128xf32, #tpu.memory_space<vmem>> -> memref<128x128xf32, #tpu.memory_space<vmem>>
    %dma_start3A_85 = arith.constant 0 : i32
    %dma_start3A_86 = tpu.memref_slice %arg2[%add3A_78, %dma_start3A_85] : memref<65536x128xf32, #tpu.memory_space<hbm>> -> memref<128x128xf32, #tpu.memory_space<hbm>>
    %dma_start3A_87 = tpu.memref_slice %arg8[%dma_start3A_80] : memref<6x!tpu.dma_semaphore, #tpu.memory_space<semaphore_mem>> -> memref<1x!tpu.dma_semaphore, #tpu.memory_space<semaphore_mem>>
    %dma_start3A_88 = tpu.memref_squeeze %dma_start3A_87 : memref<1x!tpu.dma_semaphore, #tpu.memory_space<semaphore_mem>> -> memref<!tpu.dma_semaphore, #tpu.memory_space<semaphore_mem>>
    %dma_start3A_89 = arith.constant 0 : i32
    %dma_start3A_90 = arith.constant 0 : i32
    %dma_start3A_91 = tpu.memref_slice %arg7[%dma_start3A_79, %dma_start3A_89, %dma_start3A_90] : memref<6x128x128xf32, #tpu.memory_space<vmem>> -> memref<1x128x128xf32, #tpu.memory_space<vmem>>
    %dma_start3A_92 = tpu.memref_squeeze %dma_start3A_91 : memref<1x128x128xf32, #tpu.memory_space<vmem>> -> memref<128x128xf32, #tpu.memory_space<vmem>>
    %dma_start3A_93 = arith.constant 0 : i32
    %dma_start3A_94 = tpu.memref_slice %arg2[%add3A_78, %dma_start3A_93] : memref<65536x128xf32, #tpu.memory_space<hbm>> -> memref<128x128xf32, #tpu.memory_space<hbm>>
    tpu.enqueue_dma source(%dma_start3A_94 : memref<128x128xf32, #tpu.memory_space<hbm>>) target(%dma_start3A_92 : memref<128x128xf32, #tpu.memory_space<vmem>>) target_semaphore(%dma_start3A_88 : memref<!tpu.dma_semaphore, #tpu.memory_space<semaphore_mem>>)
    %dma_wait3A = arith.constant 0 : i32
    %dma_wait3A_95 = tpu.memref_slice %arg3[%select_n3A, %dma_wait3A] : memref<16x4096xi32, #tpu.memory_space<hbm>> -> memref<1x4096xi32, #tpu.memory_space<hbm>>
    %dma_wait3A_96 = tpu.memref_squeeze %dma_wait3A_95 : memref<1x4096xi32, #tpu.memory_space<hbm>> -> memref<4096xi32, #tpu.memory_space<hbm>>
    %dma_wait3A_97 = arith.constant 0 : i32
    %dma_wait3A_98 = tpu.memref_slice %arg3[%select_n3A, %dma_wait3A_97] : memref<16x4096xi32, #tpu.memory_space<hbm>> -> memref<1x4096xi32, #tpu.memory_space<hbm>>
    %dma_wait3A_99 = tpu.memref_squeeze %dma_wait3A_98 : memref<1x4096xi32, #tpu.memory_space<hbm>> -> memref<4096xi32, #tpu.memory_space<hbm>>
    tpu.wait_dma2 semaphore(%arg10 : memref<!tpu.dma_semaphore, #tpu.memory_space<semaphore_mem>>) src(%dma_wait3A_99 : memref<4096xi32, #tpu.memory_space<hbm>>) dst(%arg5 : memref<4096xi32, #tpu.memory_space<vmem>>)
    %broadcast_in_dim3A = arith.constant 0 : i32
    %broadcast_in_dim3A_100 = vector.broadcast %broadcast_in_dim3A : i32 to vector<16xi32>
    %scan3A = arith.constant 0 : i32
    %scan3A_101 = arith.constant 32 : i32
    %scan3A_102 = arith.addi %scan3A, %scan3A_101 : i32
    %scan3A_103 = arith.constant 1 : i32
    %scan3A_104 = scf.for %scan3A_1196 = %scan3A to %scan3A_102 step %scan3A_103 iter_args(%scan3A_1197 = %broadcast_in_dim3A_100) -> (vector<16xi32>)  : i32 {
      %mul3A_1198 = arith.constant 4 : i32
      %mul3A_1199 = arith.muli %mul3A_1198, %scan3A_1196 : i32
      %add3A_1200 = arith.constant 0 : i32
      %add3A_1201 = arith.addi %mul3A_1199, %add3A_1200 : i32
      %mul3A_1202 = arith.constant 16 : i32
      %mul3A_1203 = arith.muli %add3A_1201, %mul3A_1202 : i32
      %add3A_1204 = arith.constant 0 : i32
      %add3A_1205 = arith.addi %add3A_1204, %mul3A_1203 : i32
      %get3A = arith.index_cast %add3A_1205 : i32 to index
      %get3A_1206 = tpu.vector_load %arg5[%get3A] {strides = array<i32>} : memref<4096xi32, #tpu.memory_space<vmem>>, vector<16xi32>,
      %lt3A_1207 = arith.constant 3 : i32
      %lt3A_1208 = vector.broadcast %lt3A_1207 : i32 to vector<16xi32>
      %lt3A_1209 = arith.cmpi slt, %get3A_1206, %lt3A_1208 : vector<16xi32>
      %jit3A_1210 = arith.constant 1 : i32
      %jit3A_1211 = arith.constant 0 : i32
      %broadcast_in_dim3A_1212 = vector.broadcast %jit3A_1210 : i32 to vector<16xi32>
      %broadcast_in_dim3A_1213 = vector.broadcast %jit3A_1211 : i32 to vector<16xi32>
      %select_n3A_1214 = arith.select %lt3A_1209, %broadcast_in_dim3A_1212, %broadcast_in_dim3A_1213 : vector<16xi1>, vector<16xi32>
      %mul3A_1215 = arith.constant 4 : i32
      %mul3A_1216 = arith.muli %mul3A_1215, %scan3A_1196 : i32
      %add3A_1217 = arith.constant 1 : i32
      %add3A_1218 = arith.addi %mul3A_1216, %add3A_1217 : i32
      %mul3A_1219 = arith.constant 16 : i32
      %mul3A_1220 = arith.muli %add3A_1218, %mul3A_1219 : i32
      %add3A_1221 = arith.constant 0 : i32
      %add3A_1222 = arith.addi %add3A_1221, %mul3A_1220 : i32
      %get3A_1223 = arith.index_cast %add3A_1222 : i32 to index
      %get3A_1224 = tpu.vector_load %arg5[%get3A_1223] {strides = array<i32>} : memref<4096xi32, #tpu.memory_space<vmem>>, vector<16xi32>,
      %lt3A_1225 = arith.constant 3 : i32
      %lt3A_1226 = vector.broadcast %lt3A_1225 : i32 to vector<16xi32>
      %lt3A_1227 = arith.cmpi slt, %get3A_1224, %lt3A_1226 : vector<16xi32>
      %jit3A_1228 = arith.constant 1 : i32
      %jit3A_1229 = arith.constant 0 : i32
      %broadcast_in_dim3A_1230 = vector.broadcast %jit3A_1228 : i32 to vector<16xi32>
      %broadcast_in_dim3A_1231 = vector.broadcast %jit3A_1229 : i32 to vector<16xi32>
      %select_n3A_1232 = arith.select %lt3A_1227, %broadcast_in_dim3A_1230, %broadcast_in_dim3A_1231 : vector<16xi1>, vector<16xi32>
      %mul3A_1233 = arith.constant 4 : i32
      %mul3A_1234 = arith.muli %mul3A_1233, %scan3A_1196 : i32
      %add3A_1235 = arith.constant 2 : i32
      %add3A_1236 = arith.addi %mul3A_1234, %add3A_1235 : i32
      %mul3A_1237 = arith.constant 16 : i32
      %mul3A_1238 = arith.muli %add3A_1236, %mul3A_1237 : i32
      %add3A_1239 = arith.constant 0 : i32
      %add3A_1240 = arith.addi %add3A_1239, %mul3A_1238 : i32
      %get3A_1241 = arith.index_cast %add3A_1240 : i32 to index
      %get3A_1242 = tpu.vector_load %arg5[%get3A_1241] {strides = array<i32>} : memref<4096xi32, #tpu.memory_space<vmem>>, vector<16xi32>,
      %lt3A_1243 = arith.constant 3 : i32
      %lt3A_1244 = vector.broadcast %lt3A_1243 : i32 to vector<16xi32>
      %lt3A_1245 = arith.cmpi slt, %get3A_1242, %lt3A_1244 : vector<16xi32>
      %jit3A_1246 = arith.constant 1 : i32
      %jit3A_1247 = arith.constant 0 : i32
      %broadcast_in_dim3A_1248 = vector.broadcast %jit3A_1246 : i32 to vector<16xi32>
      %broadcast_in_dim3A_1249 = vector.broadcast %jit3A_1247 : i32 to vector<16xi32>
      %select_n3A_1250 = arith.select %lt3A_1245, %broadcast_in_dim3A_1248, %broadcast_in_dim3A_1249 : vector<16xi1>, vector<16xi32>
      %mul3A_1251 = arith.constant 4 : i32
      %mul3A_1252 = arith.muli %mul3A_1251, %scan3A_1196 : i32
      %add3A_1253 = arith.constant 3 : i32
      %add3A_1254 = arith.addi %mul3A_1252, %add3A_1253 : i32
      %mul3A_1255 = arith.constant 16 : i32
      %mul3A_1256 = arith.muli %add3A_1254, %mul3A_1255 : i32
      %add3A_1257 = arith.constant 0 : i32
      %add3A_1258 = arith.addi %add3A_1257, %mul3A_1256 : i32
      %get3A_1259 = arith.index_cast %add3A_1258 : i32 to index
      %get3A_1260 = tpu.vector_load %arg5[%get3A_1259] {strides = array<i32>} : memref<4096xi32, #tpu.memory_space<vmem>>, vector<16xi32>,
      %lt3A_1261 = arith.constant 3 : i32
      %lt3A_1262 = vector.broadcast %lt3A_1261 : i32 to vector<16xi32>
      %lt3A_1263 = arith.cmpi slt, %get3A_1260, %lt3A_1262 : vector<16xi32>
      %jit3A_1264 = arith.constant 1 : i32
      %jit3A_1265 = arith.constant 0 : i32
      %broadcast_in_dim3A_1266 = vector.broadcast %jit3A_1264 : i32 to vector<16xi32>
      %broadcast_in_dim3A_1267 = vector.broadcast %jit3A_1265 : i32 to vector<16xi32>
      %select_n3A_1268 = arith.select %lt3A_1263, %broadcast_in_dim3A_1266, %broadcast_in_dim3A_1267 : vector<16xi1>, vector<16xi32>
      %add3A_1269 = arith.addi %select_n3A_1214, %select_n3A_1232 : vector<16xi32>
      %add3A_1270 = arith.addi %select_n3A_1250, %select_n3A_1268 : vector<16xi32>
      %add3A_1271 = arith.addi %add3A_1269, %add3A_1270 : vector<16xi32>
      %add3A_1272 = arith.addi %scan3A_1197, %add3A_1271 : vector<16xi32>
      scf.yield %add3A_1272 : vector<16xi32>
    }
    %scan3A_105 = arith.constant 32 : i32
    %reduce_sum3A = arith.constant true
    %reduce_sum3A_106 = vector.broadcast %reduce_sum3A : i1 to vector<16xi1>
    %reduce_sum3A_107 = tpu.scan <sum>, %scan3A_104 masked %reduce_sum3A_106 : vector<16xi32>, vector<16xi1> -> vector<16xi32>
    %reduce_sum3A_108 = vector.extract %reduce_sum3A_107[15] : i32 from vector<16xi32>
    %broadcast_in_dim3A_109 = arith.constant 0 : i32
    %broadcast_in_dim3A_110 = vector.broadcast %broadcast_in_dim3A_109 : i32 to vector<16xi32>
    %scan3A_111 = arith.constant 0 : i32
    %scan3A_112 = arith.constant 32 : i32
    %scan3A_113 = arith.addi %scan3A_111, %scan3A_112 : i32
    %scan3A_114 = arith.constant 1 : i32
    %scan3A_115 = scf.for %scan3A_1196 = %scan3A_111 to %scan3A_113 step %scan3A_114 iter_args(%scan3A_1197 = %broadcast_in_dim3A_110) -> (vector<16xi32>)  : i32 {
      %mul3A_1198 = arith.constant 4 : i32
      %mul3A_1199 = arith.muli %mul3A_1198, %scan3A_1196 : i32
      %add3A_1200 = arith.constant 0 : i32
      %add3A_1201 = arith.addi %mul3A_1199, %add3A_1200 : i32
      %mul3A_1202 = arith.constant 16 : i32
      %mul3A_1203 = arith.muli %add3A_1201, %mul3A_1202 : i32
      %add3A_1204 = arith.constant 2048 : i32
      %add3A_1205 = arith.addi %add3A_1204, %mul3A_1203 : i32
      %get3A = arith.index_cast %add3A_1205 : i32 to index
      %get3A_1206 = tpu.vector_load %arg5[%get3A] {strides = array<i32>} : memref<4096xi32, #tpu.memory_space<vmem>>, vector<16xi32>,
      %lt3A_1207 = arith.constant 3 : i32
      %lt3A_1208 = vector.broadcast %lt3A_1207 : i32 to vector<16xi32>
      %lt3A_1209 = arith.cmpi slt, %get3A_1206, %lt3A_1208 : vector<16xi32>
      %jit3A_1210 = arith.constant 1 : i32
      %jit3A_1211 = arith.constant 0 : i32
      %broadcast_in_dim3A_1212 = vector.broadcast %jit3A_1210 : i32 to vector<16xi32>
      %broadcast_in_dim3A_1213 = vector.broadcast %jit3A_1211 : i32 to vector<16xi32>
      %select_n3A_1214 = arith.select %lt3A_1209, %broadcast_in_dim3A_1212, %broadcast_in_dim3A_1213 : vector<16xi1>, vector<16xi32>
      %mul3A_1215 = arith.constant 4 : i32
      %mul3A_1216 = arith.muli %mul3A_1215, %scan3A_1196 : i32
      %add3A_1217 = arith.constant 1 : i32
      %add3A_1218 = arith.addi %mul3A_1216, %add3A_1217 : i32
      %mul3A_1219 = arith.constant 16 : i32
      %mul3A_1220 = arith.muli %add3A_1218, %mul3A_1219 : i32
      %add3A_1221 = arith.constant 2048 : i32
      %add3A_1222 = arith.addi %add3A_1221, %mul3A_1220 : i32
      %get3A_1223 = arith.index_cast %add3A_1222 : i32 to index
      %get3A_1224 = tpu.vector_load %arg5[%get3A_1223] {strides = array<i32>} : memref<4096xi32, #tpu.memory_space<vmem>>, vector<16xi32>,
      %lt3A_1225 = arith.constant 3 : i32
      %lt3A_1226 = vector.broadcast %lt3A_1225 : i32 to vector<16xi32>
      %lt3A_1227 = arith.cmpi slt, %get3A_1224, %lt3A_1226 : vector<16xi32>
      %jit3A_1228 = arith.constant 1 : i32
      %jit3A_1229 = arith.constant 0 : i32
      %broadcast_in_dim3A_1230 = vector.broadcast %jit3A_1228 : i32 to vector<16xi32>
      %broadcast_in_dim3A_1231 = vector.broadcast %jit3A_1229 : i32 to vector<16xi32>
      %select_n3A_1232 = arith.select %lt3A_1227, %broadcast_in_dim3A_1230, %broadcast_in_dim3A_1231 : vector<16xi1>, vector<16xi32>
      %mul3A_1233 = arith.constant 4 : i32
      %mul3A_1234 = arith.muli %mul3A_1233, %scan3A_1196 : i32
      %add3A_1235 = arith.constant 2 : i32
      %add3A_1236 = arith.addi %mul3A_1234, %add3A_1235 : i32
      %mul3A_1237 = arith.constant 16 : i32
      %mul3A_1238 = arith.muli %add3A_1236, %mul3A_1237 : i32
      %add3A_1239 = arith.constant 2048 : i32
      %add3A_1240 = arith.addi %add3A_1239, %mul3A_1238 : i32
      %get3A_1241 = arith.index_cast %add3A_1240 : i32 to index
      %get3A_1242 = tpu.vector_load %arg5[%get3A_1241] {strides = array<i32>} : memref<4096xi32, #tpu.memory_space<vmem>>, vector<16xi32>,
      %lt3A_1243 = arith.constant 3 : i32
      %lt3A_1244 = vector.broadcast %lt3A_1243 : i32 to vector<16xi32>
      %lt3A_1245 = arith.cmpi slt, %get3A_1242, %lt3A_1244 : vector<16xi32>
      %jit3A_1246 = arith.constant 1 : i32
      %jit3A_1247 = arith.constant 0 : i32
      %broadcast_in_dim3A_1248 = vector.broadcast %jit3A_1246 : i32 to vector<16xi32>
      %broadcast_in_dim3A_1249 = vector.broadcast %jit3A_1247 : i32 to vector<16xi32>
      %select_n3A_1250 = arith.select %lt3A_1245, %broadcast_in_dim3A_1248, %broadcast_in_dim3A_1249 : vector<16xi1>, vector<16xi32>
      %mul3A_1251 = arith.constant 4 : i32
      %mul3A_1252 = arith.muli %mul3A_1251, %scan3A_1196 : i32
      %add3A_1253 = arith.constant 3 : i32
      %add3A_1254 = arith.addi %mul3A_1252, %add3A_1253 : i32
      %mul3A_1255 = arith.constant 16 : i32
      %mul3A_1256 = arith.muli %add3A_1254, %mul3A_1255 : i32
      %add3A_1257 = arith.constant 2048 : i32
      %add3A_1258 = arith.addi %add3A_1257, %mul3A_1256 : i32
      %get3A_1259 = arith.index_cast %add3A_1258 : i32 to index
      %get3A_1260 = tpu.vector_load %arg5[%get3A_1259] {strides = array<i32>} : memref<4096xi32, #tpu.memory_space<vmem>>, vector<16xi32>,
      %lt3A_1261 = arith.constant 3 : i32
      %lt3A_1262 = vector.broadcast %lt3A_1261 : i32 to vector<16xi32>
      %lt3A_1263 = arith.cmpi slt, %get3A_1260, %lt3A_1262 : vector<16xi32>
      %jit3A_1264 = arith.constant 1 : i32
      %jit3A_1265 = arith.constant 0 : i32
      %broadcast_in_dim3A_1266 = vector.broadcast %jit3A_1264 : i32 to vector<16xi32>
      %broadcast_in_dim3A_1267 = vector.broadcast %jit3A_1265 : i32 to vector<16xi32>
      %select_n3A_1268 = arith.select %lt3A_1263, %broadcast_in_dim3A_1266, %broadcast_in_dim3A_1267 : vector<16xi1>, vector<16xi32>
      %add3A_1269 = arith.addi %select_n3A_1214, %select_n3A_1232 : vector<16xi32>
      %add3A_1270 = arith.addi %select_n3A_1250, %select_n3A_1268 : vector<16xi32>
      %add3A_1271 = arith.addi %add3A_1269, %add3A_1270 : vector<16xi32>
      %add3A_1272 = arith.addi %scan3A_1197, %add3A_1271 : vector<16xi32>
      scf.yield %add3A_1272 : vector<16xi32>
    }
    %scan3A_116 = arith.constant 32 : i32
    %reduce_sum3A_117 = arith.constant true
    %reduce_sum3A_118 = vector.broadcast %reduce_sum3A_117 : i1 to vector<16xi1>
    %reduce_sum3A_119 = tpu.scan <sum>, %scan3A_115 masked %reduce_sum3A_118 : vector<16xi32>, vector<16xi1> -> vector<16xi32>
    %reduce_sum3A_120 = vector.extract %reduce_sum3A_119[15] : i32 from vector<16xi32>
    %mul3A_121 = arith.muli %select_n3A_30, %reduce_sum3A_108 : i32
    %add3A_122 = arith.addi %mul3A_32, %mul3A_121 : i32
    %add3A_123 = arith.addi %reduce_sum3A_108, %reduce_sum3A_120 : i32
    %add3A_124 = arith.addi %mul3A_32, %add3A_123 : i32
    %sub3A_125 = arith.constant 2048 : i32
    %sub3A_126 = arith.subi %sub3A_125, %reduce_sum3A_108 : i32
    %mul3A_127 = arith.muli %select_n3A_30, %sub3A_126 : i32
    %add3A_128 = arith.addi %add3A_124, %mul3A_127 : i32
    %iota3A = tpu.iota {dimensions = array<i32: 0>} : vector<16xi32>
    %scan3A_129 = arith.constant 0 : i32
    %scan3A_130 = arith.constant 0 : i32
    %scan3A_131 = arith.constant 8 : i32
    %scan3A_132 = arith.addi %scan3A_130, %scan3A_131 : i32
    %scan3A_133 = arith.constant 1 : i32
    %scan3A_134 = scf.for %scan3A_1196 = %scan3A_130 to %scan3A_132 step %scan3A_133 iter_args(%scan3A_1197 = %scan3A_129) -> (i32)  : i32 {
      %mul3A_1198 = arith.constant 2048 : i32
      %mul3A_1199 = arith.muli %select_n3A_30, %mul3A_1198 : i32
      %add3A_1200 = arith.constant 0 : i32
      %add3A_1201 = arith.addi %mul3A_1199, %add3A_1200 : i32
      %mul3A_1202 = arith.constant 16 : i32
      %mul3A_1203 = arith.muli %scan3A_1196, %mul3A_1202 : i32
      %add3A_1204 = arith.addi %add3A_1201, %mul3A_1203 : i32
      %get3A = arith.index_cast %add3A_1204 : i32 to index
      %get3A_1205 = tpu.vector_load %arg5[%get3A] {strides = array<i32>} : memref<4096xi32, #tpu.memory_space<vmem>>, vector<16xi32>,
      %lt3A_1206 = arith.constant 3 : i32
      %lt3A_1207 = vector.broadcast %lt3A_1206 : i32 to vector<16xi32>
      %lt3A_1208 = arith.cmpi slt, %get3A_1205, %lt3A_1207 : vector<16xi32>
      %jit3A_1209 = arith.constant 1 : i32
      %jit3A_1210 = arith.constant 0 : i32
      %broadcast_in_dim3A_1211 = vector.broadcast %jit3A_1209 : i32 to vector<16xi32>
      %broadcast_in_dim3A_1212 = vector.broadcast %jit3A_1210 : i32 to vector<16xi32>
      %select_n3A_1213 = arith.select %lt3A_1208, %broadcast_in_dim3A_1211, %broadcast_in_dim3A_1212 : vector<16xi1>, vector<16xi32>
      %broadcast_in_dim3A_1214 = arith.constant true
      %broadcast_in_dim3A_1215 = vector.broadcast %broadcast_in_dim3A_1214 : i1 to vector<16xi1>
      %masked_cumsum3A = tpu.scan <sum>, %select_n3A_1213 masked %broadcast_in_dim3A_1215 : vector<16xi32>, vector<16xi1> -> vector<16xi32>
      %mul3A_1216 = arith.constant 16 : i32
      %mul3A_1217 = arith.muli %scan3A_1196, %mul3A_1216 : i32
      %add3A_1218 = arith.constant 0 : i32
      %add3A_1219 = arith.addi %add3A_1218, %mul3A_1217 : i32
      %add3A_1220 = vector.broadcast %add3A_1219 : i32 to vector<16xi32>
      %add3A_1221 = arith.addi %iota3A, %add3A_1220 : vector<16xi32>
      %add3A_1222 = vector.broadcast %scan3A_1197 : i32 to vector<16xi32>
      %add3A_1223 = arith.addi %add3A_1222, %masked_cumsum3A : vector<16xi32>
      %add3A_1224 = vector.broadcast %add3A_122 : i32 to vector<16xi32>
      %add3A_1225 = arith.addi %add3A_1224, %add3A_1223 : vector<16xi32>
      %sub3A_1226 = arith.constant 1 : i32
      %sub3A_1227 = vector.broadcast %sub3A_1226 : i32 to vector<16xi32>
      %sub3A_1228 = arith.subi %add3A_1225, %sub3A_1227 : vector<16xi32>
      %add3A_1229 = vector.broadcast %add3A_128 : i32 to vector<16xi32>
      %add3A_1230 = arith.addi %add3A_1229, %add3A_1221 : vector<16xi32>
      %sub3A_1231 = arith.subi %add3A_1230, %add3A_1223 : vector<16xi32>
      %select_n3A_1232 = arith.select %lt3A_1208, %sub3A_1228, %sub3A_1231 : vector<16xi1>, vector<16xi32>
      %mul3A_1233 = arith.constant 16 : i32
      %mul3A_1234 = arith.muli %scan3A_1196, %mul3A_1233 : i32
      %swap3A = arith.constant 0 : i32
      %swap3A_1235 = arith.index_cast %swap3A : i32 to index
      %swap3A_1236 = arith.index_cast %mul3A_1234 : i32 to index
      %swap3A_1237 = tpu.vector_load %arg6[%swap3A_1235, %swap3A_1236] {strides = array<i32>} : memref<16x128xi32, #tpu.memory_space<vmem>>, vector<16xi32>,
      tpu.vector_store %arg6[%swap3A_1235, %swap3A_1236], %select_n3A_1232 {strides = array<i32>} : memref<16x128xi32, #tpu.memory_space<vmem>>, vector<16xi32>,
      %reduce_sum3A_1238 = arith.constant true
      %reduce_sum3A_1239 = vector.broadcast %reduce_sum3A_1238 : i1 to vector<16xi1>
      %reduce_sum3A_1240 = tpu.scan <sum>, %select_n3A_1213 masked %reduce_sum3A_1239 : vector<16xi32>, vector<16xi1> -> vector<16xi32>
      %reduce_sum3A_1241 = vector.extract %reduce_sum3A_1240[15] : i32 from vector<16xi32>
      %add3A_1242 = arith.addi %scan3A_1197, %reduce_sum3A_1241 : i32
      scf.yield %add3A_1242 : i32
    }
    %scan3A_135 = arith.constant 8 : i32
    %dma_wait3A_136 = arith.constant 0 : i32
    %dma_wait3A_137 = arith.constant 0 : i32
    %dma_wait3A_138 = arith.constant 0 : i32
    %dma_wait3A_139 = arith.constant 0 : i32
    %dma_wait3A_140 = tpu.memref_slice %arg7[%dma_wait3A_136, %dma_wait3A_138, %dma_wait3A_139] : memref<6x128x128xf32, #tpu.memory_space<vmem>> -> memref<1x128x128xf32, #tpu.memory_space<vmem>>
    %dma_wait3A_141 = tpu.memref_squeeze %dma_wait3A_140 : memref<1x128x128xf32, #tpu.memory_space<vmem>> -> memref<128x128xf32, #tpu.memory_space<vmem>>
    %dma_wait3A_142 = arith.constant 0 : i32
    %dma_wait3A_143 = tpu.memref_slice %arg2[%add3A_42, %dma_wait3A_142] : memref<65536x128xf32, #tpu.memory_space<hbm>> -> memref<128x128xf32, #tpu.memory_space<hbm>>
    %dma_wait3A_144 = tpu.memref_slice %arg8[%dma_wait3A_137] : memref<6x!tpu.dma_semaphore, #tpu.memory_space<semaphore_mem>> -> memref<1x!tpu.dma_semaphore, #tpu.memory_space<semaphore_mem>>
    %dma_wait3A_145 = tpu.memref_squeeze %dma_wait3A_144 : memref<1x!tpu.dma_semaphore, #tpu.memory_space<semaphore_mem>> -> memref<!tpu.dma_semaphore, #tpu.memory_space<semaphore_mem>>
    %dma_wait3A_146 = arith.constant 0 : i32
    %dma_wait3A_147 = arith.constant 0 : i32
    %dma_wait3A_148 = tpu.memref_slice %arg7[%dma_wait3A_136, %dma_wait3A_146, %dma_wait3A_147] : memref<6x128x128xf32, #tpu.memory_space<vmem>> -> memref<1x128x128xf32, #tpu.memory_space<vmem>>
    %dma_wait3A_149 = tpu.memref_squeeze %dma_wait3A_148 : memref<1x128x128xf32, #tpu.memory_space<vmem>> -> memref<128x128xf32, #tpu.memory_space<vmem>>
    %dma_wait3A_150 = arith.constant 0 : i32
    %dma_wait3A_151 = tpu.memref_slice %arg2[%add3A_42, %dma_wait3A_150] : memref<65536x128xf32, #tpu.memory_space<hbm>> -> memref<128x128xf32, #tpu.memory_space<hbm>>
    tpu.wait_dma2 semaphore(%dma_wait3A_145 : memref<!tpu.dma_semaphore, #tpu.memory_space<semaphore_mem>>) src(%dma_wait3A_151 : memref<128x128xf32, #tpu.memory_space<hbm>>) dst(%dma_wait3A_149 : memref<128x128xf32, #tpu.memory_space<vmem>>)
    %dma_start3A_152 = arith.constant 0 : i32
    %dma_start3A_153 = arith.constant 0 : i32
    %dma_start3A_154 = arith.constant 0 : i32
    %dma_start3A_155 = arith.constant 0 : i32
    %dma_start3A_156 = arith.constant 0 : i32
    %dma_start3A_157 = tpu.memref_slice %arg7[%dma_start3A_152, %dma_start3A_155, %dma_start3A_156] : memref<6x128x128xf32, #tpu.memory_space<vmem>> -> memref<1x128x128xf32, #tpu.memory_space<vmem>>
    %dma_start3A_158 = tpu.memref_squeeze %dma_start3A_157 : memref<1x128x128xf32, #tpu.memory_space<vmem>> -> memref<128x128xf32, #tpu.memory_space<vmem>>
    %dma_start3A_159 = arith.constant 0 : i32
    %dma_start3A_160 = tpu.memref_slice %arg6[%dma_start3A_153, %dma_start3A_159] : memref<16x128xi32, #tpu.memory_space<vmem>> -> memref<1x128xi32, #tpu.memory_space<vmem>>
    %dma_start3A_161 = tpu.memref_squeeze %dma_start3A_160 : memref<1x128xi32, #tpu.memory_space<vmem>> -> memref<128xi32, #tpu.memory_space<vmem>>
    %dma_start3A_162 = arith.constant 0 : i32
    %dma_start3A_163 = arith.constant 0 : i32
    %dma_start3A_164 = tpu.memref_slice %arg4[%dma_start3A_162, %dma_start3A_163] : memref<65536x128xf32, #tpu.memory_space<hbm>> -> memref<65536x128xf32, #tpu.memory_space<hbm>>
    %dma_start3A_165 = tpu.memref_slice %arg9[%dma_start3A_154] : memref<6x!tpu.dma_semaphore, #tpu.memory_space<semaphore_mem>> -> memref<1x!tpu.dma_semaphore, #tpu.memory_space<semaphore_mem>>
    %dma_start3A_166 = tpu.memref_squeeze %dma_start3A_165 : memref<1x!tpu.dma_semaphore, #tpu.memory_space<semaphore_mem>> -> memref<!tpu.dma_semaphore, #tpu.memory_space<semaphore_mem>>
    tpu.enqueue_indirect_dma source(%dma_start3A_158 : memref<128x128xf32, #tpu.memory_space<vmem>>) target(%dma_start3A_164 : memref<65536x128xf32, #tpu.memory_space<hbm>>) offsets(%dma_start3A_161 : memref<128xi32, #tpu.memory_space<vmem>>) semaphore(%dma_start3A_166 : memref<!tpu.dma_semaphore, #tpu.memory_space<semaphore_mem>>)
    %add3A_167 = arith.constant 384 : i32
    %add3A_168 = arith.addi %add3A_35, %add3A_167 : i32
    %dma_start3A_169 = arith.constant 3 : i32
    %dma_start3A_170 = arith.constant 3 : i32
    %dma_start3A_171 = arith.constant 0 : i32
    %dma_start3A_172 = arith.constant 0 : i32
    %dma_start3A_173 = tpu.memref_slice %arg7[%dma_start3A_169, %dma_start3A_171, %dma_start3A_172] : memref<6x128x128xf32, #tpu.memory_space<vmem>> -> memref<1x128x128xf32, #tpu.memory_space<vmem>>
    %dma_start3A_174 = tpu.memref_squeeze %dma_start3A_173 : memref<1x128x128xf32, #tpu.memory_space<vmem>> -> memref<128x128xf32, #tpu.memory_space<vmem>>
    %dma_start3A_175 = arith.constant 0 : i32
    %dma_start3A_176 = tpu.memref_slice %arg2[%add3A_168, %dma_start3A_175] : memref<65536x128xf32, #tpu.memory_space<hbm>> -> memref<128x128xf32, #tpu.memory_space<hbm>>
    %dma_start3A_177 = tpu.memref_slice %arg8[%dma_start3A_170] : memref<6x!tpu.dma_semaphore, #tpu.memory_space<semaphore_mem>> -> memref<1x!tpu.dma_semaphore, #tpu.memory_space<semaphore_mem>>
    %dma_start3A_178 = tpu.memref_squeeze %dma_start3A_177 : memref<1x!tpu.dma_semaphore, #tpu.memory_space<semaphore_mem>> -> memref<!tpu.dma_semaphore, #tpu.memory_space<semaphore_mem>>
    %dma_start3A_179 = arith.constant 0 : i32
    %dma_start3A_180 = arith.constant 0 : i32
    %dma_start3A_181 = tpu.memref_slice %arg7[%dma_start3A_169, %dma_start3A_179, %dma_start3A_180] : memref<6x128x128xf32, #tpu.memory_space<vmem>> -> memref<1x128x128xf32, #tpu.memory_space<vmem>>
    %dma_start3A_182 = tpu.memref_squeeze %dma_start3A_181 : memref<1x128x128xf32, #tpu.memory_space<vmem>> -> memref<128x128xf32, #tpu.memory_space<vmem>>
    %dma_start3A_183 = arith.constant 0 : i32
    %dma_start3A_184 = tpu.memref_slice %arg2[%add3A_168, %dma_start3A_183] : memref<65536x128xf32, #tpu.memory_space<hbm>> -> memref<128x128xf32, #tpu.memory_space<hbm>>
    tpu.enqueue_dma source(%dma_start3A_184 : memref<128x128xf32, #tpu.memory_space<hbm>>) target(%dma_start3A_182 : memref<128x128xf32, #tpu.memory_space<vmem>>) target_semaphore(%dma_start3A_178 : memref<!tpu.dma_semaphore, #tpu.memory_space<semaphore_mem>>)
    %scan3A_185 = arith.constant 0 : i32
    %scan3A_186 = arith.constant 8 : i32
    %scan3A_187 = arith.addi %scan3A_185, %scan3A_186 : i32
    %scan3A_188 = arith.constant 1 : i32
    %scan3A_189 = scf.for %scan3A_1196 = %scan3A_185 to %scan3A_187 step %scan3A_188 iter_args(%scan3A_1197 = %scan3A_134) -> (i32)  : i32 {
      %mul3A_1198 = arith.constant 2048 : i32
      %mul3A_1199 = arith.muli %select_n3A_30, %mul3A_1198 : i32
      %add3A_1200 = arith.constant 128 : i32
      %add3A_1201 = arith.addi %mul3A_1199, %add3A_1200 : i32
      %mul3A_1202 = arith.constant 16 : i32
      %mul3A_1203 = arith.muli %scan3A_1196, %mul3A_1202 : i32
      %add3A_1204 = arith.addi %add3A_1201, %mul3A_1203 : i32
      %get3A = arith.index_cast %add3A_1204 : i32 to index
      %get3A_1205 = tpu.vector_load %arg5[%get3A] {strides = array<i32>} : memref<4096xi32, #tpu.memory_space<vmem>>, vector<16xi32>,
      %lt3A_1206 = arith.constant 3 : i32
      %lt3A_1207 = vector.broadcast %lt3A_1206 : i32 to vector<16xi32>
      %lt3A_1208 = arith.cmpi slt, %get3A_1205, %lt3A_1207 : vector<16xi32>
      %jit3A_1209 = arith.constant 1 : i32
      %jit3A_1210 = arith.constant 0 : i32
      %broadcast_in_dim3A_1211 = vector.broadcast %jit3A_1209 : i32 to vector<16xi32>
      %broadcast_in_dim3A_1212 = vector.broadcast %jit3A_1210 : i32 to vector<16xi32>
      %select_n3A_1213 = arith.select %lt3A_1208, %broadcast_in_dim3A_1211, %broadcast_in_dim3A_1212 : vector<16xi1>, vector<16xi32>
      %broadcast_in_dim3A_1214 = arith.constant true
      %broadcast_in_dim3A_1215 = vector.broadcast %broadcast_in_dim3A_1214 : i1 to vector<16xi1>
      %masked_cumsum3A = tpu.scan <sum>, %select_n3A_1213 masked %broadcast_in_dim3A_1215 : vector<16xi32>, vector<16xi1> -> vector<16xi32>
      %mul3A_1216 = arith.constant 16 : i32
      %mul3A_1217 = arith.muli %scan3A_1196, %mul3A_1216 : i32
      %add3A_1218 = arith.constant 128 : i32
      %add3A_1219 = arith.addi %add3A_1218, %mul3A_1217 : i32
      %add3A_1220 = vector.broadcast %add3A_1219 : i32 to vector<16xi32>
      %add3A_1221 = arith.addi %iota3A, %add3A_1220 : vector<16xi32>
      %add3A_1222 = vector.broadcast %scan3A_1197 : i32 to vector<16xi32>
      %add3A_1223 = arith.addi %add3A_1222, %masked_cumsum3A : vector<16xi32>
      %add3A_1224 = vector.broadcast %add3A_122 : i32 to vector<16xi32>
      %add3A_1225 = arith.addi %add3A_1224, %add3A_1223 : vector<16xi32>
      %sub3A_1226 = arith.constant 1 : i32
      %sub3A_1227 = vector.broadcast %sub3A_1226 : i32 to vector<16xi32>
      %sub3A_1228 = arith.subi %add3A_1225, %sub3A_1227 : vector<16xi32>
      %add3A_1229 = vector.broadcast %add3A_128 : i32 to vector<16xi32>
      %add3A_1230 = arith.addi %add3A_1229, %add3A_1221 : vector<16xi32>
      %sub3A_1231 = arith.subi %add3A_1230, %add3A_1223 : vector<16xi32>
      %select_n3A_1232 = arith.select %lt3A_1208, %sub3A_1228, %sub3A_1231 : vector<16xi1>, vector<16xi32>
      %mul3A_1233 = arith.constant 16 : i32
      %mul3A_1234 = arith.muli %scan3A_1196, %mul3A_1233 : i32
      %swap3A = arith.constant 1 : i32
      %swap3A_1235 = arith.index_cast %swap3A : i32 to index
      %swap3A_1236 = arith.index_cast %mul3A_1234 : i32 to index
      %swap3A_1237 = tpu.vector_load %arg6[%swap3A_1235, %swap3A_1236] {strides = array<i32>} : memref<16x128xi32, #tpu.memory_space<vmem>>, vector<16xi32>,
      tpu.vector_store %arg6[%swap3A_1235, %swap3A_1236], %select_n3A_1232 {strides = array<i32>} : memref<16x128xi32, #tpu.memory_space<vmem>>, vector<16xi32>,
      %reduce_sum3A_1238 = arith.constant true
      %reduce_sum3A_1239 = vector.broadcast %reduce_sum3A_1238 : i1 to vector<16xi1>
      %reduce_sum3A_1240 = tpu.scan <sum>, %select_n3A_1213 masked %reduce_sum3A_1239 : vector<16xi32>, vector<16xi1> -> vector<16xi32>
      %reduce_sum3A_1241 = vector.extract %reduce_sum3A_1240[15] : i32 from vector<16xi32>
      %add3A_1242 = arith.addi %scan3A_1197, %reduce_sum3A_1241 : i32
      scf.yield %add3A_1242 : i32
    }
    %scan3A_190 = arith.constant 8 : i32
    %dma_wait3A_191 = arith.constant 1 : i32
    %dma_wait3A_192 = arith.constant 1 : i32
    %dma_wait3A_193 = arith.constant 0 : i32
    %dma_wait3A_194 = arith.constant 0 : i32
    %dma_wait3A_195 = tpu.memref_slice %arg7[%dma_wait3A_191, %dma_wait3A_193, %dma_wait3A_194] : memref<6x128x128xf32, #tpu.memory_space<vmem>> -> memref<1x128x128xf32, #tpu.memory_space<vmem>>
    %dma_wait3A_196 = tpu.memref_squeeze %dma_wait3A_195 : memref<1x128x128xf32, #tpu.memory_space<vmem>> -> memref<128x128xf32, #tpu.memory_space<vmem>>
    %dma_wait3A_197 = arith.constant 0 : i32
    %dma_wait3A_198 = tpu.memref_slice %arg2[%add3A_60, %dma_wait3A_197] : memref<65536x128xf32, #tpu.memory_space<hbm>> -> memref<128x128xf32, #tpu.memory_space<hbm>>
    %dma_wait3A_199 = tpu.memref_slice %arg8[%dma_wait3A_192] : memref<6x!tpu.dma_semaphore, #tpu.memory_space<semaphore_mem>> -> memref<1x!tpu.dma_semaphore, #tpu.memory_space<semaphore_mem>>
    %dma_wait3A_200 = tpu.memref_squeeze %dma_wait3A_199 : memref<1x!tpu.dma_semaphore, #tpu.memory_space<semaphore_mem>> -> memref<!tpu.dma_semaphore, #tpu.memory_space<semaphore_mem>>
    %dma_wait3A_201 = arith.constant 0 : i32
    %dma_wait3A_202 = arith.constant 0 : i32
    %dma_wait3A_203 = tpu.memref_slice %arg7[%dma_wait3A_191, %dma_wait3A_201, %dma_wait3A_202] : memref<6x128x128xf32, #tpu.memory_space<vmem>> -> memref<1x128x128xf32, #tpu.memory_space<vmem>>
    %dma_wait3A_204 = tpu.memref_squeeze %dma_wait3A_203 : memref<1x128x128xf32, #tpu.memory_space<vmem>> -> memref<128x128xf32, #tpu.memory_space<vmem>>
    %dma_wait3A_205 = arith.constant 0 : i32
    %dma_wait3A_206 = tpu.memref_slice %arg2[%add3A_60, %dma_wait3A_205] : memref<65536x128xf32, #tpu.memory_space<hbm>> -> memref<128x128xf32, #tpu.memory_space<hbm>>
    tpu.wait_dma2 semaphore(%dma_wait3A_200 : memref<!tpu.dma_semaphore, #tpu.memory_space<semaphore_mem>>) src(%dma_wait3A_206 : memref<128x128xf32, #tpu.memory_space<hbm>>) dst(%dma_wait3A_204 : memref<128x128xf32, #tpu.memory_space<vmem>>)
    %dma_start3A_207 = arith.constant 1 : i32
    %dma_start3A_208 = arith.constant 1 : i32
    %dma_start3A_209 = arith.constant 1 : i32
    %dma_start3A_210 = arith.constant 0 : i32
    %dma_start3A_211 = arith.constant 0 : i32
    %dma_start3A_212 = tpu.memref_slice %arg7[%dma_start3A_207, %dma_start3A_210, %dma_start3A_211] : memref<6x128x128xf32, #tpu.memory_space<vmem>> -> memref<1x128x128xf32, #tpu.memory_space<vmem>>
    %dma_start3A_213 = tpu.memref_squeeze %dma_start3A_212 : memref<1x128x128xf32, #tpu.memory_space<vmem>> -> memref<128x128xf32, #tpu.memory_space<vmem>>
    %dma_start3A_214 = arith.constant 0 : i32
    %dma_start3A_215 = tpu.memref_slice %arg6[%dma_start3A_208, %dma_start3A_214] : memref<16x128xi32, #tpu.memory_space<vmem>> -> memref<1x128xi32, #tpu.memory_space<vmem>>
    %dma_start3A_216 = tpu.memref_squeeze %dma_start3A_215 : memref<1x128xi32, #tpu.memory_space<vmem>> -> memref<128xi32, #tpu.memory_space<vmem>>
    %dma_start3A_217 = arith.constant 0 : i32
    %dma_start3A_218 = arith.constant 0 : i32
    %dma_start3A_219 = tpu.memref_slice %arg4[%dma_start3A_217, %dma_start3A_218] : memref<65536x128xf32, #tpu.memory_space<hbm>> -> memref<65536x128xf32, #tpu.memory_space<hbm>>
    %dma_start3A_220 = tpu.memref_slice %arg9[%dma_start3A_209] : memref<6x!tpu.dma_semaphore, #tpu.memory_space<semaphore_mem>> -> memref<1x!tpu.dma_semaphore, #tpu.memory_space<semaphore_mem>>
    %dma_start3A_221 = tpu.memref_squeeze %dma_start3A_220 : memref<1x!tpu.dma_semaphore, #tpu.memory_space<semaphore_mem>> -> memref<!tpu.dma_semaphore, #tpu.memory_space<semaphore_mem>>
    tpu.enqueue_indirect_dma source(%dma_start3A_213 : memref<128x128xf32, #tpu.memory_space<vmem>>) target(%dma_start3A_219 : memref<65536x128xf32, #tpu.memory_space<hbm>>) offsets(%dma_start3A_216 : memref<128xi32, #tpu.memory_space<vmem>>) semaphore(%dma_start3A_221 : memref<!tpu.dma_semaphore, #tpu.memory_space<semaphore_mem>>)
    %add3A_222 = arith.constant 512 : i32
    %add3A_223 = arith.addi %add3A_35, %add3A_222 : i32
    %dma_start3A_224 = arith.constant 4 : i32
    %dma_start3A_225 = arith.constant 4 : i32
    %dma_start3A_226 = arith.constant 0 : i32
    %dma_start3A_227 = arith.constant 0 : i32
    %dma_start3A_228 = tpu.memref_slice %arg7[%dma_start3A_224, %dma_start3A_226, %dma_start3A_227] : memref<6x128x128xf32, #tpu.memory_space<vmem>> -> memref<1x128x128xf32, #tpu.memory_space<vmem>>
    %dma_start3A_229 = tpu.memref_squeeze %dma_start3A_228 : memref<1x128x128xf32, #tpu.memory_space<vmem>> -> memref<128x128xf32, #tpu.memory_space<vmem>>
    %dma_start3A_230 = arith.constant 0 : i32
    %dma_start3A_231 = tpu.memref_slice %arg2[%add3A_223, %dma_start3A_230] : memref<65536x128xf32, #tpu.memory_space<hbm>> -> memref<128x128xf32, #tpu.memory_space<hbm>>
    %dma_start3A_232 = tpu.memref_slice %arg8[%dma_start3A_225] : memref<6x!tpu.dma_semaphore, #tpu.memory_space<semaphore_mem>> -> memref<1x!tpu.dma_semaphore, #tpu.memory_space<semaphore_mem>>
    %dma_start3A_233 = tpu.memref_squeeze %dma_start3A_232 : memref<1x!tpu.dma_semaphore, #tpu.memory_space<semaphore_mem>> -> memref<!tpu.dma_semaphore, #tpu.memory_space<semaphore_mem>>
    %dma_start3A_234 = arith.constant 0 : i32
    %dma_start3A_235 = arith.constant 0 : i32
    %dma_start3A_236 = tpu.memref_slice %arg7[%dma_start3A_224, %dma_start3A_234, %dma_start3A_235] : memref<6x128x128xf32, #tpu.memory_space<vmem>> -> memref<1x128x128xf32, #tpu.memory_space<vmem>>
    %dma_start3A_237 = tpu.memref_squeeze %dma_start3A_236 : memref<1x128x128xf32, #tpu.memory_space<vmem>> -> memref<128x128xf32, #tpu.memory_space<vmem>>
    %dma_start3A_238 = arith.constant 0 : i32
    %dma_start3A_239 = tpu.memref_slice %arg2[%add3A_223, %dma_start3A_238] : memref<65536x128xf32, #tpu.memory_space<hbm>> -> memref<128x128xf32, #tpu.memory_space<hbm>>
    tpu.enqueue_dma source(%dma_start3A_239 : memref<128x128xf32, #tpu.memory_space<hbm>>) target(%dma_start3A_237 : memref<128x128xf32, #tpu.memory_space<vmem>>) target_semaphore(%dma_start3A_233 : memref<!tpu.dma_semaphore, #tpu.memory_space<semaphore_mem>>)
    %scan3A_240 = arith.constant 0 : i32
    %scan3A_241 = arith.constant 8 : i32
    %scan3A_242 = arith.addi %scan3A_240, %scan3A_241 : i32
    %scan3A_243 = arith.constant 1 : i32
    %scan3A_244 = scf.for %scan3A_1196 = %scan3A_240 to %scan3A_242 step %scan3A_243 iter_args(%scan3A_1197 = %scan3A_189) -> (i32)  : i32 {
      %mul3A_1198 = arith.constant 2048 : i32
      %mul3A_1199 = arith.muli %select_n3A_30, %mul3A_1198 : i32
      %add3A_1200 = arith.constant 256 : i32
      %add3A_1201 = arith.addi %mul3A_1199, %add3A_1200 : i32
      %mul3A_1202 = arith.constant 16 : i32
      %mul3A_1203 = arith.muli %scan3A_1196, %mul3A_1202 : i32
      %add3A_1204 = arith.addi %add3A_1201, %mul3A_1203 : i32
      %get3A = arith.index_cast %add3A_1204 : i32 to index
      %get3A_1205 = tpu.vector_load %arg5[%get3A] {strides = array<i32>} : memref<4096xi32, #tpu.memory_space<vmem>>, vector<16xi32>,
      %lt3A_1206 = arith.constant 3 : i32
      %lt3A_1207 = vector.broadcast %lt3A_1206 : i32 to vector<16xi32>
      %lt3A_1208 = arith.cmpi slt, %get3A_1205, %lt3A_1207 : vector<16xi32>
      %jit3A_1209 = arith.constant 1 : i32
      %jit3A_1210 = arith.constant 0 : i32
      %broadcast_in_dim3A_1211 = vector.broadcast %jit3A_1209 : i32 to vector<16xi32>
      %broadcast_in_dim3A_1212 = vector.broadcast %jit3A_1210 : i32 to vector<16xi32>
      %select_n3A_1213 = arith.select %lt3A_1208, %broadcast_in_dim3A_1211, %broadcast_in_dim3A_1212 : vector<16xi1>, vector<16xi32>
      %broadcast_in_dim3A_1214 = arith.constant true
      %broadcast_in_dim3A_1215 = vector.broadcast %broadcast_in_dim3A_1214 : i1 to vector<16xi1>
      %masked_cumsum3A = tpu.scan <sum>, %select_n3A_1213 masked %broadcast_in_dim3A_1215 : vector<16xi32>, vector<16xi1> -> vector<16xi32>
      %mul3A_1216 = arith.constant 16 : i32
      %mul3A_1217 = arith.muli %scan3A_1196, %mul3A_1216 : i32
      %add3A_1218 = arith.constant 256 : i32
      %add3A_1219 = arith.addi %add3A_1218, %mul3A_1217 : i32
      %add3A_1220 = vector.broadcast %add3A_1219 : i32 to vector<16xi32>
      %add3A_1221 = arith.addi %iota3A, %add3A_1220 : vector<16xi32>
      %add3A_1222 = vector.broadcast %scan3A_1197 : i32 to vector<16xi32>
      %add3A_1223 = arith.addi %add3A_1222, %masked_cumsum3A : vector<16xi32>
      %add3A_1224 = vector.broadcast %add3A_122 : i32 to vector<16xi32>
      %add3A_1225 = arith.addi %add3A_1224, %add3A_1223 : vector<16xi32>
      %sub3A_1226 = arith.constant 1 : i32
      %sub3A_1227 = vector.broadcast %sub3A_1226 : i32 to vector<16xi32>
      %sub3A_1228 = arith.subi %add3A_1225, %sub3A_1227 : vector<16xi32>
      %add3A_1229 = vector.broadcast %add3A_128 : i32 to vector<16xi32>
      %add3A_1230 = arith.addi %add3A_1229, %add3A_1221 : vector<16xi32>
      %sub3A_1231 = arith.subi %add3A_1230, %add3A_1223 : vector<16xi32>
      %select_n3A_1232 = arith.select %lt3A_1208, %sub3A_1228, %sub3A_1231 : vector<16xi1>, vector<16xi32>
      %mul3A_1233 = arith.constant 16 : i32
      %mul3A_1234 = arith.muli %scan3A_1196, %mul3A_1233 : i32
      %swap3A = arith.constant 2 : i32
      %swap3A_1235 = arith.index_cast %swap3A : i32 to index
      %swap3A_1236 = arith.index_cast %mul3A_1234 : i32 to index
      %swap3A_1237 = tpu.vector_load %arg6[%swap3A_1235, %swap3A_1236] {strides = array<i32>} : memref<16x128xi32, #tpu.memory_space<vmem>>, vector<16xi32>,
      tpu.vector_store %arg6[%swap3A_1235, %swap3A_1236], %select_n3A_1232 {strides = array<i32>} : memref<16x128xi32, #tpu.memory_space<vmem>>, vector<16xi32>,
      %reduce_sum3A_1238 = arith.constant true
      %reduce_sum3A_1239 = vector.broadcast %reduce_sum3A_1238 : i1 to vector<16xi1>
      %reduce_sum3A_1240 = tpu.scan <sum>, %select_n3A_1213 masked %reduce_sum3A_1239 : vector<16xi32>, vector<16xi1> -> vector<16xi32>
      %reduce_sum3A_1241 = vector.extract %reduce_sum3A_1240[15] : i32 from vector<16xi32>
      %add3A_1242 = arith.addi %scan3A_1197, %reduce_sum3A_1241 : i32
      scf.yield %add3A_1242 : i32
    }
    %scan3A_245 = arith.constant 8 : i32
    %dma_wait3A_246 = arith.constant 2 : i32
    %dma_wait3A_247 = arith.constant 2 : i32
    %dma_wait3A_248 = arith.constant 0 : i32
    %dma_wait3A_249 = arith.constant 0 : i32
    %dma_wait3A_250 = tpu.memref_slice %arg7[%dma_wait3A_246, %dma_wait3A_248, %dma_wait3A_249] : memref<6x128x128xf32, #tpu.memory_space<vmem>> -> memref<1x128x128xf32, #tpu.memory_space<vmem>>
    %dma_wait3A_251 = tpu.memref_squeeze %dma_wait3A_250 : memref<1x128x128xf32, #tpu.memory_space<vmem>> -> memref<128x128xf32, #tpu.memory_space<vmem>>
    %dma_wait3A_252 = arith.constant 0 : i32
    %dma_wait3A_253 = tpu.memref_slice %arg2[%add3A_78, %dma_wait3A_252] : memref<65536x128xf32, #tpu.memory_space<hbm>> -> memref<128x128xf32, #tpu.memory_space<hbm>>
    %dma_wait3A_254 = tpu.memref_slice %arg8[%dma_wait3A_247] : memref<6x!tpu.dma_semaphore, #tpu.memory_space<semaphore_mem>> -> memref<1x!tpu.dma_semaphore, #tpu.memory_space<semaphore_mem>>
    %dma_wait3A_255 = tpu.memref_squeeze %dma_wait3A_254 : memref<1x!tpu.dma_semaphore, #tpu.memory_space<semaphore_mem>> -> memref<!tpu.dma_semaphore, #tpu.memory_space<semaphore_mem>>
    %dma_wait3A_256 = arith.constant 0 : i32
    %dma_wait3A_257 = arith.constant 0 : i32
    %dma_wait3A_258 = tpu.memref_slice %arg7[%dma_wait3A_246, %dma_wait3A_256, %dma_wait3A_257] : memref<6x128x128xf32, #tpu.memory_space<vmem>> -> memref<1x128x128xf32, #tpu.memory_space<vmem>>
    %dma_wait3A_259 = tpu.memref_squeeze %dma_wait3A_258 : memref<1x128x128xf32, #tpu.memory_space<vmem>> -> memref<128x128xf32, #tpu.memory_space<vmem>>
    %dma_wait3A_260 = arith.constant 0 : i32
    %dma_wait3A_261 = tpu.memref_slice %arg2[%add3A_78, %dma_wait3A_260] : memref<65536x128xf32, #tpu.memory_space<hbm>> -> memref<128x128xf32, #tpu.memory_space<hbm>>
    tpu.wait_dma2 semaphore(%dma_wait3A_255 : memref<!tpu.dma_semaphore, #tpu.memory_space<semaphore_mem>>) src(%dma_wait3A_261 : memref<128x128xf32, #tpu.memory_space<hbm>>) dst(%dma_wait3A_259 : memref<128x128xf32, #tpu.memory_space<vmem>>)
    %dma_start3A_262 = arith.constant 2 : i32
    %dma_start3A_263 = arith.constant 2 : i32
    %dma_start3A_264 = arith.constant 2 : i32
    %dma_start3A_265 = arith.constant 0 : i32
    %dma_start3A_266 = arith.constant 0 : i32
    %dma_start3A_267 = tpu.memref_slice %arg7[%dma_start3A_262, %dma_start3A_265, %dma_start3A_266] : memref<6x128x128xf32, #tpu.memory_space<vmem>> -> memref<1x128x128xf32, #tpu.memory_space<vmem>>
    %dma_start3A_268 = tpu.memref_squeeze %dma_start3A_267 : memref<1x128x128xf32, #tpu.memory_space<vmem>> -> memref<128x128xf32, #tpu.memory_space<vmem>>
    %dma_start3A_269 = arith.constant 0 : i32
    %dma_start3A_270 = tpu.memref_slice %arg6[%dma_start3A_263, %dma_start3A_269] : memref<16x128xi32, #tpu.memory_space<vmem>> -> memref<1x128xi32, #tpu.memory_space<vmem>>
    %dma_start3A_271 = tpu.memref_squeeze %dma_start3A_270 : memref<1x128xi32, #tpu.memory_space<vmem>> -> memref<128xi32, #tpu.memory_space<vmem>>
    %dma_start3A_272 = arith.constant 0 : i32
    %dma_start3A_273 = arith.constant 0 : i32
    %dma_start3A_274 = tpu.memref_slice %arg4[%dma_start3A_272, %dma_start3A_273] : memref<65536x128xf32, #tpu.memory_space<hbm>> -> memref<65536x128xf32, #tpu.memory_space<hbm>>
    %dma_start3A_275 = tpu.memref_slice %arg9[%dma_start3A_264] : memref<6x!tpu.dma_semaphore, #tpu.memory_space<semaphore_mem>> -> memref<1x!tpu.dma_semaphore, #tpu.memory_space<semaphore_mem>>
    %dma_start3A_276 = tpu.memref_squeeze %dma_start3A_275 : memref<1x!tpu.dma_semaphore, #tpu.memory_space<semaphore_mem>> -> memref<!tpu.dma_semaphore, #tpu.memory_space<semaphore_mem>>
    tpu.enqueue_indirect_dma source(%dma_start3A_268 : memref<128x128xf32, #tpu.memory_space<vmem>>) target(%dma_start3A_274 : memref<65536x128xf32, #tpu.memory_space<hbm>>) offsets(%dma_start3A_271 : memref<128xi32, #tpu.memory_space<vmem>>) semaphore(%dma_start3A_276 : memref<!tpu.dma_semaphore, #tpu.memory_space<semaphore_mem>>)
    %add3A_277 = arith.constant 640 : i32
    %add3A_278 = arith.addi %add3A_35, %add3A_277 : i32
    %dma_start3A_279 = arith.constant 5 : i32
    %dma_start3A_280 = arith.constant 5 : i32
    %dma_start3A_281 = arith.constant 0 : i32
    %dma_start3A_282 = arith.constant 0 : i32
    %dma_start3A_283 = tpu.memref_slice %arg7[%dma_start3A_279, %dma_start3A_281, %dma_start3A_282] : memref<6x128x128xf32, #tpu.memory_space<vmem>> -> memref<1x128x128xf32, #tpu.memory_space<vmem>>
    %dma_start3A_284 = tpu.memref_squeeze %dma_start3A_283 : memref<1x128x128xf32, #tpu.memory_space<vmem>> -> memref<128x128xf32, #tpu.memory_space<vmem>>
    %dma_start3A_285 = arith.constant 0 : i32
    %dma_start3A_286 = tpu.memref_slice %arg2[%add3A_278, %dma_start3A_285] : memref<65536x128xf32, #tpu.memory_space<hbm>> -> memref<128x128xf32, #tpu.memory_space<hbm>>
    %dma_start3A_287 = tpu.memref_slice %arg8[%dma_start3A_280] : memref<6x!tpu.dma_semaphore, #tpu.memory_space<semaphore_mem>> -> memref<1x!tpu.dma_semaphore, #tpu.memory_space<semaphore_mem>>
    %dma_start3A_288 = tpu.memref_squeeze %dma_start3A_287 : memref<1x!tpu.dma_semaphore, #tpu.memory_space<semaphore_mem>> -> memref<!tpu.dma_semaphore, #tpu.memory_space<semaphore_mem>>
    %dma_start3A_289 = arith.constant 0 : i32
    %dma_start3A_290 = arith.constant 0 : i32
    %dma_start3A_291 = tpu.memref_slice %arg7[%dma_start3A_279, %dma_start3A_289, %dma_start3A_290] : memref<6x128x128xf32, #tpu.memory_space<vmem>> -> memref<1x128x128xf32, #tpu.memory_space<vmem>>
    %dma_start3A_292 = tpu.memref_squeeze %dma_start3A_291 : memref<1x128x128xf32, #tpu.memory_space<vmem>> -> memref<128x128xf32, #tpu.memory_space<vmem>>
    %dma_start3A_293 = arith.constant 0 : i32
    %dma_start3A_294 = tpu.memref_slice %arg2[%add3A_278, %dma_start3A_293] : memref<65536x128xf32, #tpu.memory_space<hbm>> -> memref<128x128xf32, #tpu.memory_space<hbm>>
    tpu.enqueue_dma source(%dma_start3A_294 : memref<128x128xf32, #tpu.memory_space<hbm>>) target(%dma_start3A_292 : memref<128x128xf32, #tpu.memory_space<vmem>>) target_semaphore(%dma_start3A_288 : memref<!tpu.dma_semaphore, #tpu.memory_space<semaphore_mem>>)
    %scan3A_295 = arith.constant 0 : i32
    %scan3A_296 = arith.constant 8 : i32
    %scan3A_297 = arith.addi %scan3A_295, %scan3A_296 : i32
    %scan3A_298 = arith.constant 1 : i32
    %scan3A_299 = scf.for %scan3A_1196 = %scan3A_295 to %scan3A_297 step %scan3A_298 iter_args(%scan3A_1197 = %scan3A_244) -> (i32)  : i32 {
      %mul3A_1198 = arith.constant 2048 : i32
      %mul3A_1199 = arith.muli %select_n3A_30, %mul3A_1198 : i32
      %add3A_1200 = arith.constant 384 : i32
      %add3A_1201 = arith.addi %mul3A_1199, %add3A_1200 : i32
      %mul3A_1202 = arith.constant 16 : i32
      %mul3A_1203 = arith.muli %scan3A_1196, %mul3A_1202 : i32
      %add3A_1204 = arith.addi %add3A_1201, %mul3A_1203 : i32
      %get3A = arith.index_cast %add3A_1204 : i32 to index
      %get3A_1205 = tpu.vector_load %arg5[%get3A] {strides = array<i32>} : memref<4096xi32, #tpu.memory_space<vmem>>, vector<16xi32>,
      %lt3A_1206 = arith.constant 3 : i32
      %lt3A_1207 = vector.broadcast %lt3A_1206 : i32 to vector<16xi32>
      %lt3A_1208 = arith.cmpi slt, %get3A_1205, %lt3A_1207 : vector<16xi32>
      %jit3A_1209 = arith.constant 1 : i32
      %jit3A_1210 = arith.constant 0 : i32
      %broadcast_in_dim3A_1211 = vector.broadcast %jit3A_1209 : i32 to vector<16xi32>
      %broadcast_in_dim3A_1212 = vector.broadcast %jit3A_1210 : i32 to vector<16xi32>
      %select_n3A_1213 = arith.select %lt3A_1208, %broadcast_in_dim3A_1211, %broadcast_in_dim3A_1212 : vector<16xi1>, vector<16xi32>
      %broadcast_in_dim3A_1214 = arith.constant true
      %broadcast_in_dim3A_1215 = vector.broadcast %broadcast_in_dim3A_1214 : i1 to vector<16xi1>
      %masked_cumsum3A = tpu.scan <sum>, %select_n3A_1213 masked %broadcast_in_dim3A_1215 : vector<16xi32>, vector<16xi1> -> vector<16xi32>
      %mul3A_1216 = arith.constant 16 : i32
      %mul3A_1217 = arith.muli %scan3A_1196, %mul3A_1216 : i32
      %add3A_1218 = arith.constant 384 : i32
      %add3A_1219 = arith.addi %add3A_1218, %mul3A_1217 : i32
      %add3A_1220 = vector.broadcast %add3A_1219 : i32 to vector<16xi32>
      %add3A_1221 = arith.addi %iota3A, %add3A_1220 : vector<16xi32>
      %add3A_1222 = vector.broadcast %scan3A_1197 : i32 to vector<16xi32>
      %add3A_1223 = arith.addi %add3A_1222, %masked_cumsum3A : vector<16xi32>
      %add3A_1224 = vector.broadcast %add3A_122 : i32 to vector<16xi32>
      %add3A_1225 = arith.addi %add3A_1224, %add3A_1223 : vector<16xi32>
      %sub3A_1226 = arith.constant 1 : i32
      %sub3A_1227 = vector.broadcast %sub3A_1226 : i32 to vector<16xi32>
      %sub3A_1228 = arith.subi %add3A_1225, %sub3A_1227 : vector<16xi32>
      %add3A_1229 = vector.broadcast %add3A_128 : i32 to vector<16xi32>
      %add3A_1230 = arith.addi %add3A_1229, %add3A_1221 : vector<16xi32>
      %sub3A_1231 = arith.subi %add3A_1230, %add3A_1223 : vector<16xi32>
      %select_n3A_1232 = arith.select %lt3A_1208, %sub3A_1228, %sub3A_1231 : vector<16xi1>, vector<16xi32>
      %mul3A_1233 = arith.constant 16 : i32
      %mul3A_1234 = arith.muli %scan3A_1196, %mul3A_1233 : i32
      %swap3A = arith.constant 3 : i32
      %swap3A_1235 = arith.index_cast %swap3A : i32 to index
      %swap3A_1236 = arith.index_cast %mul3A_1234 : i32 to index
      %swap3A_1237 = tpu.vector_load %arg6[%swap3A_1235, %swap3A_1236] {strides = array<i32>} : memref<16x128xi32, #tpu.memory_space<vmem>>, vector<16xi32>,
      tpu.vector_store %arg6[%swap3A_1235, %swap3A_1236], %select_n3A_1232 {strides = array<i32>} : memref<16x128xi32, #tpu.memory_space<vmem>>, vector<16xi32>,
      %reduce_sum3A_1238 = arith.constant true
      %reduce_sum3A_1239 = vector.broadcast %reduce_sum3A_1238 : i1 to vector<16xi1>
      %reduce_sum3A_1240 = tpu.scan <sum>, %select_n3A_1213 masked %reduce_sum3A_1239 : vector<16xi32>, vector<16xi1> -> vector<16xi32>
      %reduce_sum3A_1241 = vector.extract %reduce_sum3A_1240[15] : i32 from vector<16xi32>
      %add3A_1242 = arith.addi %scan3A_1197, %reduce_sum3A_1241 : i32
      scf.yield %add3A_1242 : i32
    }
    %scan3A_300 = arith.constant 8 : i32
    %dma_wait3A_301 = arith.constant 3 : i32
    %dma_wait3A_302 = arith.constant 3 : i32
    %dma_wait3A_303 = arith.constant 0 : i32
    %dma_wait3A_304 = arith.constant 0 : i32
    %dma_wait3A_305 = tpu.memref_slice %arg7[%dma_wait3A_301, %dma_wait3A_303, %dma_wait3A_304] : memref<6x128x128xf32, #tpu.memory_space<vmem>> -> memref<1x128x128xf32, #tpu.memory_space<vmem>>
    %dma_wait3A_306 = tpu.memref_squeeze %dma_wait3A_305 : memref<1x128x128xf32, #tpu.memory_space<vmem>> -> memref<128x128xf32, #tpu.memory_space<vmem>>
    %dma_wait3A_307 = arith.constant 0 : i32
    %dma_wait3A_308 = tpu.memref_slice %arg2[%add3A_168, %dma_wait3A_307] : memref<65536x128xf32, #tpu.memory_space<hbm>> -> memref<128x128xf32, #tpu.memory_space<hbm>>
    %dma_wait3A_309 = tpu.memref_slice %arg8[%dma_wait3A_302] : memref<6x!tpu.dma_semaphore, #tpu.memory_space<semaphore_mem>> -> memref<1x!tpu.dma_semaphore, #tpu.memory_space<semaphore_mem>>
    %dma_wait3A_310 = tpu.memref_squeeze %dma_wait3A_309 : memref<1x!tpu.dma_semaphore, #tpu.memory_space<semaphore_mem>> -> memref<!tpu.dma_semaphore, #tpu.memory_space<semaphore_mem>>
    %dma_wait3A_311 = arith.constant 0 : i32
    %dma_wait3A_312 = arith.constant 0 : i32
    %dma_wait3A_313 = tpu.memref_slice %arg7[%dma_wait3A_301, %dma_wait3A_311, %dma_wait3A_312] : memref<6x128x128xf32, #tpu.memory_space<vmem>> -> memref<1x128x128xf32, #tpu.memory_space<vmem>>
    %dma_wait3A_314 = tpu.memref_squeeze %dma_wait3A_313 : memref<1x128x128xf32, #tpu.memory_space<vmem>> -> memref<128x128xf32, #tpu.memory_space<vmem>>
    %dma_wait3A_315 = arith.constant 0 : i32
    %dma_wait3A_316 = tpu.memref_slice %arg2[%add3A_168, %dma_wait3A_315] : memref<65536x128xf32, #tpu.memory_space<hbm>> -> memref<128x128xf32, #tpu.memory_space<hbm>>
    tpu.wait_dma2 semaphore(%dma_wait3A_310 : memref<!tpu.dma_semaphore, #tpu.memory_space<semaphore_mem>>) src(%dma_wait3A_316 : memref<128x128xf32, #tpu.memory_space<hbm>>) dst(%dma_wait3A_314 : memref<128x128xf32, #tpu.memory_space<vmem>>)
    %dma_start3A_317 = arith.constant 3 : i32
    %dma_start3A_318 = arith.constant 3 : i32
    %dma_start3A_319 = arith.constant 3 : i32
    %dma_start3A_320 = arith.constant 0 : i32
    %dma_start3A_321 = arith.constant 0 : i32
    %dma_start3A_322 = tpu.memref_slice %arg7[%dma_start3A_317, %dma_start3A_320, %dma_start3A_321] : memref<6x128x128xf32, #tpu.memory_space<vmem>> -> memref<1x128x128xf32, #tpu.memory_space<vmem>>
    %dma_start3A_323 = tpu.memref_squeeze %dma_start3A_322 : memref<1x128x128xf32, #tpu.memory_space<vmem>> -> memref<128x128xf32, #tpu.memory_space<vmem>>
    %dma_start3A_324 = arith.constant 0 : i32
    %dma_start3A_325 = tpu.memref_slice %arg6[%dma_start3A_318, %dma_start3A_324] : memref<16x128xi32, #tpu.memory_space<vmem>> -> memref<1x128xi32, #tpu.memory_space<vmem>>
    %dma_start3A_326 = tpu.memref_squeeze %dma_start3A_325 : memref<1x128xi32, #tpu.memory_space<vmem>> -> memref<128xi32, #tpu.memory_space<vmem>>
    %dma_start3A_327 = arith.constant 0 : i32
    %dma_start3A_328 = arith.constant 0 : i32
    %dma_start3A_329 = tpu.memref_slice %arg4[%dma_start3A_327, %dma_start3A_328] : memref<65536x128xf32, #tpu.memory_space<hbm>> -> memref<65536x128xf32, #tpu.memory_space<hbm>>
    %dma_start3A_330 = tpu.memref_slice %arg9[%dma_start3A_319] : memref<6x!tpu.dma_semaphore, #tpu.memory_space<semaphore_mem>> -> memref<1x!tpu.dma_semaphore, #tpu.memory_space<semaphore_mem>>
    %dma_start3A_331 = tpu.memref_squeeze %dma_start3A_330 : memref<1x!tpu.dma_semaphore, #tpu.memory_space<semaphore_mem>> -> memref<!tpu.dma_semaphore, #tpu.memory_space<semaphore_mem>>
    tpu.enqueue_indirect_dma source(%dma_start3A_323 : memref<128x128xf32, #tpu.memory_space<vmem>>) target(%dma_start3A_329 : memref<65536x128xf32, #tpu.memory_space<hbm>>) offsets(%dma_start3A_326 : memref<128xi32, #tpu.memory_space<vmem>>) semaphore(%dma_start3A_331 : memref<!tpu.dma_semaphore, #tpu.memory_space<semaphore_mem>>)
    %dma_wait3A_332 = arith.constant 0 : i32
    %dma_wait3A_333 = arith.constant 0 : i32
    %dma_wait3A_334 = arith.constant 0 : i32
    %dma_wait3A_335 = arith.constant 0 : i32
    %dma_wait3A_336 = arith.constant 0 : i32
    %dma_wait3A_337 = tpu.memref_slice %arg7[%dma_wait3A_332, %dma_wait3A_335, %dma_wait3A_336] : memref<6x128x128xf32, #tpu.memory_space<vmem>> -> memref<1x128x128xf32, #tpu.memory_space<vmem>>
    %dma_wait3A_338 = tpu.memref_squeeze %dma_wait3A_337 : memref<1x128x128xf32, #tpu.memory_space<vmem>> -> memref<128x128xf32, #tpu.memory_space<vmem>>
    %dma_wait3A_339 = arith.constant 0 : i32
    %dma_wait3A_340 = tpu.memref_slice %arg6[%dma_wait3A_333, %dma_wait3A_339] : memref<16x128xi32, #tpu.memory_space<vmem>> -> memref<1x128xi32, #tpu.memory_space<vmem>>
    %dma_wait3A_341 = tpu.memref_squeeze %dma_wait3A_340 : memref<1x128xi32, #tpu.memory_space<vmem>> -> memref<128xi32, #tpu.memory_space<vmem>>
    %dma_wait3A_342 = arith.constant 0 : i32
    %dma_wait3A_343 = arith.constant 0 : i32
    %dma_wait3A_344 = tpu.memref_slice %arg4[%dma_wait3A_342, %dma_wait3A_343] : memref<65536x128xf32, #tpu.memory_space<hbm>> -> memref<65536x128xf32, #tpu.memory_space<hbm>>
    %dma_wait3A_345 = tpu.memref_slice %arg9[%dma_wait3A_334] : memref<6x!tpu.dma_semaphore, #tpu.memory_space<semaphore_mem>> -> memref<1x!tpu.dma_semaphore, #tpu.memory_space<semaphore_mem>>
    %dma_wait3A_346 = tpu.memref_squeeze %dma_wait3A_345 : memref<1x!tpu.dma_semaphore, #tpu.memory_space<semaphore_mem>> -> memref<!tpu.dma_semaphore, #tpu.memory_space<semaphore_mem>>
    tpu.wait_indirect_dma semaphore(%dma_wait3A_346 : memref<!tpu.dma_semaphore, #tpu.memory_space<semaphore_mem>>) src(%dma_wait3A_338 : memref<128x128xf32, #tpu.memory_space<vmem>>) dst(%dma_wait3A_344 : memref<65536x128xf32, #tpu.memory_space<hbm>>)
    %add3A_347 = arith.constant 768 : i32
    %add3A_348 = arith.addi %add3A_35, %add3A_347 : i32
    %dma_start3A_349 = arith.constant 0 : i32
    %dma_start3A_350 = arith.constant 0 : i32
    %dma_start3A_351 = arith.constant 0 : i32
    %dma_start3A_352 = arith.constant 0 : i32
    %dma_start3A_353 = tpu.memref_slice %arg7[%dma_start3A_349, %dma_start3A_351, %dma_start3A_352] : memref<6x128x128xf32, #tpu.memory_space<vmem>> -> memref<1x128x128xf32, #tpu.memory_space<vmem>>
    %dma_start3A_354 = tpu.memref_squeeze %dma_start3A_353 : memref<1x128x128xf32, #tpu.memory_space<vmem>> -> memref<128x128xf32, #tpu.memory_space<vmem>>
    %dma_start3A_355 = arith.constant 0 : i32
    %dma_start3A_356 = tpu.memref_slice %arg2[%add3A_348, %dma_start3A_355] : memref<65536x128xf32, #tpu.memory_space<hbm>> -> memref<128x128xf32, #tpu.memory_space<hbm>>
    %dma_start3A_357 = tpu.memref_slice %arg8[%dma_start3A_350] : memref<6x!tpu.dma_semaphore, #tpu.memory_space<semaphore_mem>> -> memref<1x!tpu.dma_semaphore, #tpu.memory_space<semaphore_mem>>
    %dma_start3A_358 = tpu.memref_squeeze %dma_start3A_357 : memref<1x!tpu.dma_semaphore, #tpu.memory_space<semaphore_mem>> -> memref<!tpu.dma_semaphore, #tpu.memory_space<semaphore_mem>>
    %dma_start3A_359 = arith.constant 0 : i32
    %dma_start3A_360 = arith.constant 0 : i32
    %dma_start3A_361 = tpu.memref_slice %arg7[%dma_start3A_349, %dma_start3A_359, %dma_start3A_360] : memref<6x128x128xf32, #tpu.memory_space<vmem>> -> memref<1x128x128xf32, #tpu.memory_space<vmem>>
    %dma_start3A_362 = tpu.memref_squeeze %dma_start3A_361 : memref<1x128x128xf32, #tpu.memory_space<vmem>> -> memref<128x128xf32, #tpu.memory_space<vmem>>
    %dma_start3A_363 = arith.constant 0 : i32
    %dma_start3A_364 = tpu.memref_slice %arg2[%add3A_348, %dma_start3A_363] : memref<65536x128xf32, #tpu.memory_space<hbm>> -> memref<128x128xf32, #tpu.memory_space<hbm>>
    tpu.enqueue_dma source(%dma_start3A_364 : memref<128x128xf32, #tpu.memory_space<hbm>>) target(%dma_start3A_362 : memref<128x128xf32, #tpu.memory_space<vmem>>) target_semaphore(%dma_start3A_358 : memref<!tpu.dma_semaphore, #tpu.memory_space<semaphore_mem>>)
    %scan3A_365 = arith.constant 0 : i32
    %scan3A_366 = arith.constant 8 : i32
    %scan3A_367 = arith.addi %scan3A_365, %scan3A_366 : i32
    %scan3A_368 = arith.constant 1 : i32
    %scan3A_369 = scf.for %scan3A_1196 = %scan3A_365 to %scan3A_367 step %scan3A_368 iter_args(%scan3A_1197 = %scan3A_299) -> (i32)  : i32 {
      %mul3A_1198 = arith.constant 2048 : i32
      %mul3A_1199 = arith.muli %select_n3A_30, %mul3A_1198 : i32
      %add3A_1200 = arith.constant 512 : i32
      %add3A_1201 = arith.addi %mul3A_1199, %add3A_1200 : i32
      %mul3A_1202 = arith.constant 16 : i32
      %mul3A_1203 = arith.muli %scan3A_1196, %mul3A_1202 : i32
      %add3A_1204 = arith.addi %add3A_1201, %mul3A_1203 : i32
      %get3A = arith.index_cast %add3A_1204 : i32 to index
      %get3A_1205 = tpu.vector_load %arg5[%get3A] {strides = array<i32>} : memref<4096xi32, #tpu.memory_space<vmem>>, vector<16xi32>,
      %lt3A_1206 = arith.constant 3 : i32
      %lt3A_1207 = vector.broadcast %lt3A_1206 : i32 to vector<16xi32>
      %lt3A_1208 = arith.cmpi slt, %get3A_1205, %lt3A_1207 : vector<16xi32>
      %jit3A_1209 = arith.constant 1 : i32
      %jit3A_1210 = arith.constant 0 : i32
      %broadcast_in_dim3A_1211 = vector.broadcast %jit3A_1209 : i32 to vector<16xi32>
      %broadcast_in_dim3A_1212 = vector.broadcast %jit3A_1210 : i32 to vector<16xi32>
      %select_n3A_1213 = arith.select %lt3A_1208, %broadcast_in_dim3A_1211, %broadcast_in_dim3A_1212 : vector<16xi1>, vector<16xi32>
      %broadcast_in_dim3A_1214 = arith.constant true
      %broadcast_in_dim3A_1215 = vector.broadcast %broadcast_in_dim3A_1214 : i1 to vector<16xi1>
      %masked_cumsum3A = tpu.scan <sum>, %select_n3A_1213 masked %broadcast_in_dim3A_1215 : vector<16xi32>, vector<16xi1> -> vector<16xi32>
      %mul3A_1216 = arith.constant 16 : i32
      %mul3A_1217 = arith.muli %scan3A_1196, %mul3A_1216 : i32
      %add3A_1218 = arith.constant 512 : i32
      %add3A_1219 = arith.addi %add3A_1218, %mul3A_1217 : i32
      %add3A_1220 = vector.broadcast %add3A_1219 : i32 to vector<16xi32>
      %add3A_1221 = arith.addi %iota3A, %add3A_1220 : vector<16xi32>
      %add3A_1222 = vector.broadcast %scan3A_1197 : i32 to vector<16xi32>
      %add3A_1223 = arith.addi %add3A_1222, %masked_cumsum3A : vector<16xi32>
      %add3A_1224 = vector.broadcast %add3A_122 : i32 to vector<16xi32>
      %add3A_1225 = arith.addi %add3A_1224, %add3A_1223 : vector<16xi32>
      %sub3A_1226 = arith.constant 1 : i32
      %sub3A_1227 = vector.broadcast %sub3A_1226 : i32 to vector<16xi32>
      %sub3A_1228 = arith.subi %add3A_1225, %sub3A_1227 : vector<16xi32>
      %add3A_1229 = vector.broadcast %add3A_128 : i32 to vector<16xi32>
      %add3A_1230 = arith.addi %add3A_1229, %add3A_1221 : vector<16xi32>
      %sub3A_1231 = arith.subi %add3A_1230, %add3A_1223 : vector<16xi32>
      %select_n3A_1232 = arith.select %lt3A_1208, %sub3A_1228, %sub3A_1231 : vector<16xi1>, vector<16xi32>
      %mul3A_1233 = arith.constant 16 : i32
      %mul3A_1234 = arith.muli %scan3A_1196, %mul3A_1233 : i32
      %swap3A = arith.constant 4 : i32
      %swap3A_1235 = arith.index_cast %swap3A : i32 to index
      %swap3A_1236 = arith.index_cast %mul3A_1234 : i32 to index
      %swap3A_1237 = tpu.vector_load %arg6[%swap3A_1235, %swap3A_1236] {strides = array<i32>} : memref<16x128xi32, #tpu.memory_space<vmem>>, vector<16xi32>,
      tpu.vector_store %arg6[%swap3A_1235, %swap3A_1236], %select_n3A_1232 {strides = array<i32>} : memref<16x128xi32, #tpu.memory_space<vmem>>, vector<16xi32>,
      %reduce_sum3A_1238 = arith.constant true
      %reduce_sum3A_1239 = vector.broadcast %reduce_sum3A_1238 : i1 to vector<16xi1>
      %reduce_sum3A_1240 = tpu.scan <sum>, %select_n3A_1213 masked %reduce_sum3A_1239 : vector<16xi32>, vector<16xi1> -> vector<16xi32>
      %reduce_sum3A_1241 = vector.extract %reduce_sum3A_1240[15] : i32 from vector<16xi32>
      %add3A_1242 = arith.addi %scan3A_1197, %reduce_sum3A_1241 : i32
      scf.yield %add3A_1242 : i32
    }
    %scan3A_370 = arith.constant 8 : i32
    %dma_wait3A_371 = arith.constant 4 : i32
    %dma_wait3A_372 = arith.constant 4 : i32
    %dma_wait3A_373 = arith.constant 0 : i32
    %dma_wait3A_374 = arith.constant 0 : i32
    %dma_wait3A_375 = tpu.memref_slice %arg7[%dma_wait3A_371, %dma_wait3A_373, %dma_wait3A_374] : memref<6x128x128xf32, #tpu.memory_space<vmem>> -> memref<1x128x128xf32, #tpu.memory_space<vmem>>
    %dma_wait3A_376 = tpu.memref_squeeze %dma_wait3A_375 : memref<1x128x128xf32, #tpu.memory_space<vmem>> -> memref<128x128xf32, #tpu.memory_space<vmem>>
    %dma_wait3A_377 = arith.constant 0 : i32
    %dma_wait3A_378 = tpu.memref_slice %arg2[%add3A_223, %dma_wait3A_377] : memref<65536x128xf32, #tpu.memory_space<hbm>> -> memref<128x128xf32, #tpu.memory_space<hbm>>
    %dma_wait3A_379 = tpu.memref_slice %arg8[%dma_wait3A_372] : memref<6x!tpu.dma_semaphore, #tpu.memory_space<semaphore_mem>> -> memref<1x!tpu.dma_semaphore, #tpu.memory_space<semaphore_mem>>
    %dma_wait3A_380 = tpu.memref_squeeze %dma_wait3A_379 : memref<1x!tpu.dma_semaphore, #tpu.memory_space<semaphore_mem>> -> memref<!tpu.dma_semaphore, #tpu.memory_space<semaphore_mem>>
    %dma_wait3A_381 = arith.constant 0 : i32
    %dma_wait3A_382 = arith.constant 0 : i32
    %dma_wait3A_383 = tpu.memref_slice %arg7[%dma_wait3A_371, %dma_wait3A_381, %dma_wait3A_382] : memref<6x128x128xf32, #tpu.memory_space<vmem>> -> memref<1x128x128xf32, #tpu.memory_space<vmem>>
    %dma_wait3A_384 = tpu.memref_squeeze %dma_wait3A_383 : memref<1x128x128xf32, #tpu.memory_space<vmem>> -> memref<128x128xf32, #tpu.memory_space<vmem>>
    %dma_wait3A_385 = arith.constant 0 : i32
    %dma_wait3A_386 = tpu.memref_slice %arg2[%add3A_223, %dma_wait3A_385] : memref<65536x128xf32, #tpu.memory_space<hbm>> -> memref<128x128xf32, #tpu.memory_space<hbm>>
    tpu.wait_dma2 semaphore(%dma_wait3A_380 : memref<!tpu.dma_semaphore, #tpu.memory_space<semaphore_mem>>) src(%dma_wait3A_386 : memref<128x128xf32, #tpu.memory_space<hbm>>) dst(%dma_wait3A_384 : memref<128x128xf32, #tpu.memory_space<vmem>>)
    %dma_start3A_387 = arith.constant 4 : i32
    %dma_start3A_388 = arith.constant 4 : i32
    %dma_start3A_389 = arith.constant 4 : i32
    %dma_start3A_390 = arith.constant 0 : i32
    %dma_start3A_391 = arith.constant 0 : i32
    %dma_start3A_392 = tpu.memref_slice %arg7[%dma_start3A_387, %dma_start3A_390, %dma_start3A_391] : memref<6x128x128xf32, #tpu.memory_space<vmem>> -> memref<1x128x128xf32, #tpu.memory_space<vmem>>
    %dma_start3A_393 = tpu.memref_squeeze %dma_start3A_392 : memref<1x128x128xf32, #tpu.memory_space<vmem>> -> memref<128x128xf32, #tpu.memory_space<vmem>>
    %dma_start3A_394 = arith.constant 0 : i32
    %dma_start3A_395 = tpu.memref_slice %arg6[%dma_start3A_388, %dma_start3A_394] : memref<16x128xi32, #tpu.memory_space<vmem>> -> memref<1x128xi32, #tpu.memory_space<vmem>>
    %dma_start3A_396 = tpu.memref_squeeze %dma_start3A_395 : memref<1x128xi32, #tpu.memory_space<vmem>> -> memref<128xi32, #tpu.memory_space<vmem>>
    %dma_start3A_397 = arith.constant 0 : i32
    %dma_start3A_398 = arith.constant 0 : i32
    %dma_start3A_399 = tpu.memref_slice %arg4[%dma_start3A_397, %dma_start3A_398] : memref<65536x128xf32, #tpu.memory_space<hbm>> -> memref<65536x128xf32, #tpu.memory_space<hbm>>
    %dma_start3A_400 = tpu.memref_slice %arg9[%dma_start3A_389] : memref<6x!tpu.dma_semaphore, #tpu.memory_space<semaphore_mem>> -> memref<1x!tpu.dma_semaphore, #tpu.memory_space<semaphore_mem>>
    %dma_start3A_401 = tpu.memref_squeeze %dma_start3A_400 : memref<1x!tpu.dma_semaphore, #tpu.memory_space<semaphore_mem>> -> memref<!tpu.dma_semaphore, #tpu.memory_space<semaphore_mem>>
    tpu.enqueue_indirect_dma source(%dma_start3A_393 : memref<128x128xf32, #tpu.memory_space<vmem>>) target(%dma_start3A_399 : memref<65536x128xf32, #tpu.memory_space<hbm>>) offsets(%dma_start3A_396 : memref<128xi32, #tpu.memory_space<vmem>>) semaphore(%dma_start3A_401 : memref<!tpu.dma_semaphore, #tpu.memory_space<semaphore_mem>>)
    %dma_wait3A_402 = arith.constant 1 : i32
    %dma_wait3A_403 = arith.constant 1 : i32
    %dma_wait3A_404 = arith.constant 1 : i32
    %dma_wait3A_405 = arith.constant 0 : i32
    %dma_wait3A_406 = arith.constant 0 : i32
    %dma_wait3A_407 = tpu.memref_slice %arg7[%dma_wait3A_402, %dma_wait3A_405, %dma_wait3A_406] : memref<6x128x128xf32, #tpu.memory_space<vmem>> -> memref<1x128x128xf32, #tpu.memory_space<vmem>>
    %dma_wait3A_408 = tpu.memref_squeeze %dma_wait3A_407 : memref<1x128x128xf32, #tpu.memory_space<vmem>> -> memref<128x128xf32, #tpu.memory_space<vmem>>
    %dma_wait3A_409 = arith.constant 0 : i32
    %dma_wait3A_410 = tpu.memref_slice %arg6[%dma_wait3A_403, %dma_wait3A_409] : memref<16x128xi32, #tpu.memory_space<vmem>> -> memref<1x128xi32, #tpu.memory_space<vmem>>
    %dma_wait3A_411 = tpu.memref_squeeze %dma_wait3A_410 : memref<1x128xi32, #tpu.memory_space<vmem>> -> memref<128xi32, #tpu.memory_space<vmem>>
    %dma_wait3A_412 = arith.constant 0 : i32
    %dma_wait3A_413 = arith.constant 0 : i32
    %dma_wait3A_414 = tpu.memref_slice %arg4[%dma_wait3A_412, %dma_wait3A_413] : memref<65536x128xf32, #tpu.memory_space<hbm>> -> memref<65536x128xf32, #tpu.memory_space<hbm>>
    %dma_wait3A_415 = tpu.memref_slice %arg9[%dma_wait3A_404] : memref<6x!tpu.dma_semaphore, #tpu.memory_space<semaphore_mem>> -> memref<1x!tpu.dma_semaphore, #tpu.memory_space<semaphore_mem>>
    %dma_wait3A_416 = tpu.memref_squeeze %dma_wait3A_415 : memref<1x!tpu.dma_semaphore, #tpu.memory_space<semaphore_mem>> -> memref<!tpu.dma_semaphore, #tpu.memory_space<semaphore_mem>>
    tpu.wait_indirect_dma semaphore(%dma_wait3A_416 : memref<!tpu.dma_semaphore, #tpu.memory_space<semaphore_mem>>) src(%dma_wait3A_408 : memref<128x128xf32, #tpu.memory_space<vmem>>) dst(%dma_wait3A_414 : memref<65536x128xf32, #tpu.memory_space<hbm>>)
    %add3A_417 = arith.constant 896 : i32
    %add3A_418 = arith.addi %add3A_35, %add3A_417 : i32
    %dma_start3A_419 = arith.constant 1 : i32
    %dma_start3A_420 = arith.constant 1 : i32
    %dma_start3A_421 = arith.constant 0 : i32
    %dma_start3A_422 = arith.constant 0 : i32
    %dma_start3A_423 = tpu.memref_slice %arg7[%dma_start3A_419, %dma_start3A_421, %dma_start3A_422] : memref<6x128x128xf32, #tpu.memory_space<vmem>> -> memref<1x128x128xf32, #tpu.memory_space<vmem>>
    %dma_start3A_424 = tpu.memref_squeeze %dma_start3A_423 : memref<1x128x128xf32, #tpu.memory_space<vmem>> -> memref<128x128xf32, #tpu.memory_space<vmem>>
    %dma_start3A_425 = arith.constant 0 : i32
    %dma_start3A_426 = tpu.memref_slice %arg2[%add3A_418, %dma_start3A_425] : memref<65536x128xf32, #tpu.memory_space<hbm>> -> memref<128x128xf32, #tpu.memory_space<hbm>>
    %dma_start3A_427 = tpu.memref_slice %arg8[%dma_start3A_420] : memref<6x!tpu.dma_semaphore, #tpu.memory_space<semaphore_mem>> -> memref<1x!tpu.dma_semaphore, #tpu.memory_space<semaphore_mem>>
    %dma_start3A_428 = tpu.memref_squeeze %dma_start3A_427 : memref<1x!tpu.dma_semaphore, #tpu.memory_space<semaphore_mem>> -> memref<!tpu.dma_semaphore, #tpu.memory_space<semaphore_mem>>
    %dma_start3A_429 = arith.constant 0 : i32
    %dma_start3A_430 = arith.constant 0 : i32
    %dma_start3A_431 = tpu.memref_slice %arg7[%dma_start3A_419, %dma_start3A_429, %dma_start3A_430] : memref<6x128x128xf32, #tpu.memory_space<vmem>> -> memref<1x128x128xf32, #tpu.memory_space<vmem>>
    %dma_start3A_432 = tpu.memref_squeeze %dma_start3A_431 : memref<1x128x128xf32, #tpu.memory_space<vmem>> -> memref<128x128xf32, #tpu.memory_space<vmem>>
    %dma_start3A_433 = arith.constant 0 : i32
    %dma_start3A_434 = tpu.memref_slice %arg2[%add3A_418, %dma_start3A_433] : memref<65536x128xf32, #tpu.memory_space<hbm>> -> memref<128x128xf32, #tpu.memory_space<hbm>>
    tpu.enqueue_dma source(%dma_start3A_434 : memref<128x128xf32, #tpu.memory_space<hbm>>) target(%dma_start3A_432 : memref<128x128xf32, #tpu.memory_space<vmem>>) target_semaphore(%dma_start3A_428 : memref<!tpu.dma_semaphore, #tpu.memory_space<semaphore_mem>>)
    %scan3A_435 = arith.constant 0 : i32
    %scan3A_436 = arith.constant 8 : i32
    %scan3A_437 = arith.addi %scan3A_435, %scan3A_436 : i32
    %scan3A_438 = arith.constant 1 : i32
    %scan3A_439 = scf.for %scan3A_1196 = %scan3A_435 to %scan3A_437 step %scan3A_438 iter_args(%scan3A_1197 = %scan3A_369) -> (i32)  : i32 {
      %mul3A_1198 = arith.constant 2048 : i32
      %mul3A_1199 = arith.muli %select_n3A_30, %mul3A_1198 : i32
      %add3A_1200 = arith.constant 640 : i32
      %add3A_1201 = arith.addi %mul3A_1199, %add3A_1200 : i32
      %mul3A_1202 = arith.constant 16 : i32
      %mul3A_1203 = arith.muli %scan3A_1196, %mul3A_1202 : i32
      %add3A_1204 = arith.addi %add3A_1201, %mul3A_1203 : i32
      %get3A = arith.index_cast %add3A_1204 : i32 to index
      %get3A_1205 = tpu.vector_load %arg5[%get3A] {strides = array<i32>} : memref<4096xi32, #tpu.memory_space<vmem>>, vector<16xi32>,
      %lt3A_1206 = arith.constant 3 : i32
      %lt3A_1207 = vector.broadcast %lt3A_1206 : i32 to vector<16xi32>
      %lt3A_1208 = arith.cmpi slt, %get3A_1205, %lt3A_1207 : vector<16xi32>
      %jit3A_1209 = arith.constant 1 : i32
      %jit3A_1210 = arith.constant 0 : i32
      %broadcast_in_dim3A_1211 = vector.broadcast %jit3A_1209 : i32 to vector<16xi32>
      %broadcast_in_dim3A_1212 = vector.broadcast %jit3A_1210 : i32 to vector<16xi32>
      %select_n3A_1213 = arith.select %lt3A_1208, %broadcast_in_dim3A_1211, %broadcast_in_dim3A_1212 : vector<16xi1>, vector<16xi32>
      %broadcast_in_dim3A_1214 = arith.constant true
      %broadcast_in_dim3A_1215 = vector.broadcast %broadcast_in_dim3A_1214 : i1 to vector<16xi1>
      %masked_cumsum3A = tpu.scan <sum>, %select_n3A_1213 masked %broadcast_in_dim3A_1215 : vector<16xi32>, vector<16xi1> -> vector<16xi32>
      %mul3A_1216 = arith.constant 16 : i32
      %mul3A_1217 = arith.muli %scan3A_1196, %mul3A_1216 : i32
      %add3A_1218 = arith.constant 640 : i32
      %add3A_1219 = arith.addi %add3A_1218, %mul3A_1217 : i32
      %add3A_1220 = vector.broadcast %add3A_1219 : i32 to vector<16xi32>
      %add3A_1221 = arith.addi %iota3A, %add3A_1220 : vector<16xi32>
      %add3A_1222 = vector.broadcast %scan3A_1197 : i32 to vector<16xi32>
      %add3A_1223 = arith.addi %add3A_1222, %masked_cumsum3A : vector<16xi32>
      %add3A_1224 = vector.broadcast %add3A_122 : i32 to vector<16xi32>
      %add3A_1225 = arith.addi %add3A_1224, %add3A_1223 : vector<16xi32>
      %sub3A_1226 = arith.constant 1 : i32
      %sub3A_1227 = vector.broadcast %sub3A_1226 : i32 to vector<16xi32>
      %sub3A_1228 = arith.subi %add3A_1225, %sub3A_1227 : vector<16xi32>
      %add3A_1229 = vector.broadcast %add3A_128 : i32 to vector<16xi32>
      %add3A_1230 = arith.addi %add3A_1229, %add3A_1221 : vector<16xi32>
      %sub3A_1231 = arith.subi %add3A_1230, %add3A_1223 : vector<16xi32>
      %select_n3A_1232 = arith.select %lt3A_1208, %sub3A_1228, %sub3A_1231 : vector<16xi1>, vector<16xi32>
      %mul3A_1233 = arith.constant 16 : i32
      %mul3A_1234 = arith.muli %scan3A_1196, %mul3A_1233 : i32
      %swap3A = arith.constant 5 : i32
      %swap3A_1235 = arith.index_cast %swap3A : i32 to index
      %swap3A_1236 = arith.index_cast %mul3A_1234 : i32 to index
      %swap3A_1237 = tpu.vector_load %arg6[%swap3A_1235, %swap3A_1236] {strides = array<i32>} : memref<16x128xi32, #tpu.memory_space<vmem>>, vector<16xi32>,
      tpu.vector_store %arg6[%swap3A_1235, %swap3A_1236], %select_n3A_1232 {strides = array<i32>} : memref<16x128xi32, #tpu.memory_space<vmem>>, vector<16xi32>,
      %reduce_sum3A_1238 = arith.constant true
      %reduce_sum3A_1239 = vector.broadcast %reduce_sum3A_1238 : i1 to vector<16xi1>
      %reduce_sum3A_1240 = tpu.scan <sum>, %select_n3A_1213 masked %reduce_sum3A_1239 : vector<16xi32>, vector<16xi1> -> vector<16xi32>
      %reduce_sum3A_1241 = vector.extract %reduce_sum3A_1240[15] : i32 from vector<16xi32>
      %add3A_1242 = arith.addi %scan3A_1197, %reduce_sum3A_1241 : i32
      scf.yield %add3A_1242 : i32
    }
    %scan3A_440 = arith.constant 8 : i32
    %dma_wait3A_441 = arith.constant 5 : i32
    %dma_wait3A_442 = arith.constant 5 : i32
    %dma_wait3A_443 = arith.constant 0 : i32
    %dma_wait3A_444 = arith.constant 0 : i32
    %dma_wait3A_445 = tpu.memref_slice %arg7[%dma_wait3A_441, %dma_wait3A_443, %dma_wait3A_444] : memref<6x128x128xf32, #tpu.memory_space<vmem>> -> memref<1x128x128xf32, #tpu.memory_space<vmem>>
    %dma_wait3A_446 = tpu.memref_squeeze %dma_wait3A_445 : memref<1x128x128xf32, #tpu.memory_space<vmem>> -> memref<128x128xf32, #tpu.memory_space<vmem>>
    %dma_wait3A_447 = arith.constant 0 : i32
    %dma_wait3A_448 = tpu.memref_slice %arg2[%add3A_278, %dma_wait3A_447] : memref<65536x128xf32, #tpu.memory_space<hbm>> -> memref<128x128xf32, #tpu.memory_space<hbm>>
    %dma_wait3A_449 = tpu.memref_slice %arg8[%dma_wait3A_442] : memref<6x!tpu.dma_semaphore, #tpu.memory_space<semaphore_mem>> -> memref<1x!tpu.dma_semaphore, #tpu.memory_space<semaphore_mem>>
    %dma_wait3A_450 = tpu.memref_squeeze %dma_wait3A_449 : memref<1x!tpu.dma_semaphore, #tpu.memory_space<semaphore_mem>> -> memref<!tpu.dma_semaphore, #tpu.memory_space<semaphore_mem>>
    %dma_wait3A_451 = arith.constant 0 : i32
    %dma_wait3A_452 = arith.constant 0 : i32
    %dma_wait3A_453 = tpu.memref_slice %arg7[%dma_wait3A_441, %dma_wait3A_451, %dma_wait3A_452] : memref<6x128x128xf32, #tpu.memory_space<vmem>> -> memref<1x128x128xf32, #tpu.memory_space<vmem>>
    %dma_wait3A_454 = tpu.memref_squeeze %dma_wait3A_453 : memref<1x128x128xf32, #tpu.memory_space<vmem>> -> memref<128x128xf32, #tpu.memory_space<vmem>>
    %dma_wait3A_455 = arith.constant 0 : i32
    %dma_wait3A_456 = tpu.memref_slice %arg2[%add3A_278, %dma_wait3A_455] : memref<65536x128xf32, #tpu.memory_space<hbm>> -> memref<128x128xf32, #tpu.memory_space<hbm>>
    tpu.wait_dma2 semaphore(%dma_wait3A_450 : memref<!tpu.dma_semaphore, #tpu.memory_space<semaphore_mem>>) src(%dma_wait3A_456 : memref<128x128xf32, #tpu.memory_space<hbm>>) dst(%dma_wait3A_454 : memref<128x128xf32, #tpu.memory_space<vmem>>)
    %dma_start3A_457 = arith.constant 5 : i32
    %dma_start3A_458 = arith.constant 5 : i32
    %dma_start3A_459 = arith.constant 5 : i32
    %dma_start3A_460 = arith.constant 0 : i32
    %dma_start3A_461 = arith.constant 0 : i32
    %dma_start3A_462 = tpu.memref_slice %arg7[%dma_start3A_457, %dma_start3A_460, %dma_start3A_461] : memref<6x128x128xf32, #tpu.memory_space<vmem>> -> memref<1x128x128xf32, #tpu.memory_space<vmem>>
    %dma_start3A_463 = tpu.memref_squeeze %dma_start3A_462 : memref<1x128x128xf32, #tpu.memory_space<vmem>> -> memref<128x128xf32, #tpu.memory_space<vmem>>
    %dma_start3A_464 = arith.constant 0 : i32
    %dma_start3A_465 = tpu.memref_slice %arg6[%dma_start3A_458, %dma_start3A_464] : memref<16x128xi32, #tpu.memory_space<vmem>> -> memref<1x128xi32, #tpu.memory_space<vmem>>
    %dma_start3A_466 = tpu.memref_squeeze %dma_start3A_465 : memref<1x128xi32, #tpu.memory_space<vmem>> -> memref<128xi32, #tpu.memory_space<vmem>>
    %dma_start3A_467 = arith.constant 0 : i32
    %dma_start3A_468 = arith.constant 0 : i32
    %dma_start3A_469 = tpu.memref_slice %arg4[%dma_start3A_467, %dma_start3A_468] : memref<65536x128xf32, #tpu.memory_space<hbm>> -> memref<65536x128xf32, #tpu.memory_space<hbm>>
    %dma_start3A_470 = tpu.memref_slice %arg9[%dma_start3A_459] : memref<6x!tpu.dma_semaphore, #tpu.memory_space<semaphore_mem>> -> memref<1x!tpu.dma_semaphore, #tpu.memory_space<semaphore_mem>>
    %dma_start3A_471 = tpu.memref_squeeze %dma_start3A_470 : memref<1x!tpu.dma_semaphore, #tpu.memory_space<semaphore_mem>> -> memref<!tpu.dma_semaphore, #tpu.memory_space<semaphore_mem>>
    tpu.enqueue_indirect_dma source(%dma_start3A_463 : memref<128x128xf32, #tpu.memory_space<vmem>>) target(%dma_start3A_469 : memref<65536x128xf32, #tpu.memory_space<hbm>>) offsets(%dma_start3A_466 : memref<128xi32, #tpu.memory_space<vmem>>) semaphore(%dma_start3A_471 : memref<!tpu.dma_semaphore, #tpu.memory_space<semaphore_mem>>)
    %dma_wait3A_472 = arith.constant 2 : i32
    %dma_wait3A_473 = arith.constant 2 : i32
    %dma_wait3A_474 = arith.constant 2 : i32
    %dma_wait3A_475 = arith.constant 0 : i32
    %dma_wait3A_476 = arith.constant 0 : i32
    %dma_wait3A_477 = tpu.memref_slice %arg7[%dma_wait3A_472, %dma_wait3A_475, %dma_wait3A_476] : memref<6x128x128xf32, #tpu.memory_space<vmem>> -> memref<1x128x128xf32, #tpu.memory_space<vmem>>
    %dma_wait3A_478 = tpu.memref_squeeze %dma_wait3A_477 : memref<1x128x128xf32, #tpu.memory_space<vmem>> -> memref<128x128xf32, #tpu.memory_space<vmem>>
    %dma_wait3A_479 = arith.constant 0 : i32
    %dma_wait3A_480 = tpu.memref_slice %arg6[%dma_wait3A_473, %dma_wait3A_479] : memref<16x128xi32, #tpu.memory_space<vmem>> -> memref<1x128xi32, #tpu.memory_space<vmem>>
    %dma_wait3A_481 = tpu.memref_squeeze %dma_wait3A_480 : memref<1x128xi32, #tpu.memory_space<vmem>> -> memref<128xi32, #tpu.memory_space<vmem>>
    %dma_wait3A_482 = arith.constant 0 : i32
    %dma_wait3A_483 = arith.constant 0 : i32
    %dma_wait3A_484 = tpu.memref_slice %arg4[%dma_wait3A_482, %dma_wait3A_483] : memref<65536x128xf32, #tpu.memory_space<hbm>> -> memref<65536x128xf32, #tpu.memory_space<hbm>>
    %dma_wait3A_485 = tpu.memref_slice %arg9[%dma_wait3A_474] : memref<6x!tpu.dma_semaphore, #tpu.memory_space<semaphore_mem>> -> memref<1x!tpu.dma_semaphore, #tpu.memory_space<semaphore_mem>>
    %dma_wait3A_486 = tpu.memref_squeeze %dma_wait3A_485 : memref<1x!tpu.dma_semaphore, #tpu.memory_space<semaphore_mem>> -> memref<!tpu.dma_semaphore, #tpu.memory_space<semaphore_mem>>
    tpu.wait_indirect_dma semaphore(%dma_wait3A_486 : memref<!tpu.dma_semaphore, #tpu.memory_space<semaphore_mem>>) src(%dma_wait3A_478 : memref<128x128xf32, #tpu.memory_space<vmem>>) dst(%dma_wait3A_484 : memref<65536x128xf32, #tpu.memory_space<hbm>>)
    %add3A_487 = arith.constant 1024 : i32
    %add3A_488 = arith.addi %add3A_35, %add3A_487 : i32
    %dma_start3A_489 = arith.constant 2 : i32
    %dma_start3A_490 = arith.constant 2 : i32
    %dma_start3A_491 = arith.constant 0 : i32
    %dma_start3A_492 = arith.constant 0 : i32
    %dma_start3A_493 = tpu.memref_slice %arg7[%dma_start3A_489, %dma_start3A_491, %dma_start3A_492] : memref<6x128x128xf32, #tpu.memory_space<vmem>> -> memref<1x128x128xf32, #tpu.memory_space<vmem>>
    %dma_start3A_494 = tpu.memref_squeeze %dma_start3A_493 : memref<1x128x128xf32, #tpu.memory_space<vmem>> -> memref<128x128xf32, #tpu.memory_space<vmem>>
    %dma_start3A_495 = arith.constant 0 : i32
    %dma_start3A_496 = tpu.memref_slice %arg2[%add3A_488, %dma_start3A_495] : memref<65536x128xf32, #tpu.memory_space<hbm>> -> memref<128x128xf32, #tpu.memory_space<hbm>>
    %dma_start3A_497 = tpu.memref_slice %arg8[%dma_start3A_490] : memref<6x!tpu.dma_semaphore, #tpu.memory_space<semaphore_mem>> -> memref<1x!tpu.dma_semaphore, #tpu.memory_space<semaphore_mem>>
    %dma_start3A_498 = tpu.memref_squeeze %dma_start3A_497 : memref<1x!tpu.dma_semaphore, #tpu.memory_space<semaphore_mem>> -> memref<!tpu.dma_semaphore, #tpu.memory_space<semaphore_mem>>
    %dma_start3A_499 = arith.constant 0 : i32
    %dma_start3A_500 = arith.constant 0 : i32
    %dma_start3A_501 = tpu.memref_slice %arg7[%dma_start3A_489, %dma_start3A_499, %dma_start3A_500] : memref<6x128x128xf32, #tpu.memory_space<vmem>> -> memref<1x128x128xf32, #tpu.memory_space<vmem>>
    %dma_start3A_502 = tpu.memref_squeeze %dma_start3A_501 : memref<1x128x128xf32, #tpu.memory_space<vmem>> -> memref<128x128xf32, #tpu.memory_space<vmem>>
    %dma_start3A_503 = arith.constant 0 : i32
    %dma_start3A_504 = tpu.memref_slice %arg2[%add3A_488, %dma_start3A_503] : memref<65536x128xf32, #tpu.memory_space<hbm>> -> memref<128x128xf32, #tpu.memory_space<hbm>>
    tpu.enqueue_dma source(%dma_start3A_504 : memref<128x128xf32, #tpu.memory_space<hbm>>) target(%dma_start3A_502 : memref<128x128xf32, #tpu.memory_space<vmem>>) target_semaphore(%dma_start3A_498 : memref<!tpu.dma_semaphore, #tpu.memory_space<semaphore_mem>>)
    %scan3A_505 = arith.constant 0 : i32
    %scan3A_506 = arith.constant 8 : i32
    %scan3A_507 = arith.addi %scan3A_505, %scan3A_506 : i32
    %scan3A_508 = arith.constant 1 : i32
    %scan3A_509 = scf.for %scan3A_1196 = %scan3A_505 to %scan3A_507 step %scan3A_508 iter_args(%scan3A_1197 = %scan3A_439) -> (i32)  : i32 {
      %mul3A_1198 = arith.constant 2048 : i32
      %mul3A_1199 = arith.muli %select_n3A_30, %mul3A_1198 : i32
      %add3A_1200 = arith.constant 768 : i32
      %add3A_1201 = arith.addi %mul3A_1199, %add3A_1200 : i32
      %mul3A_1202 = arith.constant 16 : i32
      %mul3A_1203 = arith.muli %scan3A_1196, %mul3A_1202 : i32
      %add3A_1204 = arith.addi %add3A_1201, %mul3A_1203 : i32
      %get3A = arith.index_cast %add3A_1204 : i32 to index
      %get3A_1205 = tpu.vector_load %arg5[%get3A] {strides = array<i32>} : memref<4096xi32, #tpu.memory_space<vmem>>, vector<16xi32>,
      %lt3A_1206 = arith.constant 3 : i32
      %lt3A_1207 = vector.broadcast %lt3A_1206 : i32 to vector<16xi32>
      %lt3A_1208 = arith.cmpi slt, %get3A_1205, %lt3A_1207 : vector<16xi32>
      %jit3A_1209 = arith.constant 1 : i32
      %jit3A_1210 = arith.constant 0 : i32
      %broadcast_in_dim3A_1211 = vector.broadcast %jit3A_1209 : i32 to vector<16xi32>
      %broadcast_in_dim3A_1212 = vector.broadcast %jit3A_1210 : i32 to vector<16xi32>
      %select_n3A_1213 = arith.select %lt3A_1208, %broadcast_in_dim3A_1211, %broadcast_in_dim3A_1212 : vector<16xi1>, vector<16xi32>
      %broadcast_in_dim3A_1214 = arith.constant true
      %broadcast_in_dim3A_1215 = vector.broadcast %broadcast_in_dim3A_1214 : i1 to vector<16xi1>
      %masked_cumsum3A = tpu.scan <sum>, %select_n3A_1213 masked %broadcast_in_dim3A_1215 : vector<16xi32>, vector<16xi1> -> vector<16xi32>
      %mul3A_1216 = arith.constant 16 : i32
      %mul3A_1217 = arith.muli %scan3A_1196, %mul3A_1216 : i32
      %add3A_1218 = arith.constant 768 : i32
      %add3A_1219 = arith.addi %add3A_1218, %mul3A_1217 : i32
      %add3A_1220 = vector.broadcast %add3A_1219 : i32 to vector<16xi32>
      %add3A_1221 = arith.addi %iota3A, %add3A_1220 : vector<16xi32>
      %add3A_1222 = vector.broadcast %scan3A_1197 : i32 to vector<16xi32>
      %add3A_1223 = arith.addi %add3A_1222, %masked_cumsum3A : vector<16xi32>
      %add3A_1224 = vector.broadcast %add3A_122 : i32 to vector<16xi32>
      %add3A_1225 = arith.addi %add3A_1224, %add3A_1223 : vector<16xi32>
      %sub3A_1226 = arith.constant 1 : i32
      %sub3A_1227 = vector.broadcast %sub3A_1226 : i32 to vector<16xi32>
      %sub3A_1228 = arith.subi %add3A_1225, %sub3A_1227 : vector<16xi32>
      %add3A_1229 = vector.broadcast %add3A_128 : i32 to vector<16xi32>
      %add3A_1230 = arith.addi %add3A_1229, %add3A_1221 : vector<16xi32>
      %sub3A_1231 = arith.subi %add3A_1230, %add3A_1223 : vector<16xi32>
      %select_n3A_1232 = arith.select %lt3A_1208, %sub3A_1228, %sub3A_1231 : vector<16xi1>, vector<16xi32>
      %mul3A_1233 = arith.constant 16 : i32
      %mul3A_1234 = arith.muli %scan3A_1196, %mul3A_1233 : i32
      %swap3A = arith.constant 6 : i32
      %swap3A_1235 = arith.index_cast %swap3A : i32 to index
      %swap3A_1236 = arith.index_cast %mul3A_1234 : i32 to index
      %swap3A_1237 = tpu.vector_load %arg6[%swap3A_1235, %swap3A_1236] {strides = array<i32>} : memref<16x128xi32, #tpu.memory_space<vmem>>, vector<16xi32>,
      tpu.vector_store %arg6[%swap3A_1235, %swap3A_1236], %select_n3A_1232 {strides = array<i32>} : memref<16x128xi32, #tpu.memory_space<vmem>>, vector<16xi32>,
      %reduce_sum3A_1238 = arith.constant true
      %reduce_sum3A_1239 = vector.broadcast %reduce_sum3A_1238 : i1 to vector<16xi1>
      %reduce_sum3A_1240 = tpu.scan <sum>, %select_n3A_1213 masked %reduce_sum3A_1239 : vector<16xi32>, vector<16xi1> -> vector<16xi32>
      %reduce_sum3A_1241 = vector.extract %reduce_sum3A_1240[15] : i32 from vector<16xi32>
      %add3A_1242 = arith.addi %scan3A_1197, %reduce_sum3A_1241 : i32
      scf.yield %add3A_1242 : i32
    }
    %scan3A_510 = arith.constant 8 : i32
    %dma_wait3A_511 = arith.constant 0 : i32
    %dma_wait3A_512 = arith.constant 0 : i32
    %dma_wait3A_513 = arith.constant 0 : i32
    %dma_wait3A_514 = arith.constant 0 : i32
    %dma_wait3A_515 = tpu.memref_slice %arg7[%dma_wait3A_511, %dma_wait3A_513, %dma_wait3A_514] : memref<6x128x128xf32, #tpu.memory_space<vmem>> -> memref<1x128x128xf32, #tpu.memory_space<vmem>>
    %dma_wait3A_516 = tpu.memref_squeeze %dma_wait3A_515 : memref<1x128x128xf32, #tpu.memory_space<vmem>> -> memref<128x128xf32, #tpu.memory_space<vmem>>
    %dma_wait3A_517 = arith.constant 0 : i32
    %dma_wait3A_518 = tpu.memref_slice %arg2[%add3A_348, %dma_wait3A_517] : memref<65536x128xf32, #tpu.memory_space<hbm>> -> memref<128x128xf32, #tpu.memory_space<hbm>>
    %dma_wait3A_519 = tpu.memref_slice %arg8[%dma_wait3A_512] : memref<6x!tpu.dma_semaphore, #tpu.memory_space<semaphore_mem>> -> memref<1x!tpu.dma_semaphore, #tpu.memory_space<semaphore_mem>>
    %dma_wait3A_520 = tpu.memref_squeeze %dma_wait3A_519 : memref<1x!tpu.dma_semaphore, #tpu.memory_space<semaphore_mem>> -> memref<!tpu.dma_semaphore, #tpu.memory_space<semaphore_mem>>
    %dma_wait3A_521 = arith.constant 0 : i32
    %dma_wait3A_522 = arith.constant 0 : i32
    %dma_wait3A_523 = tpu.memref_slice %arg7[%dma_wait3A_511, %dma_wait3A_521, %dma_wait3A_522] : memref<6x128x128xf32, #tpu.memory_space<vmem>> -> memref<1x128x128xf32, #tpu.memory_space<vmem>>
    %dma_wait3A_524 = tpu.memref_squeeze %dma_wait3A_523 : memref<1x128x128xf32, #tpu.memory_space<vmem>> -> memref<128x128xf32, #tpu.memory_space<vmem>>
    %dma_wait3A_525 = arith.constant 0 : i32
    %dma_wait3A_526 = tpu.memref_slice %arg2[%add3A_348, %dma_wait3A_525] : memref<65536x128xf32, #tpu.memory_space<hbm>> -> memref<128x128xf32, #tpu.memory_space<hbm>>
    tpu.wait_dma2 semaphore(%dma_wait3A_520 : memref<!tpu.dma_semaphore, #tpu.memory_space<semaphore_mem>>) src(%dma_wait3A_526 : memref<128x128xf32, #tpu.memory_space<hbm>>) dst(%dma_wait3A_524 : memref<128x128xf32, #tpu.memory_space<vmem>>)
    %dma_start3A_527 = arith.constant 0 : i32
    %dma_start3A_528 = arith.constant 6 : i32
    %dma_start3A_529 = arith.constant 0 : i32
    %dma_start3A_530 = arith.constant 0 : i32
    %dma_start3A_531 = arith.constant 0 : i32
    %dma_start3A_532 = tpu.memref_slice %arg7[%dma_start3A_527, %dma_start3A_530, %dma_start3A_531] : memref<6x128x128xf32, #tpu.memory_space<vmem>> -> memref<1x128x128xf32, #tpu.memory_space<vmem>>
    %dma_start3A_533 = tpu.memref_squeeze %dma_start3A_532 : memref<1x128x128xf32, #tpu.memory_space<vmem>> -> memref<128x128xf32, #tpu.memory_space<vmem>>
    %dma_start3A_534 = arith.constant 0 : i32
    %dma_start3A_535 = tpu.memref_slice %arg6[%dma_start3A_528, %dma_start3A_534] : memref<16x128xi32, #tpu.memory_space<vmem>> -> memref<1x128xi32, #tpu.memory_space<vmem>>
    %dma_start3A_536 = tpu.memref_squeeze %dma_start3A_535 : memref<1x128xi32, #tpu.memory_space<vmem>> -> memref<128xi32, #tpu.memory_space<vmem>>
    %dma_start3A_537 = arith.constant 0 : i32
    %dma_start3A_538 = arith.constant 0 : i32
    %dma_start3A_539 = tpu.memref_slice %arg4[%dma_start3A_537, %dma_start3A_538] : memref<65536x128xf32, #tpu.memory_space<hbm>> -> memref<65536x128xf32, #tpu.memory_space<hbm>>
    %dma_start3A_540 = tpu.memref_slice %arg9[%dma_start3A_529] : memref<6x!tpu.dma_semaphore, #tpu.memory_space<semaphore_mem>> -> memref<1x!tpu.dma_semaphore, #tpu.memory_space<semaphore_mem>>
    %dma_start3A_541 = tpu.memref_squeeze %dma_start3A_540 : memref<1x!tpu.dma_semaphore, #tpu.memory_space<semaphore_mem>> -> memref<!tpu.dma_semaphore, #tpu.memory_space<semaphore_mem>>
    tpu.enqueue_indirect_dma source(%dma_start3A_533 : memref<128x128xf32, #tpu.memory_space<vmem>>) target(%dma_start3A_539 : memref<65536x128xf32, #tpu.memory_space<hbm>>) offsets(%dma_start3A_536 : memref<128xi32, #tpu.memory_space<vmem>>) semaphore(%dma_start3A_541 : memref<!tpu.dma_semaphore, #tpu.memory_space<semaphore_mem>>)
    %dma_wait3A_542 = arith.constant 3 : i32
    %dma_wait3A_543 = arith.constant 3 : i32
    %dma_wait3A_544 = arith.constant 3 : i32
    %dma_wait3A_545 = arith.constant 0 : i32
    %dma_wait3A_546 = arith.constant 0 : i32
    %dma_wait3A_547 = tpu.memref_slice %arg7[%dma_wait3A_542, %dma_wait3A_545, %dma_wait3A_546] : memref<6x128x128xf32, #tpu.memory_space<vmem>> -> memref<1x128x128xf32, #tpu.memory_space<vmem>>
    %dma_wait3A_548 = tpu.memref_squeeze %dma_wait3A_547 : memref<1x128x128xf32, #tpu.memory_space<vmem>> -> memref<128x128xf32, #tpu.memory_space<vmem>>
    %dma_wait3A_549 = arith.constant 0 : i32
    %dma_wait3A_550 = tpu.memref_slice %arg6[%dma_wait3A_543, %dma_wait3A_549] : memref<16x128xi32, #tpu.memory_space<vmem>> -> memref<1x128xi32, #tpu.memory_space<vmem>>
    %dma_wait3A_551 = tpu.memref_squeeze %dma_wait3A_550 : memref<1x128xi32, #tpu.memory_space<vmem>> -> memref<128xi32, #tpu.memory_space<vmem>>
    %dma_wait3A_552 = arith.constant 0 : i32
    %dma_wait3A_553 = arith.constant 0 : i32
    %dma_wait3A_554 = tpu.memref_slice %arg4[%dma_wait3A_552, %dma_wait3A_553] : memref<65536x128xf32, #tpu.memory_space<hbm>> -> memref<65536x128xf32, #tpu.memory_space<hbm>>
    %dma_wait3A_555 = tpu.memref_slice %arg9[%dma_wait3A_544] : memref<6x!tpu.dma_semaphore, #tpu.memory_space<semaphore_mem>> -> memref<1x!tpu.dma_semaphore, #tpu.memory_space<semaphore_mem>>
    %dma_wait3A_556 = tpu.memref_squeeze %dma_wait3A_555 : memref<1x!tpu.dma_semaphore, #tpu.memory_space<semaphore_mem>> -> memref<!tpu.dma_semaphore, #tpu.memory_space<semaphore_mem>>
    tpu.wait_indirect_dma semaphore(%dma_wait3A_556 : memref<!tpu.dma_semaphore, #tpu.memory_space<semaphore_mem>>) src(%dma_wait3A_548 : memref<128x128xf32, #tpu.memory_space<vmem>>) dst(%dma_wait3A_554 : memref<65536x128xf32, #tpu.memory_space<hbm>>)
    %add3A_557 = arith.constant 1152 : i32
    %add3A_558 = arith.addi %add3A_35, %add3A_557 : i32
    %dma_start3A_559 = arith.constant 3 : i32
    %dma_start3A_560 = arith.constant 3 : i32
    %dma_start3A_561 = arith.constant 0 : i32
    %dma_start3A_562 = arith.constant 0 : i32
    %dma_start3A_563 = tpu.memref_slice %arg7[%dma_start3A_559, %dma_start3A_561, %dma_start3A_562] : memref<6x128x128xf32, #tpu.memory_space<vmem>> -> memref<1x128x128xf32, #tpu.memory_space<vmem>>
    %dma_start3A_564 = tpu.memref_squeeze %dma_start3A_563 : memref<1x128x128xf32, #tpu.memory_space<vmem>> -> memref<128x128xf32, #tpu.memory_space<vmem>>
    %dma_start3A_565 = arith.constant 0 : i32
    %dma_start3A_566 = tpu.memref_slice %arg2[%add3A_558, %dma_start3A_565] : memref<65536x128xf32, #tpu.memory_space<hbm>> -> memref<128x128xf32, #tpu.memory_space<hbm>>
    %dma_start3A_567 = tpu.memref_slice %arg8[%dma_start3A_560] : memref<6x!tpu.dma_semaphore, #tpu.memory_space<semaphore_mem>> -> memref<1x!tpu.dma_semaphore, #tpu.memory_space<semaphore_mem>>
    %dma_start3A_568 = tpu.memref_squeeze %dma_start3A_567 : memref<1x!tpu.dma_semaphore, #tpu.memory_space<semaphore_mem>> -> memref<!tpu.dma_semaphore, #tpu.memory_space<semaphore_mem>>
    %dma_start3A_569 = arith.constant 0 : i32
    %dma_start3A_570 = arith.constant 0 : i32
    %dma_start3A_571 = tpu.memref_slice %arg7[%dma_start3A_559, %dma_start3A_569, %dma_start3A_570] : memref<6x128x128xf32, #tpu.memory_space<vmem>> -> memref<1x128x128xf32, #tpu.memory_space<vmem>>
    %dma_start3A_572 = tpu.memref_squeeze %dma_start3A_571 : memref<1x128x128xf32, #tpu.memory_space<vmem>> -> memref<128x128xf32, #tpu.memory_space<vmem>>
    %dma_start3A_573 = arith.constant 0 : i32
    %dma_start3A_574 = tpu.memref_slice %arg2[%add3A_558, %dma_start3A_573] : memref<65536x128xf32, #tpu.memory_space<hbm>> -> memref<128x128xf32, #tpu.memory_space<hbm>>
    tpu.enqueue_dma source(%dma_start3A_574 : memref<128x128xf32, #tpu.memory_space<hbm>>) target(%dma_start3A_572 : memref<128x128xf32, #tpu.memory_space<vmem>>) target_semaphore(%dma_start3A_568 : memref<!tpu.dma_semaphore, #tpu.memory_space<semaphore_mem>>)
    %scan3A_575 = arith.constant 0 : i32
    %scan3A_576 = arith.constant 8 : i32
    %scan3A_577 = arith.addi %scan3A_575, %scan3A_576 : i32
    %scan3A_578 = arith.constant 1 : i32
    %scan3A_579 = scf.for %scan3A_1196 = %scan3A_575 to %scan3A_577 step %scan3A_578 iter_args(%scan3A_1197 = %scan3A_509) -> (i32)  : i32 {
      %mul3A_1198 = arith.constant 2048 : i32
      %mul3A_1199 = arith.muli %select_n3A_30, %mul3A_1198 : i32
      %add3A_1200 = arith.constant 896 : i32
      %add3A_1201 = arith.addi %mul3A_1199, %add3A_1200 : i32
      %mul3A_1202 = arith.constant 16 : i32
      %mul3A_1203 = arith.muli %scan3A_1196, %mul3A_1202 : i32
      %add3A_1204 = arith.addi %add3A_1201, %mul3A_1203 : i32
      %get3A = arith.index_cast %add3A_1204 : i32 to index
      %get3A_1205 = tpu.vector_load %arg5[%get3A] {strides = array<i32>} : memref<4096xi32, #tpu.memory_space<vmem>>, vector<16xi32>,
      %lt3A_1206 = arith.constant 3 : i32
      %lt3A_1207 = vector.broadcast %lt3A_1206 : i32 to vector<16xi32>
      %lt3A_1208 = arith.cmpi slt, %get3A_1205, %lt3A_1207 : vector<16xi32>
      %jit3A_1209 = arith.constant 1 : i32
      %jit3A_1210 = arith.constant 0 : i32
      %broadcast_in_dim3A_1211 = vector.broadcast %jit3A_1209 : i32 to vector<16xi32>
      %broadcast_in_dim3A_1212 = vector.broadcast %jit3A_1210 : i32 to vector<16xi32>
      %select_n3A_1213 = arith.select %lt3A_1208, %broadcast_in_dim3A_1211, %broadcast_in_dim3A_1212 : vector<16xi1>, vector<16xi32>
      %broadcast_in_dim3A_1214 = arith.constant true
      %broadcast_in_dim3A_1215 = vector.broadcast %broadcast_in_dim3A_1214 : i1 to vector<16xi1>
      %masked_cumsum3A = tpu.scan <sum>, %select_n3A_1213 masked %broadcast_in_dim3A_1215 : vector<16xi32>, vector<16xi1> -> vector<16xi32>
      %mul3A_1216 = arith.constant 16 : i32
      %mul3A_1217 = arith.muli %scan3A_1196, %mul3A_1216 : i32
      %add3A_1218 = arith.constant 896 : i32
      %add3A_1219 = arith.addi %add3A_1218, %mul3A_1217 : i32
      %add3A_1220 = vector.broadcast %add3A_1219 : i32 to vector<16xi32>
      %add3A_1221 = arith.addi %iota3A, %add3A_1220 : vector<16xi32>
      %add3A_1222 = vector.broadcast %scan3A_1197 : i32 to vector<16xi32>
      %add3A_1223 = arith.addi %add3A_1222, %masked_cumsum3A : vector<16xi32>
      %add3A_1224 = vector.broadcast %add3A_122 : i32 to vector<16xi32>
      %add3A_1225 = arith.addi %add3A_1224, %add3A_1223 : vector<16xi32>
      %sub3A_1226 = arith.constant 1 : i32
      %sub3A_1227 = vector.broadcast %sub3A_1226 : i32 to vector<16xi32>
      %sub3A_1228 = arith.subi %add3A_1225, %sub3A_1227 : vector<16xi32>
      %add3A_1229 = vector.broadcast %add3A_128 : i32 to vector<16xi32>
      %add3A_1230 = arith.addi %add3A_1229, %add3A_1221 : vector<16xi32>
      %sub3A_1231 = arith.subi %add3A_1230, %add3A_1223 : vector<16xi32>
      %select_n3A_1232 = arith.select %lt3A_1208, %sub3A_1228, %sub3A_1231 : vector<16xi1>, vector<16xi32>
      %mul3A_1233 = arith.constant 16 : i32
      %mul3A_1234 = arith.muli %scan3A_1196, %mul3A_1233 : i32
      %swap3A = arith.constant 7 : i32
      %swap3A_1235 = arith.index_cast %swap3A : i32 to index
      %swap3A_1236 = arith.index_cast %mul3A_1234 : i32 to index
      %swap3A_1237 = tpu.vector_load %arg6[%swap3A_1235, %swap3A_1236] {strides = array<i32>} : memref<16x128xi32, #tpu.memory_space<vmem>>, vector<16xi32>,
      tpu.vector_store %arg6[%swap3A_1235, %swap3A_1236], %select_n3A_1232 {strides = array<i32>} : memref<16x128xi32, #tpu.memory_space<vmem>>, vector<16xi32>,
      %reduce_sum3A_1238 = arith.constant true
      %reduce_sum3A_1239 = vector.broadcast %reduce_sum3A_1238 : i1 to vector<16xi1>
      %reduce_sum3A_1240 = tpu.scan <sum>, %select_n3A_1213 masked %reduce_sum3A_1239 : vector<16xi32>, vector<16xi1> -> vector<16xi32>
      %reduce_sum3A_1241 = vector.extract %reduce_sum3A_1240[15] : i32 from vector<16xi32>
      %add3A_1242 = arith.addi %scan3A_1197, %reduce_sum3A_1241 : i32
      scf.yield %add3A_1242 : i32
    }
    %scan3A_580 = arith.constant 8 : i32
    %dma_wait3A_581 = arith.constant 1 : i32
    %dma_wait3A_582 = arith.constant 1 : i32
    %dma_wait3A_583 = arith.constant 0 : i32
    %dma_wait3A_584 = arith.constant 0 : i32
    %dma_wait3A_585 = tpu.memref_slice %arg7[%dma_wait3A_581, %dma_wait3A_583, %dma_wait3A_584] : memref<6x128x128xf32, #tpu.memory_space<vmem>> -> memref<1x128x128xf32, #tpu.memory_space<vmem>>
    %dma_wait3A_586 = tpu.memref_squeeze %dma_wait3A_585 : memref<1x128x128xf32, #tpu.memory_space<vmem>> -> memref<128x128xf32, #tpu.memory_space<vmem>>
    %dma_wait3A_587 = arith.constant 0 : i32
    %dma_wait3A_588 = tpu.memref_slice %arg2[%add3A_418, %dma_wait3A_587] : memref<65536x128xf32, #tpu.memory_space<hbm>> -> memref<128x128xf32, #tpu.memory_space<hbm>>
    %dma_wait3A_589 = tpu.memref_slice %arg8[%dma_wait3A_582] : memref<6x!tpu.dma_semaphore, #tpu.memory_space<semaphore_mem>> -> memref<1x!tpu.dma_semaphore, #tpu.memory_space<semaphore_mem>>
    %dma_wait3A_590 = tpu.memref_squeeze %dma_wait3A_589 : memref<1x!tpu.dma_semaphore, #tpu.memory_space<semaphore_mem>> -> memref<!tpu.dma_semaphore, #tpu.memory_space<semaphore_mem>>
    %dma_wait3A_591 = arith.constant 0 : i32
    %dma_wait3A_592 = arith.constant 0 : i32
    %dma_wait3A_593 = tpu.memref_slice %arg7[%dma_wait3A_581, %dma_wait3A_591, %dma_wait3A_592] : memref<6x128x128xf32, #tpu.memory_space<vmem>> -> memref<1x128x128xf32, #tpu.memory_space<vmem>>
    %dma_wait3A_594 = tpu.memref_squeeze %dma_wait3A_593 : memref<1x128x128xf32, #tpu.memory_space<vmem>> -> memref<128x128xf32, #tpu.memory_space<vmem>>
    %dma_wait3A_595 = arith.constant 0 : i32
    %dma_wait3A_596 = tpu.memref_slice %arg2[%add3A_418, %dma_wait3A_595] : memref<65536x128xf32, #tpu.memory_space<hbm>> -> memref<128x128xf32, #tpu.memory_space<hbm>>
    tpu.wait_dma2 semaphore(%dma_wait3A_590 : memref<!tpu.dma_semaphore, #tpu.memory_space<semaphore_mem>>) src(%dma_wait3A_596 : memref<128x128xf32, #tpu.memory_space<hbm>>) dst(%dma_wait3A_594 : memref<128x128xf32, #tpu.memory_space<vmem>>)
    %dma_start3A_597 = arith.constant 1 : i32
    %dma_start3A_598 = arith.constant 7 : i32
    %dma_start3A_599 = arith.constant 1 : i32
    %dma_start3A_600 = arith.constant 0 : i32
    %dma_start3A_601 = arith.constant 0 : i32
    %dma_start3A_602 = tpu.memref_slice %arg7[%dma_start3A_597, %dma_start3A_600, %dma_start3A_601] : memref<6x128x128xf32, #tpu.memory_space<vmem>> -> memref<1x128x128xf32, #tpu.memory_space<vmem>>
    %dma_start3A_603 = tpu.memref_squeeze %dma_start3A_602 : memref<1x128x128xf32, #tpu.memory_space<vmem>> -> memref<128x128xf32, #tpu.memory_space<vmem>>
    %dma_start3A_604 = arith.constant 0 : i32
    %dma_start3A_605 = tpu.memref_slice %arg6[%dma_start3A_598, %dma_start3A_604] : memref<16x128xi32, #tpu.memory_space<vmem>> -> memref<1x128xi32, #tpu.memory_space<vmem>>
    %dma_start3A_606 = tpu.memref_squeeze %dma_start3A_605 : memref<1x128xi32, #tpu.memory_space<vmem>> -> memref<128xi32, #tpu.memory_space<vmem>>
    %dma_start3A_607 = arith.constant 0 : i32
    %dma_start3A_608 = arith.constant 0 : i32
    %dma_start3A_609 = tpu.memref_slice %arg4[%dma_start3A_607, %dma_start3A_608] : memref<65536x128xf32, #tpu.memory_space<hbm>> -> memref<65536x128xf32, #tpu.memory_space<hbm>>
    %dma_start3A_610 = tpu.memref_slice %arg9[%dma_start3A_599] : memref<6x!tpu.dma_semaphore, #tpu.memory_space<semaphore_mem>> -> memref<1x!tpu.dma_semaphore, #tpu.memory_space<semaphore_mem>>
    %dma_start3A_611 = tpu.memref_squeeze %dma_start3A_610 : memref<1x!tpu.dma_semaphore, #tpu.memory_space<semaphore_mem>> -> memref<!tpu.dma_semaphore, #tpu.memory_space<semaphore_mem>>
    tpu.enqueue_indirect_dma source(%dma_start3A_603 : memref<128x128xf32, #tpu.memory_space<vmem>>) target(%dma_start3A_609 : memref<65536x128xf32, #tpu.memory_space<hbm>>) offsets(%dma_start3A_606 : memref<128xi32, #tpu.memory_space<vmem>>) semaphore(%dma_start3A_611 : memref<!tpu.dma_semaphore, #tpu.memory_space<semaphore_mem>>)
    %dma_wait3A_612 = arith.constant 4 : i32
    %dma_wait3A_613 = arith.constant 4 : i32
    %dma_wait3A_614 = arith.constant 4 : i32
    %dma_wait3A_615 = arith.constant 0 : i32
    %dma_wait3A_616 = arith.constant 0 : i32
    %dma_wait3A_617 = tpu.memref_slice %arg7[%dma_wait3A_612, %dma_wait3A_615, %dma_wait3A_616] : memref<6x128x128xf32, #tpu.memory_space<vmem>> -> memref<1x128x128xf32, #tpu.memory_space<vmem>>
    %dma_wait3A_618 = tpu.memref_squeeze %dma_wait3A_617 : memref<1x128x128xf32, #tpu.memory_space<vmem>> -> memref<128x128xf32, #tpu.memory_space<vmem>>
    %dma_wait3A_619 = arith.constant 0 : i32
    %dma_wait3A_620 = tpu.memref_slice %arg6[%dma_wait3A_613, %dma_wait3A_619] : memref<16x128xi32, #tpu.memory_space<vmem>> -> memref<1x128xi32, #tpu.memory_space<vmem>>
    %dma_wait3A_621 = tpu.memref_squeeze %dma_wait3A_620 : memref<1x128xi32, #tpu.memory_space<vmem>> -> memref<128xi32, #tpu.memory_space<vmem>>
    %dma_wait3A_622 = arith.constant 0 : i32
    %dma_wait3A_623 = arith.constant 0 : i32
    %dma_wait3A_624 = tpu.memref_slice %arg4[%dma_wait3A_622, %dma_wait3A_623] : memref<65536x128xf32, #tpu.memory_space<hbm>> -> memref<65536x128xf32, #tpu.memory_space<hbm>>
    %dma_wait3A_625 = tpu.memref_slice %arg9[%dma_wait3A_614] : memref<6x!tpu.dma_semaphore, #tpu.memory_space<semaphore_mem>> -> memref<1x!tpu.dma_semaphore, #tpu.memory_space<semaphore_mem>>
    %dma_wait3A_626 = tpu.memref_squeeze %dma_wait3A_625 : memref<1x!tpu.dma_semaphore, #tpu.memory_space<semaphore_mem>> -> memref<!tpu.dma_semaphore, #tpu.memory_space<semaphore_mem>>
    tpu.wait_indirect_dma semaphore(%dma_wait3A_626 : memref<!tpu.dma_semaphore, #tpu.memory_space<semaphore_mem>>) src(%dma_wait3A_618 : memref<128x128xf32, #tpu.memory_space<vmem>>) dst(%dma_wait3A_624 : memref<65536x128xf32, #tpu.memory_space<hbm>>)
    %add3A_627 = arith.constant 1280 : i32
    %add3A_628 = arith.addi %add3A_35, %add3A_627 : i32
    %dma_start3A_629 = arith.constant 4 : i32
    %dma_start3A_630 = arith.constant 4 : i32
    %dma_start3A_631 = arith.constant 0 : i32
    %dma_start3A_632 = arith.constant 0 : i32
    %dma_start3A_633 = tpu.memref_slice %arg7[%dma_start3A_629, %dma_start3A_631, %dma_start3A_632] : memref<6x128x128xf32, #tpu.memory_space<vmem>> -> memref<1x128x128xf32, #tpu.memory_space<vmem>>
    %dma_start3A_634 = tpu.memref_squeeze %dma_start3A_633 : memref<1x128x128xf32, #tpu.memory_space<vmem>> -> memref<128x128xf32, #tpu.memory_space<vmem>>
    %dma_start3A_635 = arith.constant 0 : i32
    %dma_start3A_636 = tpu.memref_slice %arg2[%add3A_628, %dma_start3A_635] : memref<65536x128xf32, #tpu.memory_space<hbm>> -> memref<128x128xf32, #tpu.memory_space<hbm>>
    %dma_start3A_637 = tpu.memref_slice %arg8[%dma_start3A_630] : memref<6x!tpu.dma_semaphore, #tpu.memory_space<semaphore_mem>> -> memref<1x!tpu.dma_semaphore, #tpu.memory_space<semaphore_mem>>
    %dma_start3A_638 = tpu.memref_squeeze %dma_start3A_637 : memref<1x!tpu.dma_semaphore, #tpu.memory_space<semaphore_mem>> -> memref<!tpu.dma_semaphore, #tpu.memory_space<semaphore_mem>>
    %dma_start3A_639 = arith.constant 0 : i32
    %dma_start3A_640 = arith.constant 0 : i32
    %dma_start3A_641 = tpu.memref_slice %arg7[%dma_start3A_629, %dma_start3A_639, %dma_start3A_640] : memref<6x128x128xf32, #tpu.memory_space<vmem>> -> memref<1x128x128xf32, #tpu.memory_space<vmem>>
    %dma_start3A_642 = tpu.memref_squeeze %dma_start3A_641 : memref<1x128x128xf32, #tpu.memory_space<vmem>> -> memref<128x128xf32, #tpu.memory_space<vmem>>
    %dma_start3A_643 = arith.constant 0 : i32
    %dma_start3A_644 = tpu.memref_slice %arg2[%add3A_628, %dma_start3A_643] : memref<65536x128xf32, #tpu.memory_space<hbm>> -> memref<128x128xf32, #tpu.memory_space<hbm>>
    tpu.enqueue_dma source(%dma_start3A_644 : memref<128x128xf32, #tpu.memory_space<hbm>>) target(%dma_start3A_642 : memref<128x128xf32, #tpu.memory_space<vmem>>) target_semaphore(%dma_start3A_638 : memref<!tpu.dma_semaphore, #tpu.memory_space<semaphore_mem>>)
    %scan3A_645 = arith.constant 0 : i32
    %scan3A_646 = arith.constant 8 : i32
    %scan3A_647 = arith.addi %scan3A_645, %scan3A_646 : i32
    %scan3A_648 = arith.constant 1 : i32
    %scan3A_649 = scf.for %scan3A_1196 = %scan3A_645 to %scan3A_647 step %scan3A_648 iter_args(%scan3A_1197 = %scan3A_579) -> (i32)  : i32 {
      %mul3A_1198 = arith.constant 2048 : i32
      %mul3A_1199 = arith.muli %select_n3A_30, %mul3A_1198 : i32
      %add3A_1200 = arith.constant 1024 : i32
      %add3A_1201 = arith.addi %mul3A_1199, %add3A_1200 : i32
      %mul3A_1202 = arith.constant 16 : i32
      %mul3A_1203 = arith.muli %scan3A_1196, %mul3A_1202 : i32
      %add3A_1204 = arith.addi %add3A_1201, %mul3A_1203 : i32
      %get3A = arith.index_cast %add3A_1204 : i32 to index
      %get3A_1205 = tpu.vector_load %arg5[%get3A] {strides = array<i32>} : memref<4096xi32, #tpu.memory_space<vmem>>, vector<16xi32>,
      %lt3A_1206 = arith.constant 3 : i32
      %lt3A_1207 = vector.broadcast %lt3A_1206 : i32 to vector<16xi32>
      %lt3A_1208 = arith.cmpi slt, %get3A_1205, %lt3A_1207 : vector<16xi32>
      %jit3A_1209 = arith.constant 1 : i32
      %jit3A_1210 = arith.constant 0 : i32
      %broadcast_in_dim3A_1211 = vector.broadcast %jit3A_1209 : i32 to vector<16xi32>
      %broadcast_in_dim3A_1212 = vector.broadcast %jit3A_1210 : i32 to vector<16xi32>
      %select_n3A_1213 = arith.select %lt3A_1208, %broadcast_in_dim3A_1211, %broadcast_in_dim3A_1212 : vector<16xi1>, vector<16xi32>
      %broadcast_in_dim3A_1214 = arith.constant true
      %broadcast_in_dim3A_1215 = vector.broadcast %broadcast_in_dim3A_1214 : i1 to vector<16xi1>
      %masked_cumsum3A = tpu.scan <sum>, %select_n3A_1213 masked %broadcast_in_dim3A_1215 : vector<16xi32>, vector<16xi1> -> vector<16xi32>
      %mul3A_1216 = arith.constant 16 : i32
      %mul3A_1217 = arith.muli %scan3A_1196, %mul3A_1216 : i32
      %add3A_1218 = arith.constant 1024 : i32
      %add3A_1219 = arith.addi %add3A_1218, %mul3A_1217 : i32
      %add3A_1220 = vector.broadcast %add3A_1219 : i32 to vector<16xi32>
      %add3A_1221 = arith.addi %iota3A, %add3A_1220 : vector<16xi32>
      %add3A_1222 = vector.broadcast %scan3A_1197 : i32 to vector<16xi32>
      %add3A_1223 = arith.addi %add3A_1222, %masked_cumsum3A : vector<16xi32>
      %add3A_1224 = vector.broadcast %add3A_122 : i32 to vector<16xi32>
      %add3A_1225 = arith.addi %add3A_1224, %add3A_1223 : vector<16xi32>
      %sub3A_1226 = arith.constant 1 : i32
      %sub3A_1227 = vector.broadcast %sub3A_1226 : i32 to vector<16xi32>
      %sub3A_1228 = arith.subi %add3A_1225, %sub3A_1227 : vector<16xi32>
      %add3A_1229 = vector.broadcast %add3A_128 : i32 to vector<16xi32>
      %add3A_1230 = arith.addi %add3A_1229, %add3A_1221 : vector<16xi32>
      %sub3A_1231 = arith.subi %add3A_1230, %add3A_1223 : vector<16xi32>
      %select_n3A_1232 = arith.select %lt3A_1208, %sub3A_1228, %sub3A_1231 : vector<16xi1>, vector<16xi32>
      %mul3A_1233 = arith.constant 16 : i32
      %mul3A_1234 = arith.muli %scan3A_1196, %mul3A_1233 : i32
      %swap3A = arith.constant 8 : i32
      %swap3A_1235 = arith.index_cast %swap3A : i32 to index
      %swap3A_1236 = arith.index_cast %mul3A_1234 : i32 to index
      %swap3A_1237 = tpu.vector_load %arg6[%swap3A_1235, %swap3A_1236] {strides = array<i32>} : memref<16x128xi32, #tpu.memory_space<vmem>>, vector<16xi32>,
      tpu.vector_store %arg6[%swap3A_1235, %swap3A_1236], %select_n3A_1232 {strides = array<i32>} : memref<16x128xi32, #tpu.memory_space<vmem>>, vector<16xi32>,
      %reduce_sum3A_1238 = arith.constant true
      %reduce_sum3A_1239 = vector.broadcast %reduce_sum3A_1238 : i1 to vector<16xi1>
      %reduce_sum3A_1240 = tpu.scan <sum>, %select_n3A_1213 masked %reduce_sum3A_1239 : vector<16xi32>, vector<16xi1> -> vector<16xi32>
      %reduce_sum3A_1241 = vector.extract %reduce_sum3A_1240[15] : i32 from vector<16xi32>
      %add3A_1242 = arith.addi %scan3A_1197, %reduce_sum3A_1241 : i32
      scf.yield %add3A_1242 : i32
    }
    %scan3A_650 = arith.constant 8 : i32
    %dma_wait3A_651 = arith.constant 2 : i32
    %dma_wait3A_652 = arith.constant 2 : i32
    %dma_wait3A_653 = arith.constant 0 : i32
    %dma_wait3A_654 = arith.constant 0 : i32
    %dma_wait3A_655 = tpu.memref_slice %arg7[%dma_wait3A_651, %dma_wait3A_653, %dma_wait3A_654] : memref<6x128x128xf32, #tpu.memory_space<vmem>> -> memref<1x128x128xf32, #tpu.memory_space<vmem>>
    %dma_wait3A_656 = tpu.memref_squeeze %dma_wait3A_655 : memref<1x128x128xf32, #tpu.memory_space<vmem>> -> memref<128x128xf32, #tpu.memory_space<vmem>>
    %dma_wait3A_657 = arith.constant 0 : i32
    %dma_wait3A_658 = tpu.memref_slice %arg2[%add3A_488, %dma_wait3A_657] : memref<65536x128xf32, #tpu.memory_space<hbm>> -> memref<128x128xf32, #tpu.memory_space<hbm>>
    %dma_wait3A_659 = tpu.memref_slice %arg8[%dma_wait3A_652] : memref<6x!tpu.dma_semaphore, #tpu.memory_space<semaphore_mem>> -> memref<1x!tpu.dma_semaphore, #tpu.memory_space<semaphore_mem>>
    %dma_wait3A_660 = tpu.memref_squeeze %dma_wait3A_659 : memref<1x!tpu.dma_semaphore, #tpu.memory_space<semaphore_mem>> -> memref<!tpu.dma_semaphore, #tpu.memory_space<semaphore_mem>>
    %dma_wait3A_661 = arith.constant 0 : i32
    %dma_wait3A_662 = arith.constant 0 : i32
    %dma_wait3A_663 = tpu.memref_slice %arg7[%dma_wait3A_651, %dma_wait3A_661, %dma_wait3A_662] : memref<6x128x128xf32, #tpu.memory_space<vmem>> -> memref<1x128x128xf32, #tpu.memory_space<vmem>>
    %dma_wait3A_664 = tpu.memref_squeeze %dma_wait3A_663 : memref<1x128x128xf32, #tpu.memory_space<vmem>> -> memref<128x128xf32, #tpu.memory_space<vmem>>
    %dma_wait3A_665 = arith.constant 0 : i32
    %dma_wait3A_666 = tpu.memref_slice %arg2[%add3A_488, %dma_wait3A_665] : memref<65536x128xf32, #tpu.memory_space<hbm>> -> memref<128x128xf32, #tpu.memory_space<hbm>>
    tpu.wait_dma2 semaphore(%dma_wait3A_660 : memref<!tpu.dma_semaphore, #tpu.memory_space<semaphore_mem>>) src(%dma_wait3A_666 : memref<128x128xf32, #tpu.memory_space<hbm>>) dst(%dma_wait3A_664 : memref<128x128xf32, #tpu.memory_space<vmem>>)
    %dma_start3A_667 = arith.constant 2 : i32
    %dma_start3A_668 = arith.constant 8 : i32
    %dma_start3A_669 = arith.constant 2 : i32
    %dma_start3A_670 = arith.constant 0 : i32
    %dma_start3A_671 = arith.constant 0 : i32
    %dma_start3A_672 = tpu.memref_slice %arg7[%dma_start3A_667, %dma_start3A_670, %dma_start3A_671] : memref<6x128x128xf32, #tpu.memory_space<vmem>> -> memref<1x128x128xf32, #tpu.memory_space<vmem>>
    %dma_start3A_673 = tpu.memref_squeeze %dma_start3A_672 : memref<1x128x128xf32, #tpu.memory_space<vmem>> -> memref<128x128xf32, #tpu.memory_space<vmem>>
    %dma_start3A_674 = arith.constant 0 : i32
    %dma_start3A_675 = tpu.memref_slice %arg6[%dma_start3A_668, %dma_start3A_674] : memref<16x128xi32, #tpu.memory_space<vmem>> -> memref<1x128xi32, #tpu.memory_space<vmem>>
    %dma_start3A_676 = tpu.memref_squeeze %dma_start3A_675 : memref<1x128xi32, #tpu.memory_space<vmem>> -> memref<128xi32, #tpu.memory_space<vmem>>
    %dma_start3A_677 = arith.constant 0 : i32
    %dma_start3A_678 = arith.constant 0 : i32
    %dma_start3A_679 = tpu.memref_slice %arg4[%dma_start3A_677, %dma_start3A_678] : memref<65536x128xf32, #tpu.memory_space<hbm>> -> memref<65536x128xf32, #tpu.memory_space<hbm>>
    %dma_start3A_680 = tpu.memref_slice %arg9[%dma_start3A_669] : memref<6x!tpu.dma_semaphore, #tpu.memory_space<semaphore_mem>> -> memref<1x!tpu.dma_semaphore, #tpu.memory_space<semaphore_mem>>
    %dma_start3A_681 = tpu.memref_squeeze %dma_start3A_680 : memref<1x!tpu.dma_semaphore, #tpu.memory_space<semaphore_mem>> -> memref<!tpu.dma_semaphore, #tpu.memory_space<semaphore_mem>>
    tpu.enqueue_indirect_dma source(%dma_start3A_673 : memref<128x128xf32, #tpu.memory_space<vmem>>) target(%dma_start3A_679 : memref<65536x128xf32, #tpu.memory_space<hbm>>) offsets(%dma_start3A_676 : memref<128xi32, #tpu.memory_space<vmem>>) semaphore(%dma_start3A_681 : memref<!tpu.dma_semaphore, #tpu.memory_space<semaphore_mem>>)
    %dma_wait3A_682 = arith.constant 5 : i32
    %dma_wait3A_683 = arith.constant 5 : i32
    %dma_wait3A_684 = arith.constant 5 : i32
    %dma_wait3A_685 = arith.constant 0 : i32
    %dma_wait3A_686 = arith.constant 0 : i32
    %dma_wait3A_687 = tpu.memref_slice %arg7[%dma_wait3A_682, %dma_wait3A_685, %dma_wait3A_686] : memref<6x128x128xf32, #tpu.memory_space<vmem>> -> memref<1x128x128xf32, #tpu.memory_space<vmem>>
    %dma_wait3A_688 = tpu.memref_squeeze %dma_wait3A_687 : memref<1x128x128xf32, #tpu.memory_space<vmem>> -> memref<128x128xf32, #tpu.memory_space<vmem>>
    %dma_wait3A_689 = arith.constant 0 : i32
    %dma_wait3A_690 = tpu.memref_slice %arg6[%dma_wait3A_683, %dma_wait3A_689] : memref<16x128xi32, #tpu.memory_space<vmem>> -> memref<1x128xi32, #tpu.memory_space<vmem>>
    %dma_wait3A_691 = tpu.memref_squeeze %dma_wait3A_690 : memref<1x128xi32, #tpu.memory_space<vmem>> -> memref<128xi32, #tpu.memory_space<vmem>>
    %dma_wait3A_692 = arith.constant 0 : i32
    %dma_wait3A_693 = arith.constant 0 : i32
    %dma_wait3A_694 = tpu.memref_slice %arg4[%dma_wait3A_692, %dma_wait3A_693] : memref<65536x128xf32, #tpu.memory_space<hbm>> -> memref<65536x128xf32, #tpu.memory_space<hbm>>
    %dma_wait3A_695 = tpu.memref_slice %arg9[%dma_wait3A_684] : memref<6x!tpu.dma_semaphore, #tpu.memory_space<semaphore_mem>> -> memref<1x!tpu.dma_semaphore, #tpu.memory_space<semaphore_mem>>
    %dma_wait3A_696 = tpu.memref_squeeze %dma_wait3A_695 : memref<1x!tpu.dma_semaphore, #tpu.memory_space<semaphore_mem>> -> memref<!tpu.dma_semaphore, #tpu.memory_space<semaphore_mem>>
    tpu.wait_indirect_dma semaphore(%dma_wait3A_696 : memref<!tpu.dma_semaphore, #tpu.memory_space<semaphore_mem>>) src(%dma_wait3A_688 : memref<128x128xf32, #tpu.memory_space<vmem>>) dst(%dma_wait3A_694 : memref<65536x128xf32, #tpu.memory_space<hbm>>)
    %add3A_697 = arith.constant 1408 : i32
    %add3A_698 = arith.addi %add3A_35, %add3A_697 : i32
    %dma_start3A_699 = arith.constant 5 : i32
    %dma_start3A_700 = arith.constant 5 : i32
    %dma_start3A_701 = arith.constant 0 : i32
    %dma_start3A_702 = arith.constant 0 : i32
    %dma_start3A_703 = tpu.memref_slice %arg7[%dma_start3A_699, %dma_start3A_701, %dma_start3A_702] : memref<6x128x128xf32, #tpu.memory_space<vmem>> -> memref<1x128x128xf32, #tpu.memory_space<vmem>>
    %dma_start3A_704 = tpu.memref_squeeze %dma_start3A_703 : memref<1x128x128xf32, #tpu.memory_space<vmem>> -> memref<128x128xf32, #tpu.memory_space<vmem>>
    %dma_start3A_705 = arith.constant 0 : i32
    %dma_start3A_706 = tpu.memref_slice %arg2[%add3A_698, %dma_start3A_705] : memref<65536x128xf32, #tpu.memory_space<hbm>> -> memref<128x128xf32, #tpu.memory_space<hbm>>
    %dma_start3A_707 = tpu.memref_slice %arg8[%dma_start3A_700] : memref<6x!tpu.dma_semaphore, #tpu.memory_space<semaphore_mem>> -> memref<1x!tpu.dma_semaphore, #tpu.memory_space<semaphore_mem>>
    %dma_start3A_708 = tpu.memref_squeeze %dma_start3A_707 : memref<1x!tpu.dma_semaphore, #tpu.memory_space<semaphore_mem>> -> memref<!tpu.dma_semaphore, #tpu.memory_space<semaphore_mem>>
    %dma_start3A_709 = arith.constant 0 : i32
    %dma_start3A_710 = arith.constant 0 : i32
    %dma_start3A_711 = tpu.memref_slice %arg7[%dma_start3A_699, %dma_start3A_709, %dma_start3A_710] : memref<6x128x128xf32, #tpu.memory_space<vmem>> -> memref<1x128x128xf32, #tpu.memory_space<vmem>>
    %dma_start3A_712 = tpu.memref_squeeze %dma_start3A_711 : memref<1x128x128xf32, #tpu.memory_space<vmem>> -> memref<128x128xf32, #tpu.memory_space<vmem>>
    %dma_start3A_713 = arith.constant 0 : i32
    %dma_start3A_714 = tpu.memref_slice %arg2[%add3A_698, %dma_start3A_713] : memref<65536x128xf32, #tpu.memory_space<hbm>> -> memref<128x128xf32, #tpu.memory_space<hbm>>
    tpu.enqueue_dma source(%dma_start3A_714 : memref<128x128xf32, #tpu.memory_space<hbm>>) target(%dma_start3A_712 : memref<128x128xf32, #tpu.memory_space<vmem>>) target_semaphore(%dma_start3A_708 : memref<!tpu.dma_semaphore, #tpu.memory_space<semaphore_mem>>)
    %scan3A_715 = arith.constant 0 : i32
    %scan3A_716 = arith.constant 8 : i32
    %scan3A_717 = arith.addi %scan3A_715, %scan3A_716 : i32
    %scan3A_718 = arith.constant 1 : i32
    %scan3A_719 = scf.for %scan3A_1196 = %scan3A_715 to %scan3A_717 step %scan3A_718 iter_args(%scan3A_1197 = %scan3A_649) -> (i32)  : i32 {
      %mul3A_1198 = arith.constant 2048 : i32
      %mul3A_1199 = arith.muli %select_n3A_30, %mul3A_1198 : i32
      %add3A_1200 = arith.constant 1152 : i32
      %add3A_1201 = arith.addi %mul3A_1199, %add3A_1200 : i32
      %mul3A_1202 = arith.constant 16 : i32
      %mul3A_1203 = arith.muli %scan3A_1196, %mul3A_1202 : i32
      %add3A_1204 = arith.addi %add3A_1201, %mul3A_1203 : i32
      %get3A = arith.index_cast %add3A_1204 : i32 to index
      %get3A_1205 = tpu.vector_load %arg5[%get3A] {strides = array<i32>} : memref<4096xi32, #tpu.memory_space<vmem>>, vector<16xi32>,
      %lt3A_1206 = arith.constant 3 : i32
      %lt3A_1207 = vector.broadcast %lt3A_1206 : i32 to vector<16xi32>
      %lt3A_1208 = arith.cmpi slt, %get3A_1205, %lt3A_1207 : vector<16xi32>
      %jit3A_1209 = arith.constant 1 : i32
      %jit3A_1210 = arith.constant 0 : i32
      %broadcast_in_dim3A_1211 = vector.broadcast %jit3A_1209 : i32 to vector<16xi32>
      %broadcast_in_dim3A_1212 = vector.broadcast %jit3A_1210 : i32 to vector<16xi32>
      %select_n3A_1213 = arith.select %lt3A_1208, %broadcast_in_dim3A_1211, %broadcast_in_dim3A_1212 : vector<16xi1>, vector<16xi32>
      %broadcast_in_dim3A_1214 = arith.constant true
      %broadcast_in_dim3A_1215 = vector.broadcast %broadcast_in_dim3A_1214 : i1 to vector<16xi1>
      %masked_cumsum3A = tpu.scan <sum>, %select_n3A_1213 masked %broadcast_in_dim3A_1215 : vector<16xi32>, vector<16xi1> -> vector<16xi32>
      %mul3A_1216 = arith.constant 16 : i32
      %mul3A_1217 = arith.muli %scan3A_1196, %mul3A_1216 : i32
      %add3A_1218 = arith.constant 1152 : i32
      %add3A_1219 = arith.addi %add3A_1218, %mul3A_1217 : i32
      %add3A_1220 = vector.broadcast %add3A_1219 : i32 to vector<16xi32>
      %add3A_1221 = arith.addi %iota3A, %add3A_1220 : vector<16xi32>
      %add3A_1222 = vector.broadcast %scan3A_1197 : i32 to vector<16xi32>
      %add3A_1223 = arith.addi %add3A_1222, %masked_cumsum3A : vector<16xi32>
      %add3A_1224 = vector.broadcast %add3A_122 : i32 to vector<16xi32>
      %add3A_1225 = arith.addi %add3A_1224, %add3A_1223 : vector<16xi32>
      %sub3A_1226 = arith.constant 1 : i32
      %sub3A_1227 = vector.broadcast %sub3A_1226 : i32 to vector<16xi32>
      %sub3A_1228 = arith.subi %add3A_1225, %sub3A_1227 : vector<16xi32>
      %add3A_1229 = vector.broadcast %add3A_128 : i32 to vector<16xi32>
      %add3A_1230 = arith.addi %add3A_1229, %add3A_1221 : vector<16xi32>
      %sub3A_1231 = arith.subi %add3A_1230, %add3A_1223 : vector<16xi32>
      %select_n3A_1232 = arith.select %lt3A_1208, %sub3A_1228, %sub3A_1231 : vector<16xi1>, vector<16xi32>
      %mul3A_1233 = arith.constant 16 : i32
      %mul3A_1234 = arith.muli %scan3A_1196, %mul3A_1233 : i32
      %swap3A = arith.constant 9 : i32
      %swap3A_1235 = arith.index_cast %swap3A : i32 to index
      %swap3A_1236 = arith.index_cast %mul3A_1234 : i32 to index
      %swap3A_1237 = tpu.vector_load %arg6[%swap3A_1235, %swap3A_1236] {strides = array<i32>} : memref<16x128xi32, #tpu.memory_space<vmem>>, vector<16xi32>,
      tpu.vector_store %arg6[%swap3A_1235, %swap3A_1236], %select_n3A_1232 {strides = array<i32>} : memref<16x128xi32, #tpu.memory_space<vmem>>, vector<16xi32>,
      %reduce_sum3A_1238 = arith.constant true
      %reduce_sum3A_1239 = vector.broadcast %reduce_sum3A_1238 : i1 to vector<16xi1>
      %reduce_sum3A_1240 = tpu.scan <sum>, %select_n3A_1213 masked %reduce_sum3A_1239 : vector<16xi32>, vector<16xi1> -> vector<16xi32>
      %reduce_sum3A_1241 = vector.extract %reduce_sum3A_1240[15] : i32 from vector<16xi32>
      %add3A_1242 = arith.addi %scan3A_1197, %reduce_sum3A_1241 : i32
      scf.yield %add3A_1242 : i32
    }
    %scan3A_720 = arith.constant 8 : i32
    %dma_wait3A_721 = arith.constant 3 : i32
    %dma_wait3A_722 = arith.constant 3 : i32
    %dma_wait3A_723 = arith.constant 0 : i32
    %dma_wait3A_724 = arith.constant 0 : i32
    %dma_wait3A_725 = tpu.memref_slice %arg7[%dma_wait3A_721, %dma_wait3A_723, %dma_wait3A_724] : memref<6x128x128xf32, #tpu.memory_space<vmem>> -> memref<1x128x128xf32, #tpu.memory_space<vmem>>
    %dma_wait3A_726 = tpu.memref_squeeze %dma_wait3A_725 : memref<1x128x128xf32, #tpu.memory_space<vmem>> -> memref<128x128xf32, #tpu.memory_space<vmem>>
    %dma_wait3A_727 = arith.constant 0 : i32
    %dma_wait3A_728 = tpu.memref_slice %arg2[%add3A_558, %dma_wait3A_727] : memref<65536x128xf32, #tpu.memory_space<hbm>> -> memref<128x128xf32, #tpu.memory_space<hbm>>
    %dma_wait3A_729 = tpu.memref_slice %arg8[%dma_wait3A_722] : memref<6x!tpu.dma_semaphore, #tpu.memory_space<semaphore_mem>> -> memref<1x!tpu.dma_semaphore, #tpu.memory_space<semaphore_mem>>
    %dma_wait3A_730 = tpu.memref_squeeze %dma_wait3A_729 : memref<1x!tpu.dma_semaphore, #tpu.memory_space<semaphore_mem>> -> memref<!tpu.dma_semaphore, #tpu.memory_space<semaphore_mem>>
    %dma_wait3A_731 = arith.constant 0 : i32
    %dma_wait3A_732 = arith.constant 0 : i32
    %dma_wait3A_733 = tpu.memref_slice %arg7[%dma_wait3A_721, %dma_wait3A_731, %dma_wait3A_732] : memref<6x128x128xf32, #tpu.memory_space<vmem>> -> memref<1x128x128xf32, #tpu.memory_space<vmem>>
    %dma_wait3A_734 = tpu.memref_squeeze %dma_wait3A_733 : memref<1x128x128xf32, #tpu.memory_space<vmem>> -> memref<128x128xf32, #tpu.memory_space<vmem>>
    %dma_wait3A_735 = arith.constant 0 : i32
    %dma_wait3A_736 = tpu.memref_slice %arg2[%add3A_558, %dma_wait3A_735] : memref<65536x128xf32, #tpu.memory_space<hbm>> -> memref<128x128xf32, #tpu.memory_space<hbm>>
    tpu.wait_dma2 semaphore(%dma_wait3A_730 : memref<!tpu.dma_semaphore, #tpu.memory_space<semaphore_mem>>) src(%dma_wait3A_736 : memref<128x128xf32, #tpu.memory_space<hbm>>) dst(%dma_wait3A_734 : memref<128x128xf32, #tpu.memory_space<vmem>>)
    %dma_start3A_737 = arith.constant 3 : i32
    %dma_start3A_738 = arith.constant 9 : i32
    %dma_start3A_739 = arith.constant 3 : i32
    %dma_start3A_740 = arith.constant 0 : i32
    %dma_start3A_741 = arith.constant 0 : i32
    %dma_start3A_742 = tpu.memref_slice %arg7[%dma_start3A_737, %dma_start3A_740, %dma_start3A_741] : memref<6x128x128xf32, #tpu.memory_space<vmem>> -> memref<1x128x128xf32, #tpu.memory_space<vmem>>
    %dma_start3A_743 = tpu.memref_squeeze %dma_start3A_742 : memref<1x128x128xf32, #tpu.memory_space<vmem>> -> memref<128x128xf32, #tpu.memory_space<vmem>>
    %dma_start3A_744 = arith.constant 0 : i32
    %dma_start3A_745 = tpu.memref_slice %arg6[%dma_start3A_738, %dma_start3A_744] : memref<16x128xi32, #tpu.memory_space<vmem>> -> memref<1x128xi32, #tpu.memory_space<vmem>>
    %dma_start3A_746 = tpu.memref_squeeze %dma_start3A_745 : memref<1x128xi32, #tpu.memory_space<vmem>> -> memref<128xi32, #tpu.memory_space<vmem>>
    %dma_start3A_747 = arith.constant 0 : i32
    %dma_start3A_748 = arith.constant 0 : i32
    %dma_start3A_749 = tpu.memref_slice %arg4[%dma_start3A_747, %dma_start3A_748] : memref<65536x128xf32, #tpu.memory_space<hbm>> -> memref<65536x128xf32, #tpu.memory_space<hbm>>
    %dma_start3A_750 = tpu.memref_slice %arg9[%dma_start3A_739] : memref<6x!tpu.dma_semaphore, #tpu.memory_space<semaphore_mem>> -> memref<1x!tpu.dma_semaphore, #tpu.memory_space<semaphore_mem>>
    %dma_start3A_751 = tpu.memref_squeeze %dma_start3A_750 : memref<1x!tpu.dma_semaphore, #tpu.memory_space<semaphore_mem>> -> memref<!tpu.dma_semaphore, #tpu.memory_space<semaphore_mem>>
    tpu.enqueue_indirect_dma source(%dma_start3A_743 : memref<128x128xf32, #tpu.memory_space<vmem>>) target(%dma_start3A_749 : memref<65536x128xf32, #tpu.memory_space<hbm>>) offsets(%dma_start3A_746 : memref<128xi32, #tpu.memory_space<vmem>>) semaphore(%dma_start3A_751 : memref<!tpu.dma_semaphore, #tpu.memory_space<semaphore_mem>>)
    %dma_wait3A_752 = arith.constant 0 : i32
    %dma_wait3A_753 = arith.constant 6 : i32
    %dma_wait3A_754 = arith.constant 0 : i32
    %dma_wait3A_755 = arith.constant 0 : i32
    %dma_wait3A_756 = arith.constant 0 : i32
    %dma_wait3A_757 = tpu.memref_slice %arg7[%dma_wait3A_752, %dma_wait3A_755, %dma_wait3A_756] : memref<6x128x128xf32, #tpu.memory_space<vmem>> -> memref<1x128x128xf32, #tpu.memory_space<vmem>>
    %dma_wait3A_758 = tpu.memref_squeeze %dma_wait3A_757 : memref<1x128x128xf32, #tpu.memory_space<vmem>> -> memref<128x128xf32, #tpu.memory_space<vmem>>
    %dma_wait3A_759 = arith.constant 0 : i32
    %dma_wait3A_760 = tpu.memref_slice %arg6[%dma_wait3A_753, %dma_wait3A_759] : memref<16x128xi32, #tpu.memory_space<vmem>> -> memref<1x128xi32, #tpu.memory_space<vmem>>
    %dma_wait3A_761 = tpu.memref_squeeze %dma_wait3A_760 : memref<1x128xi32, #tpu.memory_space<vmem>> -> memref<128xi32, #tpu.memory_space<vmem>>
    %dma_wait3A_762 = arith.constant 0 : i32
    %dma_wait3A_763 = arith.constant 0 : i32
    %dma_wait3A_764 = tpu.memref_slice %arg4[%dma_wait3A_762, %dma_wait3A_763] : memref<65536x128xf32, #tpu.memory_space<hbm>> -> memref<65536x128xf32, #tpu.memory_space<hbm>>
    %dma_wait3A_765 = tpu.memref_slice %arg9[%dma_wait3A_754] : memref<6x!tpu.dma_semaphore, #tpu.memory_space<semaphore_mem>> -> memref<1x!tpu.dma_semaphore, #tpu.memory_space<semaphore_mem>>
    %dma_wait3A_766 = tpu.memref_squeeze %dma_wait3A_765 : memref<1x!tpu.dma_semaphore, #tpu.memory_space<semaphore_mem>> -> memref<!tpu.dma_semaphore, #tpu.memory_space<semaphore_mem>>
    tpu.wait_indirect_dma semaphore(%dma_wait3A_766 : memref<!tpu.dma_semaphore, #tpu.memory_space<semaphore_mem>>) src(%dma_wait3A_758 : memref<128x128xf32, #tpu.memory_space<vmem>>) dst(%dma_wait3A_764 : memref<65536x128xf32, #tpu.memory_space<hbm>>)
    %add3A_767 = arith.constant 1536 : i32
    %add3A_768 = arith.addi %add3A_35, %add3A_767 : i32
    %dma_start3A_769 = arith.constant 0 : i32
    %dma_start3A_770 = arith.constant 0 : i32
    %dma_start3A_771 = arith.constant 0 : i32
    %dma_start3A_772 = arith.constant 0 : i32
    %dma_start3A_773 = tpu.memref_slice %arg7[%dma_start3A_769, %dma_start3A_771, %dma_start3A_772] : memref<6x128x128xf32, #tpu.memory_space<vmem>> -> memref<1x128x128xf32, #tpu.memory_space<vmem>>
    %dma_start3A_774 = tpu.memref_squeeze %dma_start3A_773 : memref<1x128x128xf32, #tpu.memory_space<vmem>> -> memref<128x128xf32, #tpu.memory_space<vmem>>
    %dma_start3A_775 = arith.constant 0 : i32
    %dma_start3A_776 = tpu.memref_slice %arg2[%add3A_768, %dma_start3A_775] : memref<65536x128xf32, #tpu.memory_space<hbm>> -> memref<128x128xf32, #tpu.memory_space<hbm>>
    %dma_start3A_777 = tpu.memref_slice %arg8[%dma_start3A_770] : memref<6x!tpu.dma_semaphore, #tpu.memory_space<semaphore_mem>> -> memref<1x!tpu.dma_semaphore, #tpu.memory_space<semaphore_mem>>
    %dma_start3A_778 = tpu.memref_squeeze %dma_start3A_777 : memref<1x!tpu.dma_semaphore, #tpu.memory_space<semaphore_mem>> -> memref<!tpu.dma_semaphore, #tpu.memory_space<semaphore_mem>>
    %dma_start3A_779 = arith.constant 0 : i32
    %dma_start3A_780 = arith.constant 0 : i32
    %dma_start3A_781 = tpu.memref_slice %arg7[%dma_start3A_769, %dma_start3A_779, %dma_start3A_780] : memref<6x128x128xf32, #tpu.memory_space<vmem>> -> memref<1x128x128xf32, #tpu.memory_space<vmem>>
    %dma_start3A_782 = tpu.memref_squeeze %dma_start3A_781 : memref<1x128x128xf32, #tpu.memory_space<vmem>> -> memref<128x128xf32, #tpu.memory_space<vmem>>
    %dma_start3A_783 = arith.constant 0 : i32
    %dma_start3A_784 = tpu.memref_slice %arg2[%add3A_768, %dma_start3A_783] : memref<65536x128xf32, #tpu.memory_space<hbm>> -> memref<128x128xf32, #tpu.memory_space<hbm>>
    tpu.enqueue_dma source(%dma_start3A_784 : memref<128x128xf32, #tpu.memory_space<hbm>>) target(%dma_start3A_782 : memref<128x128xf32, #tpu.memory_space<vmem>>) target_semaphore(%dma_start3A_778 : memref<!tpu.dma_semaphore, #tpu.memory_space<semaphore_mem>>)
    %scan3A_785 = arith.constant 0 : i32
    %scan3A_786 = arith.constant 8 : i32
    %scan3A_787 = arith.addi %scan3A_785, %scan3A_786 : i32
    %scan3A_788 = arith.constant 1 : i32
    %scan3A_789 = scf.for %scan3A_1196 = %scan3A_785 to %scan3A_787 step %scan3A_788 iter_args(%scan3A_1197 = %scan3A_719) -> (i32)  : i32 {
      %mul3A_1198 = arith.constant 2048 : i32
      %mul3A_1199 = arith.muli %select_n3A_30, %mul3A_1198 : i32
      %add3A_1200 = arith.constant 1280 : i32
      %add3A_1201 = arith.addi %mul3A_1199, %add3A_1200 : i32
      %mul3A_1202 = arith.constant 16 : i32
      %mul3A_1203 = arith.muli %scan3A_1196, %mul3A_1202 : i32
      %add3A_1204 = arith.addi %add3A_1201, %mul3A_1203 : i32
      %get3A = arith.index_cast %add3A_1204 : i32 to index
      %get3A_1205 = tpu.vector_load %arg5[%get3A] {strides = array<i32>} : memref<4096xi32, #tpu.memory_space<vmem>>, vector<16xi32>,
      %lt3A_1206 = arith.constant 3 : i32
      %lt3A_1207 = vector.broadcast %lt3A_1206 : i32 to vector<16xi32>
      %lt3A_1208 = arith.cmpi slt, %get3A_1205, %lt3A_1207 : vector<16xi32>
      %jit3A_1209 = arith.constant 1 : i32
      %jit3A_1210 = arith.constant 0 : i32
      %broadcast_in_dim3A_1211 = vector.broadcast %jit3A_1209 : i32 to vector<16xi32>
      %broadcast_in_dim3A_1212 = vector.broadcast %jit3A_1210 : i32 to vector<16xi32>
      %select_n3A_1213 = arith.select %lt3A_1208, %broadcast_in_dim3A_1211, %broadcast_in_dim3A_1212 : vector<16xi1>, vector<16xi32>
      %broadcast_in_dim3A_1214 = arith.constant true
      %broadcast_in_dim3A_1215 = vector.broadcast %broadcast_in_dim3A_1214 : i1 to vector<16xi1>
      %masked_cumsum3A = tpu.scan <sum>, %select_n3A_1213 masked %broadcast_in_dim3A_1215 : vector<16xi32>, vector<16xi1> -> vector<16xi32>
      %mul3A_1216 = arith.constant 16 : i32
      %mul3A_1217 = arith.muli %scan3A_1196, %mul3A_1216 : i32
      %add3A_1218 = arith.constant 1280 : i32
      %add3A_1219 = arith.addi %add3A_1218, %mul3A_1217 : i32
      %add3A_1220 = vector.broadcast %add3A_1219 : i32 to vector<16xi32>
      %add3A_1221 = arith.addi %iota3A, %add3A_1220 : vector<16xi32>
      %add3A_1222 = vector.broadcast %scan3A_1197 : i32 to vector<16xi32>
      %add3A_1223 = arith.addi %add3A_1222, %masked_cumsum3A : vector<16xi32>
      %add3A_1224 = vector.broadcast %add3A_122 : i32 to vector<16xi32>
      %add3A_1225 = arith.addi %add3A_1224, %add3A_1223 : vector<16xi32>
      %sub3A_1226 = arith.constant 1 : i32
      %sub3A_1227 = vector.broadcast %sub3A_1226 : i32 to vector<16xi32>
      %sub3A_1228 = arith.subi %add3A_1225, %sub3A_1227 : vector<16xi32>
      %add3A_1229 = vector.broadcast %add3A_128 : i32 to vector<16xi32>
      %add3A_1230 = arith.addi %add3A_1229, %add3A_1221 : vector<16xi32>
      %sub3A_1231 = arith.subi %add3A_1230, %add3A_1223 : vector<16xi32>
      %select_n3A_1232 = arith.select %lt3A_1208, %sub3A_1228, %sub3A_1231 : vector<16xi1>, vector<16xi32>
      %mul3A_1233 = arith.constant 16 : i32
      %mul3A_1234 = arith.muli %scan3A_1196, %mul3A_1233 : i32
      %swap3A = arith.constant 10 : i32
      %swap3A_1235 = arith.index_cast %swap3A : i32 to index
      %swap3A_1236 = arith.index_cast %mul3A_1234 : i32 to index
      %swap3A_1237 = tpu.vector_load %arg6[%swap3A_1235, %swap3A_1236] {strides = array<i32>} : memref<16x128xi32, #tpu.memory_space<vmem>>, vector<16xi32>,
      tpu.vector_store %arg6[%swap3A_1235, %swap3A_1236], %select_n3A_1232 {strides = array<i32>} : memref<16x128xi32, #tpu.memory_space<vmem>>, vector<16xi32>,
      %reduce_sum3A_1238 = arith.constant true
      %reduce_sum3A_1239 = vector.broadcast %reduce_sum3A_1238 : i1 to vector<16xi1>
      %reduce_sum3A_1240 = tpu.scan <sum>, %select_n3A_1213 masked %reduce_sum3A_1239 : vector<16xi32>, vector<16xi1> -> vector<16xi32>
      %reduce_sum3A_1241 = vector.extract %reduce_sum3A_1240[15] : i32 from vector<16xi32>
      %add3A_1242 = arith.addi %scan3A_1197, %reduce_sum3A_1241 : i32
      scf.yield %add3A_1242 : i32
    }
    %scan3A_790 = arith.constant 8 : i32
    %dma_wait3A_791 = arith.constant 4 : i32
    %dma_wait3A_792 = arith.constant 4 : i32
    %dma_wait3A_793 = arith.constant 0 : i32
    %dma_wait3A_794 = arith.constant 0 : i32
    %dma_wait3A_795 = tpu.memref_slice %arg7[%dma_wait3A_791, %dma_wait3A_793, %dma_wait3A_794] : memref<6x128x128xf32, #tpu.memory_space<vmem>> -> memref<1x128x128xf32, #tpu.memory_space<vmem>>
    %dma_wait3A_796 = tpu.memref_squeeze %dma_wait3A_795 : memref<1x128x128xf32, #tpu.memory_space<vmem>> -> memref<128x128xf32, #tpu.memory_space<vmem>>
    %dma_wait3A_797 = arith.constant 0 : i32
    %dma_wait3A_798 = tpu.memref_slice %arg2[%add3A_628, %dma_wait3A_797] : memref<65536x128xf32, #tpu.memory_space<hbm>> -> memref<128x128xf32, #tpu.memory_space<hbm>>
    %dma_wait3A_799 = tpu.memref_slice %arg8[%dma_wait3A_792] : memref<6x!tpu.dma_semaphore, #tpu.memory_space<semaphore_mem>> -> memref<1x!tpu.dma_semaphore, #tpu.memory_space<semaphore_mem>>
    %dma_wait3A_800 = tpu.memref_squeeze %dma_wait3A_799 : memref<1x!tpu.dma_semaphore, #tpu.memory_space<semaphore_mem>> -> memref<!tpu.dma_semaphore, #tpu.memory_space<semaphore_mem>>
    %dma_wait3A_801 = arith.constant 0 : i32
    %dma_wait3A_802 = arith.constant 0 : i32
    %dma_wait3A_803 = tpu.memref_slice %arg7[%dma_wait3A_791, %dma_wait3A_801, %dma_wait3A_802] : memref<6x128x128xf32, #tpu.memory_space<vmem>> -> memref<1x128x128xf32, #tpu.memory_space<vmem>>
    %dma_wait3A_804 = tpu.memref_squeeze %dma_wait3A_803 : memref<1x128x128xf32, #tpu.memory_space<vmem>> -> memref<128x128xf32, #tpu.memory_space<vmem>>
    %dma_wait3A_805 = arith.constant 0 : i32
    %dma_wait3A_806 = tpu.memref_slice %arg2[%add3A_628, %dma_wait3A_805] : memref<65536x128xf32, #tpu.memory_space<hbm>> -> memref<128x128xf32, #tpu.memory_space<hbm>>
    tpu.wait_dma2 semaphore(%dma_wait3A_800 : memref<!tpu.dma_semaphore, #tpu.memory_space<semaphore_mem>>) src(%dma_wait3A_806 : memref<128x128xf32, #tpu.memory_space<hbm>>) dst(%dma_wait3A_804 : memref<128x128xf32, #tpu.memory_space<vmem>>)
    %dma_start3A_807 = arith.constant 4 : i32
    %dma_start3A_808 = arith.constant 10 : i32
    %dma_start3A_809 = arith.constant 4 : i32
    %dma_start3A_810 = arith.constant 0 : i32
    %dma_start3A_811 = arith.constant 0 : i32
    %dma_start3A_812 = tpu.memref_slice %arg7[%dma_start3A_807, %dma_start3A_810, %dma_start3A_811] : memref<6x128x128xf32, #tpu.memory_space<vmem>> -> memref<1x128x128xf32, #tpu.memory_space<vmem>>
    %dma_start3A_813 = tpu.memref_squeeze %dma_start3A_812 : memref<1x128x128xf32, #tpu.memory_space<vmem>> -> memref<128x128xf32, #tpu.memory_space<vmem>>
    %dma_start3A_814 = arith.constant 0 : i32
    %dma_start3A_815 = tpu.memref_slice %arg6[%dma_start3A_808, %dma_start3A_814] : memref<16x128xi32, #tpu.memory_space<vmem>> -> memref<1x128xi32, #tpu.memory_space<vmem>>
    %dma_start3A_816 = tpu.memref_squeeze %dma_start3A_815 : memref<1x128xi32, #tpu.memory_space<vmem>> -> memref<128xi32, #tpu.memory_space<vmem>>
    %dma_start3A_817 = arith.constant 0 : i32
    %dma_start3A_818 = arith.constant 0 : i32
    %dma_start3A_819 = tpu.memref_slice %arg4[%dma_start3A_817, %dma_start3A_818] : memref<65536x128xf32, #tpu.memory_space<hbm>> -> memref<65536x128xf32, #tpu.memory_space<hbm>>
    %dma_start3A_820 = tpu.memref_slice %arg9[%dma_start3A_809] : memref<6x!tpu.dma_semaphore, #tpu.memory_space<semaphore_mem>> -> memref<1x!tpu.dma_semaphore, #tpu.memory_space<semaphore_mem>>
    %dma_start3A_821 = tpu.memref_squeeze %dma_start3A_820 : memref<1x!tpu.dma_semaphore, #tpu.memory_space<semaphore_mem>> -> memref<!tpu.dma_semaphore, #tpu.memory_space<semaphore_mem>>
    tpu.enqueue_indirect_dma source(%dma_start3A_813 : memref<128x128xf32, #tpu.memory_space<vmem>>) target(%dma_start3A_819 : memref<65536x128xf32, #tpu.memory_space<hbm>>) offsets(%dma_start3A_816 : memref<128xi32, #tpu.memory_space<vmem>>) semaphore(%dma_start3A_821 : memref<!tpu.dma_semaphore, #tpu.memory_space<semaphore_mem>>)
    %dma_wait3A_822 = arith.constant 1 : i32
    %dma_wait3A_823 = arith.constant 7 : i32
    %dma_wait3A_824 = arith.constant 1 : i32
    %dma_wait3A_825 = arith.constant 0 : i32
    %dma_wait3A_826 = arith.constant 0 : i32
    %dma_wait3A_827 = tpu.memref_slice %arg7[%dma_wait3A_822, %dma_wait3A_825, %dma_wait3A_826] : memref<6x128x128xf32, #tpu.memory_space<vmem>> -> memref<1x128x128xf32, #tpu.memory_space<vmem>>
    %dma_wait3A_828 = tpu.memref_squeeze %dma_wait3A_827 : memref<1x128x128xf32, #tpu.memory_space<vmem>> -> memref<128x128xf32, #tpu.memory_space<vmem>>
    %dma_wait3A_829 = arith.constant 0 : i32
    %dma_wait3A_830 = tpu.memref_slice %arg6[%dma_wait3A_823, %dma_wait3A_829] : memref<16x128xi32, #tpu.memory_space<vmem>> -> memref<1x128xi32, #tpu.memory_space<vmem>>
    %dma_wait3A_831 = tpu.memref_squeeze %dma_wait3A_830 : memref<1x128xi32, #tpu.memory_space<vmem>> -> memref<128xi32, #tpu.memory_space<vmem>>
    %dma_wait3A_832 = arith.constant 0 : i32
    %dma_wait3A_833 = arith.constant 0 : i32
    %dma_wait3A_834 = tpu.memref_slice %arg4[%dma_wait3A_832, %dma_wait3A_833] : memref<65536x128xf32, #tpu.memory_space<hbm>> -> memref<65536x128xf32, #tpu.memory_space<hbm>>
    %dma_wait3A_835 = tpu.memref_slice %arg9[%dma_wait3A_824] : memref<6x!tpu.dma_semaphore, #tpu.memory_space<semaphore_mem>> -> memref<1x!tpu.dma_semaphore, #tpu.memory_space<semaphore_mem>>
    %dma_wait3A_836 = tpu.memref_squeeze %dma_wait3A_835 : memref<1x!tpu.dma_semaphore, #tpu.memory_space<semaphore_mem>> -> memref<!tpu.dma_semaphore, #tpu.memory_space<semaphore_mem>>
    tpu.wait_indirect_dma semaphore(%dma_wait3A_836 : memref<!tpu.dma_semaphore, #tpu.memory_space<semaphore_mem>>) src(%dma_wait3A_828 : memref<128x128xf32, #tpu.memory_space<vmem>>) dst(%dma_wait3A_834 : memref<65536x128xf32, #tpu.memory_space<hbm>>)
    %add3A_837 = arith.constant 1664 : i32
    %add3A_838 = arith.addi %add3A_35, %add3A_837 : i32
    %dma_start3A_839 = arith.constant 1 : i32
    %dma_start3A_840 = arith.constant 1 : i32
    %dma_start3A_841 = arith.constant 0 : i32
    %dma_start3A_842 = arith.constant 0 : i32
    %dma_start3A_843 = tpu.memref_slice %arg7[%dma_start3A_839, %dma_start3A_841, %dma_start3A_842] : memref<6x128x128xf32, #tpu.memory_space<vmem>> -> memref<1x128x128xf32, #tpu.memory_space<vmem>>
    %dma_start3A_844 = tpu.memref_squeeze %dma_start3A_843 : memref<1x128x128xf32, #tpu.memory_space<vmem>> -> memref<128x128xf32, #tpu.memory_space<vmem>>
    %dma_start3A_845 = arith.constant 0 : i32
    %dma_start3A_846 = tpu.memref_slice %arg2[%add3A_838, %dma_start3A_845] : memref<65536x128xf32, #tpu.memory_space<hbm>> -> memref<128x128xf32, #tpu.memory_space<hbm>>
    %dma_start3A_847 = tpu.memref_slice %arg8[%dma_start3A_840] : memref<6x!tpu.dma_semaphore, #tpu.memory_space<semaphore_mem>> -> memref<1x!tpu.dma_semaphore, #tpu.memory_space<semaphore_mem>>
    %dma_start3A_848 = tpu.memref_squeeze %dma_start3A_847 : memref<1x!tpu.dma_semaphore, #tpu.memory_space<semaphore_mem>> -> memref<!tpu.dma_semaphore, #tpu.memory_space<semaphore_mem>>
    %dma_start3A_849 = arith.constant 0 : i32
    %dma_start3A_850 = arith.constant 0 : i32
    %dma_start3A_851 = tpu.memref_slice %arg7[%dma_start3A_839, %dma_start3A_849, %dma_start3A_850] : memref<6x128x128xf32, #tpu.memory_space<vmem>> -> memref<1x128x128xf32, #tpu.memory_space<vmem>>
    %dma_start3A_852 = tpu.memref_squeeze %dma_start3A_851 : memref<1x128x128xf32, #tpu.memory_space<vmem>> -> memref<128x128xf32, #tpu.memory_space<vmem>>
    %dma_start3A_853 = arith.constant 0 : i32
    %dma_start3A_854 = tpu.memref_slice %arg2[%add3A_838, %dma_start3A_853] : memref<65536x128xf32, #tpu.memory_space<hbm>> -> memref<128x128xf32, #tpu.memory_space<hbm>>
    tpu.enqueue_dma source(%dma_start3A_854 : memref<128x128xf32, #tpu.memory_space<hbm>>) target(%dma_start3A_852 : memref<128x128xf32, #tpu.memory_space<vmem>>) target_semaphore(%dma_start3A_848 : memref<!tpu.dma_semaphore, #tpu.memory_space<semaphore_mem>>)
    %scan3A_855 = arith.constant 0 : i32
    %scan3A_856 = arith.constant 8 : i32
    %scan3A_857 = arith.addi %scan3A_855, %scan3A_856 : i32
    %scan3A_858 = arith.constant 1 : i32
    %scan3A_859 = scf.for %scan3A_1196 = %scan3A_855 to %scan3A_857 step %scan3A_858 iter_args(%scan3A_1197 = %scan3A_789) -> (i32)  : i32 {
      %mul3A_1198 = arith.constant 2048 : i32
      %mul3A_1199 = arith.muli %select_n3A_30, %mul3A_1198 : i32
      %add3A_1200 = arith.constant 1408 : i32
      %add3A_1201 = arith.addi %mul3A_1199, %add3A_1200 : i32
      %mul3A_1202 = arith.constant 16 : i32
      %mul3A_1203 = arith.muli %scan3A_1196, %mul3A_1202 : i32
      %add3A_1204 = arith.addi %add3A_1201, %mul3A_1203 : i32
      %get3A = arith.index_cast %add3A_1204 : i32 to index
      %get3A_1205 = tpu.vector_load %arg5[%get3A] {strides = array<i32>} : memref<4096xi32, #tpu.memory_space<vmem>>, vector<16xi32>,
      %lt3A_1206 = arith.constant 3 : i32
      %lt3A_1207 = vector.broadcast %lt3A_1206 : i32 to vector<16xi32>
      %lt3A_1208 = arith.cmpi slt, %get3A_1205, %lt3A_1207 : vector<16xi32>
      %jit3A_1209 = arith.constant 1 : i32
      %jit3A_1210 = arith.constant 0 : i32
      %broadcast_in_dim3A_1211 = vector.broadcast %jit3A_1209 : i32 to vector<16xi32>
      %broadcast_in_dim3A_1212 = vector.broadcast %jit3A_1210 : i32 to vector<16xi32>
      %select_n3A_1213 = arith.select %lt3A_1208, %broadcast_in_dim3A_1211, %broadcast_in_dim3A_1212 : vector<16xi1>, vector<16xi32>
      %broadcast_in_dim3A_1214 = arith.constant true
      %broadcast_in_dim3A_1215 = vector.broadcast %broadcast_in_dim3A_1214 : i1 to vector<16xi1>
      %masked_cumsum3A = tpu.scan <sum>, %select_n3A_1213 masked %broadcast_in_dim3A_1215 : vector<16xi32>, vector<16xi1> -> vector<16xi32>
      %mul3A_1216 = arith.constant 16 : i32
      %mul3A_1217 = arith.muli %scan3A_1196, %mul3A_1216 : i32
      %add3A_1218 = arith.constant 1408 : i32
      %add3A_1219 = arith.addi %add3A_1218, %mul3A_1217 : i32
      %add3A_1220 = vector.broadcast %add3A_1219 : i32 to vector<16xi32>
      %add3A_1221 = arith.addi %iota3A, %add3A_1220 : vector<16xi32>
      %add3A_1222 = vector.broadcast %scan3A_1197 : i32 to vector<16xi32>
      %add3A_1223 = arith.addi %add3A_1222, %masked_cumsum3A : vector<16xi32>
      %add3A_1224 = vector.broadcast %add3A_122 : i32 to vector<16xi32>
      %add3A_1225 = arith.addi %add3A_1224, %add3A_1223 : vector<16xi32>
      %sub3A_1226 = arith.constant 1 : i32
      %sub3A_1227 = vector.broadcast %sub3A_1226 : i32 to vector<16xi32>
      %sub3A_1228 = arith.subi %add3A_1225, %sub3A_1227 : vector<16xi32>
      %add3A_1229 = vector.broadcast %add3A_128 : i32 to vector<16xi32>
      %add3A_1230 = arith.addi %add3A_1229, %add3A_1221 : vector<16xi32>
      %sub3A_1231 = arith.subi %add3A_1230, %add3A_1223 : vector<16xi32>
      %select_n3A_1232 = arith.select %lt3A_1208, %sub3A_1228, %sub3A_1231 : vector<16xi1>, vector<16xi32>
      %mul3A_1233 = arith.constant 16 : i32
      %mul3A_1234 = arith.muli %scan3A_1196, %mul3A_1233 : i32
      %swap3A = arith.constant 11 : i32
      %swap3A_1235 = arith.index_cast %swap3A : i32 to index
      %swap3A_1236 = arith.index_cast %mul3A_1234 : i32 to index
      %swap3A_1237 = tpu.vector_load %arg6[%swap3A_1235, %swap3A_1236] {strides = array<i32>} : memref<16x128xi32, #tpu.memory_space<vmem>>, vector<16xi32>,
      tpu.vector_store %arg6[%swap3A_1235, %swap3A_1236], %select_n3A_1232 {strides = array<i32>} : memref<16x128xi32, #tpu.memory_space<vmem>>, vector<16xi32>,
      %reduce_sum3A_1238 = arith.constant true
      %reduce_sum3A_1239 = vector.broadcast %reduce_sum3A_1238 : i1 to vector<16xi1>
      %reduce_sum3A_1240 = tpu.scan <sum>, %select_n3A_1213 masked %reduce_sum3A_1239 : vector<16xi32>, vector<16xi1> -> vector<16xi32>
      %reduce_sum3A_1241 = vector.extract %reduce_sum3A_1240[15] : i32 from vector<16xi32>
      %add3A_1242 = arith.addi %scan3A_1197, %reduce_sum3A_1241 : i32
      scf.yield %add3A_1242 : i32
    }
    %scan3A_860 = arith.constant 8 : i32
    %dma_wait3A_861 = arith.constant 5 : i32
    %dma_wait3A_862 = arith.constant 5 : i32
    %dma_wait3A_863 = arith.constant 0 : i32
    %dma_wait3A_864 = arith.constant 0 : i32
    %dma_wait3A_865 = tpu.memref_slice %arg7[%dma_wait3A_861, %dma_wait3A_863, %dma_wait3A_864] : memref<6x128x128xf32, #tpu.memory_space<vmem>> -> memref<1x128x128xf32, #tpu.memory_space<vmem>>
    %dma_wait3A_866 = tpu.memref_squeeze %dma_wait3A_865 : memref<1x128x128xf32, #tpu.memory_space<vmem>> -> memref<128x128xf32, #tpu.memory_space<vmem>>
    %dma_wait3A_867 = arith.constant 0 : i32
    %dma_wait3A_868 = tpu.memref_slice %arg2[%add3A_698, %dma_wait3A_867] : memref<65536x128xf32, #tpu.memory_space<hbm>> -> memref<128x128xf32, #tpu.memory_space<hbm>>
    %dma_wait3A_869 = tpu.memref_slice %arg8[%dma_wait3A_862] : memref<6x!tpu.dma_semaphore, #tpu.memory_space<semaphore_mem>> -> memref<1x!tpu.dma_semaphore, #tpu.memory_space<semaphore_mem>>
    %dma_wait3A_870 = tpu.memref_squeeze %dma_wait3A_869 : memref<1x!tpu.dma_semaphore, #tpu.memory_space<semaphore_mem>> -> memref<!tpu.dma_semaphore, #tpu.memory_space<semaphore_mem>>
    %dma_wait3A_871 = arith.constant 0 : i32
    %dma_wait3A_872 = arith.constant 0 : i32
    %dma_wait3A_873 = tpu.memref_slice %arg7[%dma_wait3A_861, %dma_wait3A_871, %dma_wait3A_872] : memref<6x128x128xf32, #tpu.memory_space<vmem>> -> memref<1x128x128xf32, #tpu.memory_space<vmem>>
    %dma_wait3A_874 = tpu.memref_squeeze %dma_wait3A_873 : memref<1x128x128xf32, #tpu.memory_space<vmem>> -> memref<128x128xf32, #tpu.memory_space<vmem>>
    %dma_wait3A_875 = arith.constant 0 : i32
    %dma_wait3A_876 = tpu.memref_slice %arg2[%add3A_698, %dma_wait3A_875] : memref<65536x128xf32, #tpu.memory_space<hbm>> -> memref<128x128xf32, #tpu.memory_space<hbm>>
    tpu.wait_dma2 semaphore(%dma_wait3A_870 : memref<!tpu.dma_semaphore, #tpu.memory_space<semaphore_mem>>) src(%dma_wait3A_876 : memref<128x128xf32, #tpu.memory_space<hbm>>) dst(%dma_wait3A_874 : memref<128x128xf32, #tpu.memory_space<vmem>>)
    %dma_start3A_877 = arith.constant 5 : i32
    %dma_start3A_878 = arith.constant 11 : i32
    %dma_start3A_879 = arith.constant 5 : i32
    %dma_start3A_880 = arith.constant 0 : i32
    %dma_start3A_881 = arith.constant 0 : i32
    %dma_start3A_882 = tpu.memref_slice %arg7[%dma_start3A_877, %dma_start3A_880, %dma_start3A_881] : memref<6x128x128xf32, #tpu.memory_space<vmem>> -> memref<1x128x128xf32, #tpu.memory_space<vmem>>
    %dma_start3A_883 = tpu.memref_squeeze %dma_start3A_882 : memref<1x128x128xf32, #tpu.memory_space<vmem>> -> memref<128x128xf32, #tpu.memory_space<vmem>>
    %dma_start3A_884 = arith.constant 0 : i32
    %dma_start3A_885 = tpu.memref_slice %arg6[%dma_start3A_878, %dma_start3A_884] : memref<16x128xi32, #tpu.memory_space<vmem>> -> memref<1x128xi32, #tpu.memory_space<vmem>>
    %dma_start3A_886 = tpu.memref_squeeze %dma_start3A_885 : memref<1x128xi32, #tpu.memory_space<vmem>> -> memref<128xi32, #tpu.memory_space<vmem>>
    %dma_start3A_887 = arith.constant 0 : i32
    %dma_start3A_888 = arith.constant 0 : i32
    %dma_start3A_889 = tpu.memref_slice %arg4[%dma_start3A_887, %dma_start3A_888] : memref<65536x128xf32, #tpu.memory_space<hbm>> -> memref<65536x128xf32, #tpu.memory_space<hbm>>
    %dma_start3A_890 = tpu.memref_slice %arg9[%dma_start3A_879] : memref<6x!tpu.dma_semaphore, #tpu.memory_space<semaphore_mem>> -> memref<1x!tpu.dma_semaphore, #tpu.memory_space<semaphore_mem>>
    %dma_start3A_891 = tpu.memref_squeeze %dma_start3A_890 : memref<1x!tpu.dma_semaphore, #tpu.memory_space<semaphore_mem>> -> memref<!tpu.dma_semaphore, #tpu.memory_space<semaphore_mem>>
    tpu.enqueue_indirect_dma source(%dma_start3A_883 : memref<128x128xf32, #tpu.memory_space<vmem>>) target(%dma_start3A_889 : memref<65536x128xf32, #tpu.memory_space<hbm>>) offsets(%dma_start3A_886 : memref<128xi32, #tpu.memory_space<vmem>>) semaphore(%dma_start3A_891 : memref<!tpu.dma_semaphore, #tpu.memory_space<semaphore_mem>>)
    %dma_wait3A_892 = arith.constant 2 : i32
    %dma_wait3A_893 = arith.constant 8 : i32
    %dma_wait3A_894 = arith.constant 2 : i32
    %dma_wait3A_895 = arith.constant 0 : i32
    %dma_wait3A_896 = arith.constant 0 : i32
    %dma_wait3A_897 = tpu.memref_slice %arg7[%dma_wait3A_892, %dma_wait3A_895, %dma_wait3A_896] : memref<6x128x128xf32, #tpu.memory_space<vmem>> -> memref<1x128x128xf32, #tpu.memory_space<vmem>>
    %dma_wait3A_898 = tpu.memref_squeeze %dma_wait3A_897 : memref<1x128x128xf32, #tpu.memory_space<vmem>> -> memref<128x128xf32, #tpu.memory_space<vmem>>
    %dma_wait3A_899 = arith.constant 0 : i32
    %dma_wait3A_900 = tpu.memref_slice %arg6[%dma_wait3A_893, %dma_wait3A_899] : memref<16x128xi32, #tpu.memory_space<vmem>> -> memref<1x128xi32, #tpu.memory_space<vmem>>
    %dma_wait3A_901 = tpu.memref_squeeze %dma_wait3A_900 : memref<1x128xi32, #tpu.memory_space<vmem>> -> memref<128xi32, #tpu.memory_space<vmem>>
    %dma_wait3A_902 = arith.constant 0 : i32
    %dma_wait3A_903 = arith.constant 0 : i32
    %dma_wait3A_904 = tpu.memref_slice %arg4[%dma_wait3A_902, %dma_wait3A_903] : memref<65536x128xf32, #tpu.memory_space<hbm>> -> memref<65536x128xf32, #tpu.memory_space<hbm>>
    %dma_wait3A_905 = tpu.memref_slice %arg9[%dma_wait3A_894] : memref<6x!tpu.dma_semaphore, #tpu.memory_space<semaphore_mem>> -> memref<1x!tpu.dma_semaphore, #tpu.memory_space<semaphore_mem>>
    %dma_wait3A_906 = tpu.memref_squeeze %dma_wait3A_905 : memref<1x!tpu.dma_semaphore, #tpu.memory_space<semaphore_mem>> -> memref<!tpu.dma_semaphore, #tpu.memory_space<semaphore_mem>>
    tpu.wait_indirect_dma semaphore(%dma_wait3A_906 : memref<!tpu.dma_semaphore, #tpu.memory_space<semaphore_mem>>) src(%dma_wait3A_898 : memref<128x128xf32, #tpu.memory_space<vmem>>) dst(%dma_wait3A_904 : memref<65536x128xf32, #tpu.memory_space<hbm>>)
    %add3A_907 = arith.constant 1792 : i32
    %add3A_908 = arith.addi %add3A_35, %add3A_907 : i32
    %dma_start3A_909 = arith.constant 2 : i32
    %dma_start3A_910 = arith.constant 2 : i32
    %dma_start3A_911 = arith.constant 0 : i32
    %dma_start3A_912 = arith.constant 0 : i32
    %dma_start3A_913 = tpu.memref_slice %arg7[%dma_start3A_909, %dma_start3A_911, %dma_start3A_912] : memref<6x128x128xf32, #tpu.memory_space<vmem>> -> memref<1x128x128xf32, #tpu.memory_space<vmem>>
    %dma_start3A_914 = tpu.memref_squeeze %dma_start3A_913 : memref<1x128x128xf32, #tpu.memory_space<vmem>> -> memref<128x128xf32, #tpu.memory_space<vmem>>
    %dma_start3A_915 = arith.constant 0 : i32
    %dma_start3A_916 = tpu.memref_slice %arg2[%add3A_908, %dma_start3A_915] : memref<65536x128xf32, #tpu.memory_space<hbm>> -> memref<128x128xf32, #tpu.memory_space<hbm>>
    %dma_start3A_917 = tpu.memref_slice %arg8[%dma_start3A_910] : memref<6x!tpu.dma_semaphore, #tpu.memory_space<semaphore_mem>> -> memref<1x!tpu.dma_semaphore, #tpu.memory_space<semaphore_mem>>
    %dma_start3A_918 = tpu.memref_squeeze %dma_start3A_917 : memref<1x!tpu.dma_semaphore, #tpu.memory_space<semaphore_mem>> -> memref<!tpu.dma_semaphore, #tpu.memory_space<semaphore_mem>>
    %dma_start3A_919 = arith.constant 0 : i32
    %dma_start3A_920 = arith.constant 0 : i32
    %dma_start3A_921 = tpu.memref_slice %arg7[%dma_start3A_909, %dma_start3A_919, %dma_start3A_920] : memref<6x128x128xf32, #tpu.memory_space<vmem>> -> memref<1x128x128xf32, #tpu.memory_space<vmem>>
    %dma_start3A_922 = tpu.memref_squeeze %dma_start3A_921 : memref<1x128x128xf32, #tpu.memory_space<vmem>> -> memref<128x128xf32, #tpu.memory_space<vmem>>
    %dma_start3A_923 = arith.constant 0 : i32
    %dma_start3A_924 = tpu.memref_slice %arg2[%add3A_908, %dma_start3A_923] : memref<65536x128xf32, #tpu.memory_space<hbm>> -> memref<128x128xf32, #tpu.memory_space<hbm>>
    tpu.enqueue_dma source(%dma_start3A_924 : memref<128x128xf32, #tpu.memory_space<hbm>>) target(%dma_start3A_922 : memref<128x128xf32, #tpu.memory_space<vmem>>) target_semaphore(%dma_start3A_918 : memref<!tpu.dma_semaphore, #tpu.memory_space<semaphore_mem>>)
    %scan3A_925 = arith.constant 0 : i32
    %scan3A_926 = arith.constant 8 : i32
    %scan3A_927 = arith.addi %scan3A_925, %scan3A_926 : i32
    %scan3A_928 = arith.constant 1 : i32
    %scan3A_929 = scf.for %scan3A_1196 = %scan3A_925 to %scan3A_927 step %scan3A_928 iter_args(%scan3A_1197 = %scan3A_859) -> (i32)  : i32 {
      %mul3A_1198 = arith.constant 2048 : i32
      %mul3A_1199 = arith.muli %select_n3A_30, %mul3A_1198 : i32
      %add3A_1200 = arith.constant 1536 : i32
      %add3A_1201 = arith.addi %mul3A_1199, %add3A_1200 : i32
      %mul3A_1202 = arith.constant 16 : i32
      %mul3A_1203 = arith.muli %scan3A_1196, %mul3A_1202 : i32
      %add3A_1204 = arith.addi %add3A_1201, %mul3A_1203 : i32
      %get3A = arith.index_cast %add3A_1204 : i32 to index
      %get3A_1205 = tpu.vector_load %arg5[%get3A] {strides = array<i32>} : memref<4096xi32, #tpu.memory_space<vmem>>, vector<16xi32>,
      %lt3A_1206 = arith.constant 3 : i32
      %lt3A_1207 = vector.broadcast %lt3A_1206 : i32 to vector<16xi32>
      %lt3A_1208 = arith.cmpi slt, %get3A_1205, %lt3A_1207 : vector<16xi32>
      %jit3A_1209 = arith.constant 1 : i32
      %jit3A_1210 = arith.constant 0 : i32
      %broadcast_in_dim3A_1211 = vector.broadcast %jit3A_1209 : i32 to vector<16xi32>
      %broadcast_in_dim3A_1212 = vector.broadcast %jit3A_1210 : i32 to vector<16xi32>
      %select_n3A_1213 = arith.select %lt3A_1208, %broadcast_in_dim3A_1211, %broadcast_in_dim3A_1212 : vector<16xi1>, vector<16xi32>
      %broadcast_in_dim3A_1214 = arith.constant true
      %broadcast_in_dim3A_1215 = vector.broadcast %broadcast_in_dim3A_1214 : i1 to vector<16xi1>
      %masked_cumsum3A = tpu.scan <sum>, %select_n3A_1213 masked %broadcast_in_dim3A_1215 : vector<16xi32>, vector<16xi1> -> vector<16xi32>
      %mul3A_1216 = arith.constant 16 : i32
      %mul3A_1217 = arith.muli %scan3A_1196, %mul3A_1216 : i32
      %add3A_1218 = arith.constant 1536 : i32
      %add3A_1219 = arith.addi %add3A_1218, %mul3A_1217 : i32
      %add3A_1220 = vector.broadcast %add3A_1219 : i32 to vector<16xi32>
      %add3A_1221 = arith.addi %iota3A, %add3A_1220 : vector<16xi32>
      %add3A_1222 = vector.broadcast %scan3A_1197 : i32 to vector<16xi32>
      %add3A_1223 = arith.addi %add3A_1222, %masked_cumsum3A : vector<16xi32>
      %add3A_1224 = vector.broadcast %add3A_122 : i32 to vector<16xi32>
      %add3A_1225 = arith.addi %add3A_1224, %add3A_1223 : vector<16xi32>
      %sub3A_1226 = arith.constant 1 : i32
      %sub3A_1227 = vector.broadcast %sub3A_1226 : i32 to vector<16xi32>
      %sub3A_1228 = arith.subi %add3A_1225, %sub3A_1227 : vector<16xi32>
      %add3A_1229 = vector.broadcast %add3A_128 : i32 to vector<16xi32>
      %add3A_1230 = arith.addi %add3A_1229, %add3A_1221 : vector<16xi32>
      %sub3A_1231 = arith.subi %add3A_1230, %add3A_1223 : vector<16xi32>
      %select_n3A_1232 = arith.select %lt3A_1208, %sub3A_1228, %sub3A_1231 : vector<16xi1>, vector<16xi32>
      %mul3A_1233 = arith.constant 16 : i32
      %mul3A_1234 = arith.muli %scan3A_1196, %mul3A_1233 : i32
      %swap3A = arith.constant 12 : i32
      %swap3A_1235 = arith.index_cast %swap3A : i32 to index
      %swap3A_1236 = arith.index_cast %mul3A_1234 : i32 to index
      %swap3A_1237 = tpu.vector_load %arg6[%swap3A_1235, %swap3A_1236] {strides = array<i32>} : memref<16x128xi32, #tpu.memory_space<vmem>>, vector<16xi32>,
      tpu.vector_store %arg6[%swap3A_1235, %swap3A_1236], %select_n3A_1232 {strides = array<i32>} : memref<16x128xi32, #tpu.memory_space<vmem>>, vector<16xi32>,
      %reduce_sum3A_1238 = arith.constant true
      %reduce_sum3A_1239 = vector.broadcast %reduce_sum3A_1238 : i1 to vector<16xi1>
      %reduce_sum3A_1240 = tpu.scan <sum>, %select_n3A_1213 masked %reduce_sum3A_1239 : vector<16xi32>, vector<16xi1> -> vector<16xi32>
      %reduce_sum3A_1241 = vector.extract %reduce_sum3A_1240[15] : i32 from vector<16xi32>
      %add3A_1242 = arith.addi %scan3A_1197, %reduce_sum3A_1241 : i32
      scf.yield %add3A_1242 : i32
    }
    %scan3A_930 = arith.constant 8 : i32
    %dma_wait3A_931 = arith.constant 0 : i32
    %dma_wait3A_932 = arith.constant 0 : i32
    %dma_wait3A_933 = arith.constant 0 : i32
    %dma_wait3A_934 = arith.constant 0 : i32
    %dma_wait3A_935 = tpu.memref_slice %arg7[%dma_wait3A_931, %dma_wait3A_933, %dma_wait3A_934] : memref<6x128x128xf32, #tpu.memory_space<vmem>> -> memref<1x128x128xf32, #tpu.memory_space<vmem>>
    %dma_wait3A_936 = tpu.memref_squeeze %dma_wait3A_935 : memref<1x128x128xf32, #tpu.memory_space<vmem>> -> memref<128x128xf32, #tpu.memory_space<vmem>>
    %dma_wait3A_937 = arith.constant 0 : i32
    %dma_wait3A_938 = tpu.memref_slice %arg2[%add3A_768, %dma_wait3A_937] : memref<65536x128xf32, #tpu.memory_space<hbm>> -> memref<128x128xf32, #tpu.memory_space<hbm>>
    %dma_wait3A_939 = tpu.memref_slice %arg8[%dma_wait3A_932] : memref<6x!tpu.dma_semaphore, #tpu.memory_space<semaphore_mem>> -> memref<1x!tpu.dma_semaphore, #tpu.memory_space<semaphore_mem>>
    %dma_wait3A_940 = tpu.memref_squeeze %dma_wait3A_939 : memref<1x!tpu.dma_semaphore, #tpu.memory_space<semaphore_mem>> -> memref<!tpu.dma_semaphore, #tpu.memory_space<semaphore_mem>>
    %dma_wait3A_941 = arith.constant 0 : i32
    %dma_wait3A_942 = arith.constant 0 : i32
    %dma_wait3A_943 = tpu.memref_slice %arg7[%dma_wait3A_931, %dma_wait3A_941, %dma_wait3A_942] : memref<6x128x128xf32, #tpu.memory_space<vmem>> -> memref<1x128x128xf32, #tpu.memory_space<vmem>>
    %dma_wait3A_944 = tpu.memref_squeeze %dma_wait3A_943 : memref<1x128x128xf32, #tpu.memory_space<vmem>> -> memref<128x128xf32, #tpu.memory_space<vmem>>
    %dma_wait3A_945 = arith.constant 0 : i32
    %dma_wait3A_946 = tpu.memref_slice %arg2[%add3A_768, %dma_wait3A_945] : memref<65536x128xf32, #tpu.memory_space<hbm>> -> memref<128x128xf32, #tpu.memory_space<hbm>>
    tpu.wait_dma2 semaphore(%dma_wait3A_940 : memref<!tpu.dma_semaphore, #tpu.memory_space<semaphore_mem>>) src(%dma_wait3A_946 : memref<128x128xf32, #tpu.memory_space<hbm>>) dst(%dma_wait3A_944 : memref<128x128xf32, #tpu.memory_space<vmem>>)
    %dma_start3A_947 = arith.constant 0 : i32
    %dma_start3A_948 = arith.constant 12 : i32
    %dma_start3A_949 = arith.constant 0 : i32
    %dma_start3A_950 = arith.constant 0 : i32
    %dma_start3A_951 = arith.constant 0 : i32
    %dma_start3A_952 = tpu.memref_slice %arg7[%dma_start3A_947, %dma_start3A_950, %dma_start3A_951] : memref<6x128x128xf32, #tpu.memory_space<vmem>> -> memref<1x128x128xf32, #tpu.memory_space<vmem>>
    %dma_start3A_953 = tpu.memref_squeeze %dma_start3A_952 : memref<1x128x128xf32, #tpu.memory_space<vmem>> -> memref<128x128xf32, #tpu.memory_space<vmem>>
    %dma_start3A_954 = arith.constant 0 : i32
    %dma_start3A_955 = tpu.memref_slice %arg6[%dma_start3A_948, %dma_start3A_954] : memref<16x128xi32, #tpu.memory_space<vmem>> -> memref<1x128xi32, #tpu.memory_space<vmem>>
    %dma_start3A_956 = tpu.memref_squeeze %dma_start3A_955 : memref<1x128xi32, #tpu.memory_space<vmem>> -> memref<128xi32, #tpu.memory_space<vmem>>
    %dma_start3A_957 = arith.constant 0 : i32
    %dma_start3A_958 = arith.constant 0 : i32
    %dma_start3A_959 = tpu.memref_slice %arg4[%dma_start3A_957, %dma_start3A_958] : memref<65536x128xf32, #tpu.memory_space<hbm>> -> memref<65536x128xf32, #tpu.memory_space<hbm>>
    %dma_start3A_960 = tpu.memref_slice %arg9[%dma_start3A_949] : memref<6x!tpu.dma_semaphore, #tpu.memory_space<semaphore_mem>> -> memref<1x!tpu.dma_semaphore, #tpu.memory_space<semaphore_mem>>
    %dma_start3A_961 = tpu.memref_squeeze %dma_start3A_960 : memref<1x!tpu.dma_semaphore, #tpu.memory_space<semaphore_mem>> -> memref<!tpu.dma_semaphore, #tpu.memory_space<semaphore_mem>>
    tpu.enqueue_indirect_dma source(%dma_start3A_953 : memref<128x128xf32, #tpu.memory_space<vmem>>) target(%dma_start3A_959 : memref<65536x128xf32, #tpu.memory_space<hbm>>) offsets(%dma_start3A_956 : memref<128xi32, #tpu.memory_space<vmem>>) semaphore(%dma_start3A_961 : memref<!tpu.dma_semaphore, #tpu.memory_space<semaphore_mem>>)
    %dma_wait3A_962 = arith.constant 3 : i32
    %dma_wait3A_963 = arith.constant 9 : i32
    %dma_wait3A_964 = arith.constant 3 : i32
    %dma_wait3A_965 = arith.constant 0 : i32
    %dma_wait3A_966 = arith.constant 0 : i32
    %dma_wait3A_967 = tpu.memref_slice %arg7[%dma_wait3A_962, %dma_wait3A_965, %dma_wait3A_966] : memref<6x128x128xf32, #tpu.memory_space<vmem>> -> memref<1x128x128xf32, #tpu.memory_space<vmem>>
    %dma_wait3A_968 = tpu.memref_squeeze %dma_wait3A_967 : memref<1x128x128xf32, #tpu.memory_space<vmem>> -> memref<128x128xf32, #tpu.memory_space<vmem>>
    %dma_wait3A_969 = arith.constant 0 : i32
    %dma_wait3A_970 = tpu.memref_slice %arg6[%dma_wait3A_963, %dma_wait3A_969] : memref<16x128xi32, #tpu.memory_space<vmem>> -> memref<1x128xi32, #tpu.memory_space<vmem>>
    %dma_wait3A_971 = tpu.memref_squeeze %dma_wait3A_970 : memref<1x128xi32, #tpu.memory_space<vmem>> -> memref<128xi32, #tpu.memory_space<vmem>>
    %dma_wait3A_972 = arith.constant 0 : i32
    %dma_wait3A_973 = arith.constant 0 : i32
    %dma_wait3A_974 = tpu.memref_slice %arg4[%dma_wait3A_972, %dma_wait3A_973] : memref<65536x128xf32, #tpu.memory_space<hbm>> -> memref<65536x128xf32, #tpu.memory_space<hbm>>
    %dma_wait3A_975 = tpu.memref_slice %arg9[%dma_wait3A_964] : memref<6x!tpu.dma_semaphore, #tpu.memory_space<semaphore_mem>> -> memref<1x!tpu.dma_semaphore, #tpu.memory_space<semaphore_mem>>
    %dma_wait3A_976 = tpu.memref_squeeze %dma_wait3A_975 : memref<1x!tpu.dma_semaphore, #tpu.memory_space<semaphore_mem>> -> memref<!tpu.dma_semaphore, #tpu.memory_space<semaphore_mem>>
    tpu.wait_indirect_dma semaphore(%dma_wait3A_976 : memref<!tpu.dma_semaphore, #tpu.memory_space<semaphore_mem>>) src(%dma_wait3A_968 : memref<128x128xf32, #tpu.memory_space<vmem>>) dst(%dma_wait3A_974 : memref<65536x128xf32, #tpu.memory_space<hbm>>)
    %add3A_977 = arith.constant 1920 : i32
    %add3A_978 = arith.addi %add3A_35, %add3A_977 : i32
    %dma_start3A_979 = arith.constant 3 : i32
    %dma_start3A_980 = arith.constant 3 : i32
    %dma_start3A_981 = arith.constant 0 : i32
    %dma_start3A_982 = arith.constant 0 : i32
    %dma_start3A_983 = tpu.memref_slice %arg7[%dma_start3A_979, %dma_start3A_981, %dma_start3A_982] : memref<6x128x128xf32, #tpu.memory_space<vmem>> -> memref<1x128x128xf32, #tpu.memory_space<vmem>>
    %dma_start3A_984 = tpu.memref_squeeze %dma_start3A_983 : memref<1x128x128xf32, #tpu.memory_space<vmem>> -> memref<128x128xf32, #tpu.memory_space<vmem>>
    %dma_start3A_985 = arith.constant 0 : i32
    %dma_start3A_986 = tpu.memref_slice %arg2[%add3A_978, %dma_start3A_985] : memref<65536x128xf32, #tpu.memory_space<hbm>> -> memref<128x128xf32, #tpu.memory_space<hbm>>
    %dma_start3A_987 = tpu.memref_slice %arg8[%dma_start3A_980] : memref<6x!tpu.dma_semaphore, #tpu.memory_space<semaphore_mem>> -> memref<1x!tpu.dma_semaphore, #tpu.memory_space<semaphore_mem>>
    %dma_start3A_988 = tpu.memref_squeeze %dma_start3A_987 : memref<1x!tpu.dma_semaphore, #tpu.memory_space<semaphore_mem>> -> memref<!tpu.dma_semaphore, #tpu.memory_space<semaphore_mem>>
    %dma_start3A_989 = arith.constant 0 : i32
    %dma_start3A_990 = arith.constant 0 : i32
    %dma_start3A_991 = tpu.memref_slice %arg7[%dma_start3A_979, %dma_start3A_989, %dma_start3A_990] : memref<6x128x128xf32, #tpu.memory_space<vmem>> -> memref<1x128x128xf32, #tpu.memory_space<vmem>>
    %dma_start3A_992 = tpu.memref_squeeze %dma_start3A_991 : memref<1x128x128xf32, #tpu.memory_space<vmem>> -> memref<128x128xf32, #tpu.memory_space<vmem>>
    %dma_start3A_993 = arith.constant 0 : i32
    %dma_start3A_994 = tpu.memref_slice %arg2[%add3A_978, %dma_start3A_993] : memref<65536x128xf32, #tpu.memory_space<hbm>> -> memref<128x128xf32, #tpu.memory_space<hbm>>
    tpu.enqueue_dma source(%dma_start3A_994 : memref<128x128xf32, #tpu.memory_space<hbm>>) target(%dma_start3A_992 : memref<128x128xf32, #tpu.memory_space<vmem>>) target_semaphore(%dma_start3A_988 : memref<!tpu.dma_semaphore, #tpu.memory_space<semaphore_mem>>)
    %scan3A_995 = arith.constant 0 : i32
    %scan3A_996 = arith.constant 8 : i32
    %scan3A_997 = arith.addi %scan3A_995, %scan3A_996 : i32
    %scan3A_998 = arith.constant 1 : i32
    %scan3A_999 = scf.for %scan3A_1196 = %scan3A_995 to %scan3A_997 step %scan3A_998 iter_args(%scan3A_1197 = %scan3A_929) -> (i32)  : i32 {
      %mul3A_1198 = arith.constant 2048 : i32
      %mul3A_1199 = arith.muli %select_n3A_30, %mul3A_1198 : i32
      %add3A_1200 = arith.constant 1664 : i32
      %add3A_1201 = arith.addi %mul3A_1199, %add3A_1200 : i32
      %mul3A_1202 = arith.constant 16 : i32
      %mul3A_1203 = arith.muli %scan3A_1196, %mul3A_1202 : i32
      %add3A_1204 = arith.addi %add3A_1201, %mul3A_1203 : i32
      %get3A = arith.index_cast %add3A_1204 : i32 to index
      %get3A_1205 = tpu.vector_load %arg5[%get3A] {strides = array<i32>} : memref<4096xi32, #tpu.memory_space<vmem>>, vector<16xi32>,
      %lt3A_1206 = arith.constant 3 : i32
      %lt3A_1207 = vector.broadcast %lt3A_1206 : i32 to vector<16xi32>
      %lt3A_1208 = arith.cmpi slt, %get3A_1205, %lt3A_1207 : vector<16xi32>
      %jit3A_1209 = arith.constant 1 : i32
      %jit3A_1210 = arith.constant 0 : i32
      %broadcast_in_dim3A_1211 = vector.broadcast %jit3A_1209 : i32 to vector<16xi32>
      %broadcast_in_dim3A_1212 = vector.broadcast %jit3A_1210 : i32 to vector<16xi32>
      %select_n3A_1213 = arith.select %lt3A_1208, %broadcast_in_dim3A_1211, %broadcast_in_dim3A_1212 : vector<16xi1>, vector<16xi32>
      %broadcast_in_dim3A_1214 = arith.constant true
      %broadcast_in_dim3A_1215 = vector.broadcast %broadcast_in_dim3A_1214 : i1 to vector<16xi1>
      %masked_cumsum3A = tpu.scan <sum>, %select_n3A_1213 masked %broadcast_in_dim3A_1215 : vector<16xi32>, vector<16xi1> -> vector<16xi32>
      %mul3A_1216 = arith.constant 16 : i32
      %mul3A_1217 = arith.muli %scan3A_1196, %mul3A_1216 : i32
      %add3A_1218 = arith.constant 1664 : i32
      %add3A_1219 = arith.addi %add3A_1218, %mul3A_1217 : i32
      %add3A_1220 = vector.broadcast %add3A_1219 : i32 to vector<16xi32>
      %add3A_1221 = arith.addi %iota3A, %add3A_1220 : vector<16xi32>
      %add3A_1222 = vector.broadcast %scan3A_1197 : i32 to vector<16xi32>
      %add3A_1223 = arith.addi %add3A_1222, %masked_cumsum3A : vector<16xi32>
      %add3A_1224 = vector.broadcast %add3A_122 : i32 to vector<16xi32>
      %add3A_1225 = arith.addi %add3A_1224, %add3A_1223 : vector<16xi32>
      %sub3A_1226 = arith.constant 1 : i32
      %sub3A_1227 = vector.broadcast %sub3A_1226 : i32 to vector<16xi32>
      %sub3A_1228 = arith.subi %add3A_1225, %sub3A_1227 : vector<16xi32>
      %add3A_1229 = vector.broadcast %add3A_128 : i32 to vector<16xi32>
      %add3A_1230 = arith.addi %add3A_1229, %add3A_1221 : vector<16xi32>
      %sub3A_1231 = arith.subi %add3A_1230, %add3A_1223 : vector<16xi32>
      %select_n3A_1232 = arith.select %lt3A_1208, %sub3A_1228, %sub3A_1231 : vector<16xi1>, vector<16xi32>
      %mul3A_1233 = arith.constant 16 : i32
      %mul3A_1234 = arith.muli %scan3A_1196, %mul3A_1233 : i32
      %swap3A = arith.constant 13 : i32
      %swap3A_1235 = arith.index_cast %swap3A : i32 to index
      %swap3A_1236 = arith.index_cast %mul3A_1234 : i32 to index
      %swap3A_1237 = tpu.vector_load %arg6[%swap3A_1235, %swap3A_1236] {strides = array<i32>} : memref<16x128xi32, #tpu.memory_space<vmem>>, vector<16xi32>,
      tpu.vector_store %arg6[%swap3A_1235, %swap3A_1236], %select_n3A_1232 {strides = array<i32>} : memref<16x128xi32, #tpu.memory_space<vmem>>, vector<16xi32>,
      %reduce_sum3A_1238 = arith.constant true
      %reduce_sum3A_1239 = vector.broadcast %reduce_sum3A_1238 : i1 to vector<16xi1>
      %reduce_sum3A_1240 = tpu.scan <sum>, %select_n3A_1213 masked %reduce_sum3A_1239 : vector<16xi32>, vector<16xi1> -> vector<16xi32>
      %reduce_sum3A_1241 = vector.extract %reduce_sum3A_1240[15] : i32 from vector<16xi32>
      %add3A_1242 = arith.addi %scan3A_1197, %reduce_sum3A_1241 : i32
      scf.yield %add3A_1242 : i32
    }
    %scan3A_1000 = arith.constant 8 : i32
    %dma_wait3A_1001 = arith.constant 1 : i32
    %dma_wait3A_1002 = arith.constant 1 : i32
    %dma_wait3A_1003 = arith.constant 0 : i32
    %dma_wait3A_1004 = arith.constant 0 : i32
    %dma_wait3A_1005 = tpu.memref_slice %arg7[%dma_wait3A_1001, %dma_wait3A_1003, %dma_wait3A_1004] : memref<6x128x128xf32, #tpu.memory_space<vmem>> -> memref<1x128x128xf32, #tpu.memory_space<vmem>>
    %dma_wait3A_1006 = tpu.memref_squeeze %dma_wait3A_1005 : memref<1x128x128xf32, #tpu.memory_space<vmem>> -> memref<128x128xf32, #tpu.memory_space<vmem>>
    %dma_wait3A_1007 = arith.constant 0 : i32
    %dma_wait3A_1008 = tpu.memref_slice %arg2[%add3A_838, %dma_wait3A_1007] : memref<65536x128xf32, #tpu.memory_space<hbm>> -> memref<128x128xf32, #tpu.memory_space<hbm>>
    %dma_wait3A_1009 = tpu.memref_slice %arg8[%dma_wait3A_1002] : memref<6x!tpu.dma_semaphore, #tpu.memory_space<semaphore_mem>> -> memref<1x!tpu.dma_semaphore, #tpu.memory_space<semaphore_mem>>
    %dma_wait3A_1010 = tpu.memref_squeeze %dma_wait3A_1009 : memref<1x!tpu.dma_semaphore, #tpu.memory_space<semaphore_mem>> -> memref<!tpu.dma_semaphore, #tpu.memory_space<semaphore_mem>>
    %dma_wait3A_1011 = arith.constant 0 : i32
    %dma_wait3A_1012 = arith.constant 0 : i32
    %dma_wait3A_1013 = tpu.memref_slice %arg7[%dma_wait3A_1001, %dma_wait3A_1011, %dma_wait3A_1012] : memref<6x128x128xf32, #tpu.memory_space<vmem>> -> memref<1x128x128xf32, #tpu.memory_space<vmem>>
    %dma_wait3A_1014 = tpu.memref_squeeze %dma_wait3A_1013 : memref<1x128x128xf32, #tpu.memory_space<vmem>> -> memref<128x128xf32, #tpu.memory_space<vmem>>
    %dma_wait3A_1015 = arith.constant 0 : i32
    %dma_wait3A_1016 = tpu.memref_slice %arg2[%add3A_838, %dma_wait3A_1015] : memref<65536x128xf32, #tpu.memory_space<hbm>> -> memref<128x128xf32, #tpu.memory_space<hbm>>
    tpu.wait_dma2 semaphore(%dma_wait3A_1010 : memref<!tpu.dma_semaphore, #tpu.memory_space<semaphore_mem>>) src(%dma_wait3A_1016 : memref<128x128xf32, #tpu.memory_space<hbm>>) dst(%dma_wait3A_1014 : memref<128x128xf32, #tpu.memory_space<vmem>>)
    %dma_start3A_1017 = arith.constant 1 : i32
    %dma_start3A_1018 = arith.constant 13 : i32
    %dma_start3A_1019 = arith.constant 1 : i32
    %dma_start3A_1020 = arith.constant 0 : i32
    %dma_start3A_1021 = arith.constant 0 : i32
    %dma_start3A_1022 = tpu.memref_slice %arg7[%dma_start3A_1017, %dma_start3A_1020, %dma_start3A_1021] : memref<6x128x128xf32, #tpu.memory_space<vmem>> -> memref<1x128x128xf32, #tpu.memory_space<vmem>>
    %dma_start3A_1023 = tpu.memref_squeeze %dma_start3A_1022 : memref<1x128x128xf32, #tpu.memory_space<vmem>> -> memref<128x128xf32, #tpu.memory_space<vmem>>
    %dma_start3A_1024 = arith.constant 0 : i32
    %dma_start3A_1025 = tpu.memref_slice %arg6[%dma_start3A_1018, %dma_start3A_1024] : memref<16x128xi32, #tpu.memory_space<vmem>> -> memref<1x128xi32, #tpu.memory_space<vmem>>
    %dma_start3A_1026 = tpu.memref_squeeze %dma_start3A_1025 : memref<1x128xi32, #tpu.memory_space<vmem>> -> memref<128xi32, #tpu.memory_space<vmem>>
    %dma_start3A_1027 = arith.constant 0 : i32
    %dma_start3A_1028 = arith.constant 0 : i32
    %dma_start3A_1029 = tpu.memref_slice %arg4[%dma_start3A_1027, %dma_start3A_1028] : memref<65536x128xf32, #tpu.memory_space<hbm>> -> memref<65536x128xf32, #tpu.memory_space<hbm>>
    %dma_start3A_1030 = tpu.memref_slice %arg9[%dma_start3A_1019] : memref<6x!tpu.dma_semaphore, #tpu.memory_space<semaphore_mem>> -> memref<1x!tpu.dma_semaphore, #tpu.memory_space<semaphore_mem>>
    %dma_start3A_1031 = tpu.memref_squeeze %dma_start3A_1030 : memref<1x!tpu.dma_semaphore, #tpu.memory_space<semaphore_mem>> -> memref<!tpu.dma_semaphore, #tpu.memory_space<semaphore_mem>>
    tpu.enqueue_indirect_dma source(%dma_start3A_1023 : memref<128x128xf32, #tpu.memory_space<vmem>>) target(%dma_start3A_1029 : memref<65536x128xf32, #tpu.memory_space<hbm>>) offsets(%dma_start3A_1026 : memref<128xi32, #tpu.memory_space<vmem>>) semaphore(%dma_start3A_1031 : memref<!tpu.dma_semaphore, #tpu.memory_space<semaphore_mem>>)
    %scan3A_1032 = arith.constant 0 : i32
    %scan3A_1033 = arith.constant 8 : i32
    %scan3A_1034 = arith.addi %scan3A_1032, %scan3A_1033 : i32
    %scan3A_1035 = arith.constant 1 : i32
    %scan3A_1036 = scf.for %scan3A_1196 = %scan3A_1032 to %scan3A_1034 step %scan3A_1035 iter_args(%scan3A_1197 = %scan3A_999) -> (i32)  : i32 {
      %mul3A_1198 = arith.constant 2048 : i32
      %mul3A_1199 = arith.muli %select_n3A_30, %mul3A_1198 : i32
      %add3A_1200 = arith.constant 1792 : i32
      %add3A_1201 = arith.addi %mul3A_1199, %add3A_1200 : i32
      %mul3A_1202 = arith.constant 16 : i32
      %mul3A_1203 = arith.muli %scan3A_1196, %mul3A_1202 : i32
      %add3A_1204 = arith.addi %add3A_1201, %mul3A_1203 : i32
      %get3A = arith.index_cast %add3A_1204 : i32 to index
      %get3A_1205 = tpu.vector_load %arg5[%get3A] {strides = array<i32>} : memref<4096xi32, #tpu.memory_space<vmem>>, vector<16xi32>,
      %lt3A_1206 = arith.constant 3 : i32
      %lt3A_1207 = vector.broadcast %lt3A_1206 : i32 to vector<16xi32>
      %lt3A_1208 = arith.cmpi slt, %get3A_1205, %lt3A_1207 : vector<16xi32>
      %jit3A_1209 = arith.constant 1 : i32
      %jit3A_1210 = arith.constant 0 : i32
      %broadcast_in_dim3A_1211 = vector.broadcast %jit3A_1209 : i32 to vector<16xi32>
      %broadcast_in_dim3A_1212 = vector.broadcast %jit3A_1210 : i32 to vector<16xi32>
      %select_n3A_1213 = arith.select %lt3A_1208, %broadcast_in_dim3A_1211, %broadcast_in_dim3A_1212 : vector<16xi1>, vector<16xi32>
      %broadcast_in_dim3A_1214 = arith.constant true
      %broadcast_in_dim3A_1215 = vector.broadcast %broadcast_in_dim3A_1214 : i1 to vector<16xi1>
      %masked_cumsum3A = tpu.scan <sum>, %select_n3A_1213 masked %broadcast_in_dim3A_1215 : vector<16xi32>, vector<16xi1> -> vector<16xi32>
      %mul3A_1216 = arith.constant 16 : i32
      %mul3A_1217 = arith.muli %scan3A_1196, %mul3A_1216 : i32
      %add3A_1218 = arith.constant 1792 : i32
      %add3A_1219 = arith.addi %add3A_1218, %mul3A_1217 : i32
      %add3A_1220 = vector.broadcast %add3A_1219 : i32 to vector<16xi32>
      %add3A_1221 = arith.addi %iota3A, %add3A_1220 : vector<16xi32>
      %add3A_1222 = vector.broadcast %scan3A_1197 : i32 to vector<16xi32>
      %add3A_1223 = arith.addi %add3A_1222, %masked_cumsum3A : vector<16xi32>
      %add3A_1224 = vector.broadcast %add3A_122 : i32 to vector<16xi32>
      %add3A_1225 = arith.addi %add3A_1224, %add3A_1223 : vector<16xi32>
      %sub3A_1226 = arith.constant 1 : i32
      %sub3A_1227 = vector.broadcast %sub3A_1226 : i32 to vector<16xi32>
      %sub3A_1228 = arith.subi %add3A_1225, %sub3A_1227 : vector<16xi32>
      %add3A_1229 = vector.broadcast %add3A_128 : i32 to vector<16xi32>
      %add3A_1230 = arith.addi %add3A_1229, %add3A_1221 : vector<16xi32>
      %sub3A_1231 = arith.subi %add3A_1230, %add3A_1223 : vector<16xi32>
      %select_n3A_1232 = arith.select %lt3A_1208, %sub3A_1228, %sub3A_1231 : vector<16xi1>, vector<16xi32>
      %mul3A_1233 = arith.constant 16 : i32
      %mul3A_1234 = arith.muli %scan3A_1196, %mul3A_1233 : i32
      %swap3A = arith.constant 14 : i32
      %swap3A_1235 = arith.index_cast %swap3A : i32 to index
      %swap3A_1236 = arith.index_cast %mul3A_1234 : i32 to index
      %swap3A_1237 = tpu.vector_load %arg6[%swap3A_1235, %swap3A_1236] {strides = array<i32>} : memref<16x128xi32, #tpu.memory_space<vmem>>, vector<16xi32>,
      tpu.vector_store %arg6[%swap3A_1235, %swap3A_1236], %select_n3A_1232 {strides = array<i32>} : memref<16x128xi32, #tpu.memory_space<vmem>>, vector<16xi32>,
      %reduce_sum3A_1238 = arith.constant true
      %reduce_sum3A_1239 = vector.broadcast %reduce_sum3A_1238 : i1 to vector<16xi1>
      %reduce_sum3A_1240 = tpu.scan <sum>, %select_n3A_1213 masked %reduce_sum3A_1239 : vector<16xi32>, vector<16xi1> -> vector<16xi32>
      %reduce_sum3A_1241 = vector.extract %reduce_sum3A_1240[15] : i32 from vector<16xi32>
      %add3A_1242 = arith.addi %scan3A_1197, %reduce_sum3A_1241 : i32
      scf.yield %add3A_1242 : i32
    }
    %scan3A_1037 = arith.constant 8 : i32
    %dma_wait3A_1038 = arith.constant 2 : i32
    %dma_wait3A_1039 = arith.constant 2 : i32
    %dma_wait3A_1040 = arith.constant 0 : i32
    %dma_wait3A_1041 = arith.constant 0 : i32
    %dma_wait3A_1042 = tpu.memref_slice %arg7[%dma_wait3A_1038, %dma_wait3A_1040, %dma_wait3A_1041] : memref<6x128x128xf32, #tpu.memory_space<vmem>> -> memref<1x128x128xf32, #tpu.memory_space<vmem>>
    %dma_wait3A_1043 = tpu.memref_squeeze %dma_wait3A_1042 : memref<1x128x128xf32, #tpu.memory_space<vmem>> -> memref<128x128xf32, #tpu.memory_space<vmem>>
    %dma_wait3A_1044 = arith.constant 0 : i32
    %dma_wait3A_1045 = tpu.memref_slice %arg2[%add3A_908, %dma_wait3A_1044] : memref<65536x128xf32, #tpu.memory_space<hbm>> -> memref<128x128xf32, #tpu.memory_space<hbm>>
    %dma_wait3A_1046 = tpu.memref_slice %arg8[%dma_wait3A_1039] : memref<6x!tpu.dma_semaphore, #tpu.memory_space<semaphore_mem>> -> memref<1x!tpu.dma_semaphore, #tpu.memory_space<semaphore_mem>>
    %dma_wait3A_1047 = tpu.memref_squeeze %dma_wait3A_1046 : memref<1x!tpu.dma_semaphore, #tpu.memory_space<semaphore_mem>> -> memref<!tpu.dma_semaphore, #tpu.memory_space<semaphore_mem>>
    %dma_wait3A_1048 = arith.constant 0 : i32
    %dma_wait3A_1049 = arith.constant 0 : i32
    %dma_wait3A_1050 = tpu.memref_slice %arg7[%dma_wait3A_1038, %dma_wait3A_1048, %dma_wait3A_1049] : memref<6x128x128xf32, #tpu.memory_space<vmem>> -> memref<1x128x128xf32, #tpu.memory_space<vmem>>
    %dma_wait3A_1051 = tpu.memref_squeeze %dma_wait3A_1050 : memref<1x128x128xf32, #tpu.memory_space<vmem>> -> memref<128x128xf32, #tpu.memory_space<vmem>>
    %dma_wait3A_1052 = arith.constant 0 : i32
    %dma_wait3A_1053 = tpu.memref_slice %arg2[%add3A_908, %dma_wait3A_1052] : memref<65536x128xf32, #tpu.memory_space<hbm>> -> memref<128x128xf32, #tpu.memory_space<hbm>>
    tpu.wait_dma2 semaphore(%dma_wait3A_1047 : memref<!tpu.dma_semaphore, #tpu.memory_space<semaphore_mem>>) src(%dma_wait3A_1053 : memref<128x128xf32, #tpu.memory_space<hbm>>) dst(%dma_wait3A_1051 : memref<128x128xf32, #tpu.memory_space<vmem>>)
    %dma_start3A_1054 = arith.constant 2 : i32
    %dma_start3A_1055 = arith.constant 14 : i32
    %dma_start3A_1056 = arith.constant 2 : i32
    %dma_start3A_1057 = arith.constant 0 : i32
    %dma_start3A_1058 = arith.constant 0 : i32
    %dma_start3A_1059 = tpu.memref_slice %arg7[%dma_start3A_1054, %dma_start3A_1057, %dma_start3A_1058] : memref<6x128x128xf32, #tpu.memory_space<vmem>> -> memref<1x128x128xf32, #tpu.memory_space<vmem>>
    %dma_start3A_1060 = tpu.memref_squeeze %dma_start3A_1059 : memref<1x128x128xf32, #tpu.memory_space<vmem>> -> memref<128x128xf32, #tpu.memory_space<vmem>>
    %dma_start3A_1061 = arith.constant 0 : i32
    %dma_start3A_1062 = tpu.memref_slice %arg6[%dma_start3A_1055, %dma_start3A_1061] : memref<16x128xi32, #tpu.memory_space<vmem>> -> memref<1x128xi32, #tpu.memory_space<vmem>>
    %dma_start3A_1063 = tpu.memref_squeeze %dma_start3A_1062 : memref<1x128xi32, #tpu.memory_space<vmem>> -> memref<128xi32, #tpu.memory_space<vmem>>
    %dma_start3A_1064 = arith.constant 0 : i32
    %dma_start3A_1065 = arith.constant 0 : i32
    %dma_start3A_1066 = tpu.memref_slice %arg4[%dma_start3A_1064, %dma_start3A_1065] : memref<65536x128xf32, #tpu.memory_space<hbm>> -> memref<65536x128xf32, #tpu.memory_space<hbm>>
    %dma_start3A_1067 = tpu.memref_slice %arg9[%dma_start3A_1056] : memref<6x!tpu.dma_semaphore, #tpu.memory_space<semaphore_mem>> -> memref<1x!tpu.dma_semaphore, #tpu.memory_space<semaphore_mem>>
    %dma_start3A_1068 = tpu.memref_squeeze %dma_start3A_1067 : memref<1x!tpu.dma_semaphore, #tpu.memory_space<semaphore_mem>> -> memref<!tpu.dma_semaphore, #tpu.memory_space<semaphore_mem>>
    tpu.enqueue_indirect_dma source(%dma_start3A_1060 : memref<128x128xf32, #tpu.memory_space<vmem>>) target(%dma_start3A_1066 : memref<65536x128xf32, #tpu.memory_space<hbm>>) offsets(%dma_start3A_1063 : memref<128xi32, #tpu.memory_space<vmem>>) semaphore(%dma_start3A_1068 : memref<!tpu.dma_semaphore, #tpu.memory_space<semaphore_mem>>)
    %scan3A_1069 = arith.constant 0 : i32
    %scan3A_1070 = arith.constant 8 : i32
    %scan3A_1071 = arith.addi %scan3A_1069, %scan3A_1070 : i32
    %scan3A_1072 = arith.constant 1 : i32
    %scan3A_1073 = scf.for %scan3A_1196 = %scan3A_1069 to %scan3A_1071 step %scan3A_1072 iter_args(%scan3A_1197 = %scan3A_1036) -> (i32)  : i32 {
      %mul3A_1198 = arith.constant 2048 : i32
      %mul3A_1199 = arith.muli %select_n3A_30, %mul3A_1198 : i32
      %add3A_1200 = arith.constant 1920 : i32
      %add3A_1201 = arith.addi %mul3A_1199, %add3A_1200 : i32
      %mul3A_1202 = arith.constant 16 : i32
      %mul3A_1203 = arith.muli %scan3A_1196, %mul3A_1202 : i32
      %add3A_1204 = arith.addi %add3A_1201, %mul3A_1203 : i32
      %get3A = arith.index_cast %add3A_1204 : i32 to index
      %get3A_1205 = tpu.vector_load %arg5[%get3A] {strides = array<i32>} : memref<4096xi32, #tpu.memory_space<vmem>>, vector<16xi32>,
      %lt3A_1206 = arith.constant 3 : i32
      %lt3A_1207 = vector.broadcast %lt3A_1206 : i32 to vector<16xi32>
      %lt3A_1208 = arith.cmpi slt, %get3A_1205, %lt3A_1207 : vector<16xi32>
      %jit3A_1209 = arith.constant 1 : i32
      %jit3A_1210 = arith.constant 0 : i32
      %broadcast_in_dim3A_1211 = vector.broadcast %jit3A_1209 : i32 to vector<16xi32>
      %broadcast_in_dim3A_1212 = vector.broadcast %jit3A_1210 : i32 to vector<16xi32>
      %select_n3A_1213 = arith.select %lt3A_1208, %broadcast_in_dim3A_1211, %broadcast_in_dim3A_1212 : vector<16xi1>, vector<16xi32>
      %broadcast_in_dim3A_1214 = arith.constant true
      %broadcast_in_dim3A_1215 = vector.broadcast %broadcast_in_dim3A_1214 : i1 to vector<16xi1>
      %masked_cumsum3A = tpu.scan <sum>, %select_n3A_1213 masked %broadcast_in_dim3A_1215 : vector<16xi32>, vector<16xi1> -> vector<16xi32>
      %mul3A_1216 = arith.constant 16 : i32
      %mul3A_1217 = arith.muli %scan3A_1196, %mul3A_1216 : i32
      %add3A_1218 = arith.constant 1920 : i32
      %add3A_1219 = arith.addi %add3A_1218, %mul3A_1217 : i32
      %add3A_1220 = vector.broadcast %add3A_1219 : i32 to vector<16xi32>
      %add3A_1221 = arith.addi %iota3A, %add3A_1220 : vector<16xi32>
      %add3A_1222 = vector.broadcast %scan3A_1197 : i32 to vector<16xi32>
      %add3A_1223 = arith.addi %add3A_1222, %masked_cumsum3A : vector<16xi32>
      %add3A_1224 = vector.broadcast %add3A_122 : i32 to vector<16xi32>
      %add3A_1225 = arith.addi %add3A_1224, %add3A_1223 : vector<16xi32>
      %sub3A_1226 = arith.constant 1 : i32
      %sub3A_1227 = vector.broadcast %sub3A_1226 : i32 to vector<16xi32>
      %sub3A_1228 = arith.subi %add3A_1225, %sub3A_1227 : vector<16xi32>
      %add3A_1229 = vector.broadcast %add3A_128 : i32 to vector<16xi32>
      %add3A_1230 = arith.addi %add3A_1229, %add3A_1221 : vector<16xi32>
      %sub3A_1231 = arith.subi %add3A_1230, %add3A_1223 : vector<16xi32>
      %select_n3A_1232 = arith.select %lt3A_1208, %sub3A_1228, %sub3A_1231 : vector<16xi1>, vector<16xi32>
      %mul3A_1233 = arith.constant 16 : i32
      %mul3A_1234 = arith.muli %scan3A_1196, %mul3A_1233 : i32
      %swap3A = arith.constant 15 : i32
      %swap3A_1235 = arith.index_cast %swap3A : i32 to index
      %swap3A_1236 = arith.index_cast %mul3A_1234 : i32 to index
      %swap3A_1237 = tpu.vector_load %arg6[%swap3A_1235, %swap3A_1236] {strides = array<i32>} : memref<16x128xi32, #tpu.memory_space<vmem>>, vector<16xi32>,
      tpu.vector_store %arg6[%swap3A_1235, %swap3A_1236], %select_n3A_1232 {strides = array<i32>} : memref<16x128xi32, #tpu.memory_space<vmem>>, vector<16xi32>,
      %reduce_sum3A_1238 = arith.constant true
      %reduce_sum3A_1239 = vector.broadcast %reduce_sum3A_1238 : i1 to vector<16xi1>
      %reduce_sum3A_1240 = tpu.scan <sum>, %select_n3A_1213 masked %reduce_sum3A_1239 : vector<16xi32>, vector<16xi1> -> vector<16xi32>
      %reduce_sum3A_1241 = vector.extract %reduce_sum3A_1240[15] : i32 from vector<16xi32>
      %add3A_1242 = arith.addi %scan3A_1197, %reduce_sum3A_1241 : i32
      scf.yield %add3A_1242 : i32
    }
    %scan3A_1074 = arith.constant 8 : i32
    %dma_wait3A_1075 = arith.constant 3 : i32
    %dma_wait3A_1076 = arith.constant 3 : i32
    %dma_wait3A_1077 = arith.constant 0 : i32
    %dma_wait3A_1078 = arith.constant 0 : i32
    %dma_wait3A_1079 = tpu.memref_slice %arg7[%dma_wait3A_1075, %dma_wait3A_1077, %dma_wait3A_1078] : memref<6x128x128xf32, #tpu.memory_space<vmem>> -> memref<1x128x128xf32, #tpu.memory_space<vmem>>
    %dma_wait3A_1080 = tpu.memref_squeeze %dma_wait3A_1079 : memref<1x128x128xf32, #tpu.memory_space<vmem>> -> memref<128x128xf32, #tpu.memory_space<vmem>>
    %dma_wait3A_1081 = arith.constant 0 : i32
    %dma_wait3A_1082 = tpu.memref_slice %arg2[%add3A_978, %dma_wait3A_1081] : memref<65536x128xf32, #tpu.memory_space<hbm>> -> memref<128x128xf32, #tpu.memory_space<hbm>>
    %dma_wait3A_1083 = tpu.memref_slice %arg8[%dma_wait3A_1076] : memref<6x!tpu.dma_semaphore, #tpu.memory_space<semaphore_mem>> -> memref<1x!tpu.dma_semaphore, #tpu.memory_space<semaphore_mem>>
    %dma_wait3A_1084 = tpu.memref_squeeze %dma_wait3A_1083 : memref<1x!tpu.dma_semaphore, #tpu.memory_space<semaphore_mem>> -> memref<!tpu.dma_semaphore, #tpu.memory_space<semaphore_mem>>
    %dma_wait3A_1085 = arith.constant 0 : i32
    %dma_wait3A_1086 = arith.constant 0 : i32
    %dma_wait3A_1087 = tpu.memref_slice %arg7[%dma_wait3A_1075, %dma_wait3A_1085, %dma_wait3A_1086] : memref<6x128x128xf32, #tpu.memory_space<vmem>> -> memref<1x128x128xf32, #tpu.memory_space<vmem>>
    %dma_wait3A_1088 = tpu.memref_squeeze %dma_wait3A_1087 : memref<1x128x128xf32, #tpu.memory_space<vmem>> -> memref<128x128xf32, #tpu.memory_space<vmem>>
    %dma_wait3A_1089 = arith.constant 0 : i32
    %dma_wait3A_1090 = tpu.memref_slice %arg2[%add3A_978, %dma_wait3A_1089] : memref<65536x128xf32, #tpu.memory_space<hbm>> -> memref<128x128xf32, #tpu.memory_space<hbm>>
    tpu.wait_dma2 semaphore(%dma_wait3A_1084 : memref<!tpu.dma_semaphore, #tpu.memory_space<semaphore_mem>>) src(%dma_wait3A_1090 : memref<128x128xf32, #tpu.memory_space<hbm>>) dst(%dma_wait3A_1088 : memref<128x128xf32, #tpu.memory_space<vmem>>)
    %dma_start3A_1091 = arith.constant 3 : i32
    %dma_start3A_1092 = arith.constant 15 : i32
    %dma_start3A_1093 = arith.constant 3 : i32
    %dma_start3A_1094 = arith.constant 0 : i32
    %dma_start3A_1095 = arith.constant 0 : i32
    %dma_start3A_1096 = tpu.memref_slice %arg7[%dma_start3A_1091, %dma_start3A_1094, %dma_start3A_1095] : memref<6x128x128xf32, #tpu.memory_space<vmem>> -> memref<1x128x128xf32, #tpu.memory_space<vmem>>
    %dma_start3A_1097 = tpu.memref_squeeze %dma_start3A_1096 : memref<1x128x128xf32, #tpu.memory_space<vmem>> -> memref<128x128xf32, #tpu.memory_space<vmem>>
    %dma_start3A_1098 = arith.constant 0 : i32
    %dma_start3A_1099 = tpu.memref_slice %arg6[%dma_start3A_1092, %dma_start3A_1098] : memref<16x128xi32, #tpu.memory_space<vmem>> -> memref<1x128xi32, #tpu.memory_space<vmem>>
    %dma_start3A_1100 = tpu.memref_squeeze %dma_start3A_1099 : memref<1x128xi32, #tpu.memory_space<vmem>> -> memref<128xi32, #tpu.memory_space<vmem>>
    %dma_start3A_1101 = arith.constant 0 : i32
    %dma_start3A_1102 = arith.constant 0 : i32
    %dma_start3A_1103 = tpu.memref_slice %arg4[%dma_start3A_1101, %dma_start3A_1102] : memref<65536x128xf32, #tpu.memory_space<hbm>> -> memref<65536x128xf32, #tpu.memory_space<hbm>>
    %dma_start3A_1104 = tpu.memref_slice %arg9[%dma_start3A_1093] : memref<6x!tpu.dma_semaphore, #tpu.memory_space<semaphore_mem>> -> memref<1x!tpu.dma_semaphore, #tpu.memory_space<semaphore_mem>>
    %dma_start3A_1105 = tpu.memref_squeeze %dma_start3A_1104 : memref<1x!tpu.dma_semaphore, #tpu.memory_space<semaphore_mem>> -> memref<!tpu.dma_semaphore, #tpu.memory_space<semaphore_mem>>
    tpu.enqueue_indirect_dma source(%dma_start3A_1097 : memref<128x128xf32, #tpu.memory_space<vmem>>) target(%dma_start3A_1103 : memref<65536x128xf32, #tpu.memory_space<hbm>>) offsets(%dma_start3A_1100 : memref<128xi32, #tpu.memory_space<vmem>>) semaphore(%dma_start3A_1105 : memref<!tpu.dma_semaphore, #tpu.memory_space<semaphore_mem>>)
    %dma_wait3A_1106 = arith.constant 0 : i32
    %dma_wait3A_1107 = arith.constant 12 : i32
    %dma_wait3A_1108 = arith.constant 0 : i32
    %dma_wait3A_1109 = arith.constant 0 : i32
    %dma_wait3A_1110 = arith.constant 0 : i32
    %dma_wait3A_1111 = tpu.memref_slice %arg7[%dma_wait3A_1106, %dma_wait3A_1109, %dma_wait3A_1110] : memref<6x128x128xf32, #tpu.memory_space<vmem>> -> memref<1x128x128xf32, #tpu.memory_space<vmem>>
    %dma_wait3A_1112 = tpu.memref_squeeze %dma_wait3A_1111 : memref<1x128x128xf32, #tpu.memory_space<vmem>> -> memref<128x128xf32, #tpu.memory_space<vmem>>
    %dma_wait3A_1113 = arith.constant 0 : i32
    %dma_wait3A_1114 = tpu.memref_slice %arg6[%dma_wait3A_1107, %dma_wait3A_1113] : memref<16x128xi32, #tpu.memory_space<vmem>> -> memref<1x128xi32, #tpu.memory_space<vmem>>
    %dma_wait3A_1115 = tpu.memref_squeeze %dma_wait3A_1114 : memref<1x128xi32, #tpu.memory_space<vmem>> -> memref<128xi32, #tpu.memory_space<vmem>>
    %dma_wait3A_1116 = arith.constant 0 : i32
    %dma_wait3A_1117 = arith.constant 0 : i32
    %dma_wait3A_1118 = tpu.memref_slice %arg4[%dma_wait3A_1116, %dma_wait3A_1117] : memref<65536x128xf32, #tpu.memory_space<hbm>> -> memref<65536x128xf32, #tpu.memory_space<hbm>>
    %dma_wait3A_1119 = tpu.memref_slice %arg9[%dma_wait3A_1108] : memref<6x!tpu.dma_semaphore, #tpu.memory_space<semaphore_mem>> -> memref<1x!tpu.dma_semaphore, #tpu.memory_space<semaphore_mem>>
    %dma_wait3A_1120 = tpu.memref_squeeze %dma_wait3A_1119 : memref<1x!tpu.dma_semaphore, #tpu.memory_space<semaphore_mem>> -> memref<!tpu.dma_semaphore, #tpu.memory_space<semaphore_mem>>
    tpu.wait_indirect_dma semaphore(%dma_wait3A_1120 : memref<!tpu.dma_semaphore, #tpu.memory_space<semaphore_mem>>) src(%dma_wait3A_1112 : memref<128x128xf32, #tpu.memory_space<vmem>>) dst(%dma_wait3A_1118 : memref<65536x128xf32, #tpu.memory_space<hbm>>)
    %dma_wait3A_1121 = arith.constant 1 : i32
    %dma_wait3A_1122 = arith.constant 13 : i32
    %dma_wait3A_1123 = arith.constant 1 : i32
    %dma_wait3A_1124 = arith.constant 0 : i32
    %dma_wait3A_1125 = arith.constant 0 : i32
    %dma_wait3A_1126 = tpu.memref_slice %arg7[%dma_wait3A_1121, %dma_wait3A_1124, %dma_wait3A_1125] : memref<6x128x128xf32, #tpu.memory_space<vmem>> -> memref<1x128x128xf32, #tpu.memory_space<vmem>>
    %dma_wait3A_1127 = tpu.memref_squeeze %dma_wait3A_1126 : memref<1x128x128xf32, #tpu.memory_space<vmem>> -> memref<128x128xf32, #tpu.memory_space<vmem>>
    %dma_wait3A_1128 = arith.constant 0 : i32
    %dma_wait3A_1129 = tpu.memref_slice %arg6[%dma_wait3A_1122, %dma_wait3A_1128] : memref<16x128xi32, #tpu.memory_space<vmem>> -> memref<1x128xi32, #tpu.memory_space<vmem>>
    %dma_wait3A_1130 = tpu.memref_squeeze %dma_wait3A_1129 : memref<1x128xi32, #tpu.memory_space<vmem>> -> memref<128xi32, #tpu.memory_space<vmem>>
    %dma_wait3A_1131 = arith.constant 0 : i32
    %dma_wait3A_1132 = arith.constant 0 : i32
    %dma_wait3A_1133 = tpu.memref_slice %arg4[%dma_wait3A_1131, %dma_wait3A_1132] : memref<65536x128xf32, #tpu.memory_space<hbm>> -> memref<65536x128xf32, #tpu.memory_space<hbm>>
    %dma_wait3A_1134 = tpu.memref_slice %arg9[%dma_wait3A_1123] : memref<6x!tpu.dma_semaphore, #tpu.memory_space<semaphore_mem>> -> memref<1x!tpu.dma_semaphore, #tpu.memory_space<semaphore_mem>>
    %dma_wait3A_1135 = tpu.memref_squeeze %dma_wait3A_1134 : memref<1x!tpu.dma_semaphore, #tpu.memory_space<semaphore_mem>> -> memref<!tpu.dma_semaphore, #tpu.memory_space<semaphore_mem>>
    tpu.wait_indirect_dma semaphore(%dma_wait3A_1135 : memref<!tpu.dma_semaphore, #tpu.memory_space<semaphore_mem>>) src(%dma_wait3A_1127 : memref<128x128xf32, #tpu.memory_space<vmem>>) dst(%dma_wait3A_1133 : memref<65536x128xf32, #tpu.memory_space<hbm>>)
    %dma_wait3A_1136 = arith.constant 2 : i32
    %dma_wait3A_1137 = arith.constant 14 : i32
    %dma_wait3A_1138 = arith.constant 2 : i32
    %dma_wait3A_1139 = arith.constant 0 : i32
    %dma_wait3A_1140 = arith.constant 0 : i32
    %dma_wait3A_1141 = tpu.memref_slice %arg7[%dma_wait3A_1136, %dma_wait3A_1139, %dma_wait3A_1140] : memref<6x128x128xf32, #tpu.memory_space<vmem>> -> memref<1x128x128xf32, #tpu.memory_space<vmem>>
    %dma_wait3A_1142 = tpu.memref_squeeze %dma_wait3A_1141 : memref<1x128x128xf32, #tpu.memory_space<vmem>> -> memref<128x128xf32, #tpu.memory_space<vmem>>
    %dma_wait3A_1143 = arith.constant 0 : i32
    %dma_wait3A_1144 = tpu.memref_slice %arg6[%dma_wait3A_1137, %dma_wait3A_1143] : memref<16x128xi32, #tpu.memory_space<vmem>> -> memref<1x128xi32, #tpu.memory_space<vmem>>
    %dma_wait3A_1145 = tpu.memref_squeeze %dma_wait3A_1144 : memref<1x128xi32, #tpu.memory_space<vmem>> -> memref<128xi32, #tpu.memory_space<vmem>>
    %dma_wait3A_1146 = arith.constant 0 : i32
    %dma_wait3A_1147 = arith.constant 0 : i32
    %dma_wait3A_1148 = tpu.memref_slice %arg4[%dma_wait3A_1146, %dma_wait3A_1147] : memref<65536x128xf32, #tpu.memory_space<hbm>> -> memref<65536x128xf32, #tpu.memory_space<hbm>>
    %dma_wait3A_1149 = tpu.memref_slice %arg9[%dma_wait3A_1138] : memref<6x!tpu.dma_semaphore, #tpu.memory_space<semaphore_mem>> -> memref<1x!tpu.dma_semaphore, #tpu.memory_space<semaphore_mem>>
    %dma_wait3A_1150 = tpu.memref_squeeze %dma_wait3A_1149 : memref<1x!tpu.dma_semaphore, #tpu.memory_space<semaphore_mem>> -> memref<!tpu.dma_semaphore, #tpu.memory_space<semaphore_mem>>
    tpu.wait_indirect_dma semaphore(%dma_wait3A_1150 : memref<!tpu.dma_semaphore, #tpu.memory_space<semaphore_mem>>) src(%dma_wait3A_1142 : memref<128x128xf32, #tpu.memory_space<vmem>>) dst(%dma_wait3A_1148 : memref<65536x128xf32, #tpu.memory_space<hbm>>)
    %dma_wait3A_1151 = arith.constant 3 : i32
    %dma_wait3A_1152 = arith.constant 15 : i32
    %dma_wait3A_1153 = arith.constant 3 : i32
    %dma_wait3A_1154 = arith.constant 0 : i32
    %dma_wait3A_1155 = arith.constant 0 : i32
    %dma_wait3A_1156 = tpu.memref_slice %arg7[%dma_wait3A_1151, %dma_wait3A_1154, %dma_wait3A_1155] : memref<6x128x128xf32, #tpu.memory_space<vmem>> -> memref<1x128x128xf32, #tpu.memory_space<vmem>>
    %dma_wait3A_1157 = tpu.memref_squeeze %dma_wait3A_1156 : memref<1x128x128xf32, #tpu.memory_space<vmem>> -> memref<128x128xf32, #tpu.memory_space<vmem>>
    %dma_wait3A_1158 = arith.constant 0 : i32
    %dma_wait3A_1159 = tpu.memref_slice %arg6[%dma_wait3A_1152, %dma_wait3A_1158] : memref<16x128xi32, #tpu.memory_space<vmem>> -> memref<1x128xi32, #tpu.memory_space<vmem>>
    %dma_wait3A_1160 = tpu.memref_squeeze %dma_wait3A_1159 : memref<1x128xi32, #tpu.memory_space<vmem>> -> memref<128xi32, #tpu.memory_space<vmem>>
    %dma_wait3A_1161 = arith.constant 0 : i32
    %dma_wait3A_1162 = arith.constant 0 : i32
    %dma_wait3A_1163 = tpu.memref_slice %arg4[%dma_wait3A_1161, %dma_wait3A_1162] : memref<65536x128xf32, #tpu.memory_space<hbm>> -> memref<65536x128xf32, #tpu.memory_space<hbm>>
    %dma_wait3A_1164 = tpu.memref_slice %arg9[%dma_wait3A_1153] : memref<6x!tpu.dma_semaphore, #tpu.memory_space<semaphore_mem>> -> memref<1x!tpu.dma_semaphore, #tpu.memory_space<semaphore_mem>>
    %dma_wait3A_1165 = tpu.memref_squeeze %dma_wait3A_1164 : memref<1x!tpu.dma_semaphore, #tpu.memory_space<semaphore_mem>> -> memref<!tpu.dma_semaphore, #tpu.memory_space<semaphore_mem>>
    tpu.wait_indirect_dma semaphore(%dma_wait3A_1165 : memref<!tpu.dma_semaphore, #tpu.memory_space<semaphore_mem>>) src(%dma_wait3A_1157 : memref<128x128xf32, #tpu.memory_space<vmem>>) dst(%dma_wait3A_1163 : memref<65536x128xf32, #tpu.memory_space<hbm>>)
    %dma_wait3A_1166 = arith.constant 4 : i32
    %dma_wait3A_1167 = arith.constant 10 : i32
    %dma_wait3A_1168 = arith.constant 4 : i32
    %dma_wait3A_1169 = arith.constant 0 : i32
    %dma_wait3A_1170 = arith.constant 0 : i32
    %dma_wait3A_1171 = tpu.memref_slice %arg7[%dma_wait3A_1166, %dma_wait3A_1169, %dma_wait3A_1170] : memref<6x128x128xf32, #tpu.memory_space<vmem>> -> memref<1x128x128xf32, #tpu.memory_space<vmem>>
    %dma_wait3A_1172 = tpu.memref_squeeze %dma_wait3A_1171 : memref<1x128x128xf32, #tpu.memory_space<vmem>> -> memref<128x128xf32, #tpu.memory_space<vmem>>
    %dma_wait3A_1173 = arith.constant 0 : i32
    %dma_wait3A_1174 = tpu.memref_slice %arg6[%dma_wait3A_1167, %dma_wait3A_1173] : memref<16x128xi32, #tpu.memory_space<vmem>> -> memref<1x128xi32, #tpu.memory_space<vmem>>
    %dma_wait3A_1175 = tpu.memref_squeeze %dma_wait3A_1174 : memref<1x128xi32, #tpu.memory_space<vmem>> -> memref<128xi32, #tpu.memory_space<vmem>>
    %dma_wait3A_1176 = arith.constant 0 : i32
    %dma_wait3A_1177 = arith.constant 0 : i32
    %dma_wait3A_1178 = tpu.memref_slice %arg4[%dma_wait3A_1176, %dma_wait3A_1177] : memref<65536x128xf32, #tpu.memory_space<hbm>> -> memref<65536x128xf32, #tpu.memory_space<hbm>>
    %dma_wait3A_1179 = tpu.memref_slice %arg9[%dma_wait3A_1168] : memref<6x!tpu.dma_semaphore, #tpu.memory_space<semaphore_mem>> -> memref<1x!tpu.dma_semaphore, #tpu.memory_space<semaphore_mem>>
    %dma_wait3A_1180 = tpu.memref_squeeze %dma_wait3A_1179 : memref<1x!tpu.dma_semaphore, #tpu.memory_space<semaphore_mem>> -> memref<!tpu.dma_semaphore, #tpu.memory_space<semaphore_mem>>
    tpu.wait_indirect_dma semaphore(%dma_wait3A_1180 : memref<!tpu.dma_semaphore, #tpu.memory_space<semaphore_mem>>) src(%dma_wait3A_1172 : memref<128x128xf32, #tpu.memory_space<vmem>>) dst(%dma_wait3A_1178 : memref<65536x128xf32, #tpu.memory_space<hbm>>)
    %dma_wait3A_1181 = arith.constant 5 : i32
    %dma_wait3A_1182 = arith.constant 11 : i32
    %dma_wait3A_1183 = arith.constant 5 : i32
    %dma_wait3A_1184 = arith.constant 0 : i32
    %dma_wait3A_1185 = arith.constant 0 : i32
    %dma_wait3A_1186 = tpu.memref_slice %arg7[%dma_wait3A_1181, %dma_wait3A_1184, %dma_wait3A_1185] : memref<6x128x128xf32, #tpu.memory_space<vmem>> -> memref<1x128x128xf32, #tpu.memory_space<vmem>>
    %dma_wait3A_1187 = tpu.memref_squeeze %dma_wait3A_1186 : memref<1x128x128xf32, #tpu.memory_space<vmem>> -> memref<128x128xf32, #tpu.memory_space<vmem>>
    %dma_wait3A_1188 = arith.constant 0 : i32
    %dma_wait3A_1189 = tpu.memref_slice %arg6[%dma_wait3A_1182, %dma_wait3A_1188] : memref<16x128xi32, #tpu.memory_space<vmem>> -> memref<1x128xi32, #tpu.memory_space<vmem>>
    %dma_wait3A_1190 = tpu.memref_squeeze %dma_wait3A_1189 : memref<1x128xi32, #tpu.memory_space<vmem>> -> memref<128xi32, #tpu.memory_space<vmem>>
    %dma_wait3A_1191 = arith.constant 0 : i32
    %dma_wait3A_1192 = arith.constant 0 : i32
    %dma_wait3A_1193 = tpu.memref_slice %arg4[%dma_wait3A_1191, %dma_wait3A_1192] : memref<65536x128xf32, #tpu.memory_space<hbm>> -> memref<65536x128xf32, #tpu.memory_space<hbm>>
    %dma_wait3A_1194 = tpu.memref_slice %arg9[%dma_wait3A_1183] : memref<6x!tpu.dma_semaphore, #tpu.memory_space<semaphore_mem>> -> memref<1x!tpu.dma_semaphore, #tpu.memory_space<semaphore_mem>>
    %dma_wait3A_1195 = tpu.memref_squeeze %dma_wait3A_1194 : memref<1x!tpu.dma_semaphore, #tpu.memory_space<semaphore_mem>> -> memref<!tpu.dma_semaphore, #tpu.memory_space<semaphore_mem>>
    tpu.wait_indirect_dma semaphore(%dma_wait3A_1195 : memref<!tpu.dma_semaphore, #tpu.memory_space<semaphore_mem>>) src(%dma_wait3A_1187 : memref<128x128xf32, #tpu.memory_space<vmem>>) dst(%dma_wait3A_1193 : memref<65536x128xf32, #tpu.memory_space<hbm>>)
    return
  }
}

</mosaic_0001>

<sc_bundles>
// kernel: kernel.3.cloned.1.call-start
scs
__scs_entry_jumppad:
0x0: {  	(pc) =	sbr.rel $0x88, $3  }
0x1: {  	(tag) =	ssettag $0x0;
	lr =	simm.s32 $0x1  }
0x2: {  	[smem:$0x3F9F] =	sst lr;
	_ =	strace $0xD0000000  }
0x3: {  	_ = 	snop  }
0x4: {  	_ = 	snop  }
0x5: {  	_ = 	snop  }
0x6: {  	_ = 	snop  }
0x7: {  	_ = 	snop  }
__scs_overlays_trampoline_lowered:
0x8: {  	[smem:$0x3FAE] =	sst s0  }
0x9: {  	[smem:$0x3FAF] =	sst s1  }
0xa: {  	[smem:$0x3FB0] =	sst s2  }
0xb: {  	[smem:$0x3FB1] =	sst s3  }
0xc: {  	[smem:$0x3FB2] =	sst s4  }
0xd: {  	[smem:$0x3FB3] =	sst s5  }
0xe: {  	[smem:$0x3FB4] =	sst s6  }
0xf: {  	[smem:$0x3FB5] =	sst s7  }
0x10: {  	[smem:$0x3FB6] =	sst s8  }
0x11: {  	[smem:$0x3FB7] =	sst s9;
	s0 =	simm.s32 @!p0 $0x0  }
0x12: {  	s1 =	sld [smem:$0x3F9D];
	s0 =	simm.s32 @p0 $0x1  }
0x13: {  	[smem:$0x3FB8] =	sst s0;
	s0 =	simm.s32 @!p1 $0x0  }
0x14: {  	s2 =	sld [smem:$0x3F9C];
	s0 =	simm.s32 @p1 $0x1  }
0x15: {  	[smem:$0x3FB9] =	sst s0;
	s0 =	simm.s32 @!p2 $0x0  }
0x16: {  	s3 =	sld [smem:$0x3FDB];
	s0 =	simm.s32 @p2 $0x1  }
0x17: {  	s4 =	simm.s32 $0x1BF5;
	[smem:$0x3FBB] =	sst s0  }
0x18: {  	s0 =	sld [smem:$0x3F9E];
	_ =	swait.ge [sflag:s4], $0x0  }
0x19: {  	s7 =	sld [smem:$0x3F9F]  }
0x1a: {  	s8 =	sadd.s32 $0xFFFFE003, lr  }
0x1b: {  	s9 =	sadd.s32 $0xFFFFFEF7, lr;
	s5 =	simm.s32 $0xFFFFFFFF;
	p2 =	slt.u32 s8, $0xFFFFF086  }
0x1c: {  	p1 =	slt.u32 s9, $0xF7A;
	s5 =	simm.s32 @!p2 $0x0  }
0x1d: {  	s5 =	simm.s32 @p1 $0x1;
	p0 =	seq.s32 s7, s2  }
0x1e: {  	s7 =	smul.u32 @!p0 $0xF7A, s2;
	p2 =	seq.s32 @!p0 s5, $0x0  }
0x1f: {  	s9 =	smul.u32 $0xF7A, s1;
	s8 =	simm.s32 @!p0 $0x1BF5;
	p2 =	por !p2, p0  }
0x20: {  	[sflag:s8] =	ssyncset.s32 @!p0 $0xFFFFF086;
	s6 =	sadd.s32 @!p0 s3, s7;
	s7 =	simm.s32 @!p0 $0x108  }
0x21: {  	s3 =	sadd.s32 s3, s9;
	s6 =	sadd.s32 @!p0 $0x88, s6;
	s7 =	simm.s32 @p2 $0x1082  }
0x22: {  	[simem:s7], [sflag:s8] =	dma.local @!p0 [hbm:s6], $0xF7A  }
0x23: {  	s9 =	sor.u32 $0xD0000000, s2;
	s6 =	simm.s32 $0x108;
	_ =	swait.ge @!p0 [sflag:s8], $0x0  }
0x24: {  	s3 =	sadd.s32 $0x88, s3;
	s6 =	simm.s32 @!p1 $0x1082;
	[sflag:s4] =	ssyncset.s32 $0xFFFFF086  }
0x25: {  	[simem:s6], [sflag:s4] =	dma.local [hbm:s3], $0xF7A  }
0x26: {  	[smem:$0x3F9F] =	sst s1;
	(tag) =	ssettag s2;
	_ =	strace s9  }
0x27: {  	s1 =	sld [smem:$0x3FAF]  }
0x28: {  	s2 =	sld [smem:$0x3FB0]  }
0x29: {  	s4 =	sld [smem:$0x3FB2]  }
0x2a: {  	p0 =	seq.s32 s5, $0x0;
	s5 =	sld [smem:$0x3FB3]  }
0x2b: {  	s6 =	sld [smem:$0x3FB4]  }
0x2c: {  	s7 =	sld [smem:$0x3FB5]  }
0x2d: {  	s3 =	simm.s32 $0x108;
	s8 =	sld [smem:$0x3FB6]  }
0x2e: {  	s3 =	simm.s32 @!p0 $0x1082;
	s9 =	sld [smem:$0x3FB7]  }
0x2f: {  	lr =	sadd.s32 s0, s3;
	s0 =	sld [smem:$0x3FAE]  }
0x30: {  	s3 =	sld [smem:$0x3FB1]  }
0x31: {  	[smem:$0x3FBA] =	sst s10  }
0x32: {  	s10 =	sld [smem:$0x3FB8];
	_ =	sdelay $0x3  }
0x33: {  	p0 =	seq.s32 s10, $0x1;
	s10 =	sld [smem:$0x3FBA];
	_ =	sdelay $0x3  }
0x34: {  	[smem:$0x3FBA] =	sst s10  }
0x35: {  	s10 =	sld [smem:$0x3FB9];
	_ =	sdelay $0x3  }
0x36: {  	p1 =	seq.s32 s10, $0x1;
	s10 =	sld [smem:$0x3FBA];
	_ =	sdelay $0x3  }
0x37: {  	[smem:$0x3FBA] =	sst s10  }
0x38: {  	s10 =	sld [smem:$0x3FBB]  }
0x39: {  	_ = 	snop;
	(pc) =	sbr.ind lr, $3  }
0x3a: {  	_ = 	snop  }
0x3b: {  	_ = 	snop  }
0x3c: {  	p2 =	seq.s32 s10, $0x1;
	s10 =	sld [smem:$0x3FBA]  }
0x3d: {  	_ =	shalt  }
0x3e: {  	_ =	shalt  }
0x3f: {  	_ =	shalt  }
0x40: {  	_ =	shalt  }
0x41: {  	_ =	shalt  }
0x42: {  	_ =	shalt  }
0x43: {  	_ =	shalt  }
0x44: {  	_ =	shalt  }
0x45: {  	_ =	shalt  }
0x46: {  	_ =	shalt  }
0x47: {  	_ =	shalt  }
0x48: {  	_ =	shalt  }
0x49: {  	_ =	shalt  }
0x4a: {  	_ =	shalt  }
0x4b: {  	_ =	shalt  }
0x4c: {  	_ =	shalt  }
0x4d: {  	_ =	shalt  }
0x4e: {  	_ =	shalt  }
0x4f: {  	_ =	shalt  }
0x50: {  	_ =	shalt  }
0x51: {  	_ =	shalt  }
0x52: {  	_ =	shalt  }
0x53: {  	_ =	shalt  }
0x54: {  	_ =	shalt  }
0x55: {  	_ =	shalt  }
0x56: {  	_ =	shalt  }
0x57: {  	_ =	shalt  }
0x58: {  	_ =	shalt  }
0x59: {  	_ =	shalt  }
0x5a: {  	_ =	shalt  }
0x5b: {  	_ =	shalt  }
0x5c: {  	_ =	shalt  }
0x5d: {  	_ =	shalt  }
0x5e: {  	_ =	shalt  }
0x5f: {  	_ =	shalt  }
0x60: {  	_ =	shalt  }
0x61: {  	_ =	shalt  }
0x62: {  	_ =	shalt  }
0x63: {  	_ =	shalt  }
0x64: {  	_ =	shalt  }
0x65: {  	_ =	shalt  }
0x66: {  	_ =	shalt  }
0x67: {  	_ =	shalt  }
0x68: {  	_ =	shalt  }
0x69: {  	_ =	shalt  }
0x6a: {  	_ =	shalt  }
0x6b: {  	_ =	shalt  }
0x6c: {  	_ =	shalt  }
0x6d: {  	_ =	shalt  }
0x6e: {  	_ =	shalt  }
0x6f: {  	_ =	shalt  }
0x70: {  	_ =	shalt  }
0x71: {  	_ =	shalt  }
0x72: {  	_ =	shalt  }
0x73: {  	_ =	shalt  }
0x74: {  	_ =	shalt  }
0x75: {  	_ =	shalt  }
0x76: {  	_ =	shalt  }
0x77: {  	_ =	shalt  }
0x78: {  	_ =	shalt  }
0x79: {  	_ =	shalt  }
0x7a: {  	_ =	shalt  }
0x7b: {  	_ =	shalt  }
0x7c: {  	_ =	shalt  }
0x7d: {  	_ =	shalt  }
0x7e: {  	_ =	shalt  }
0x7f: {  	_ =	shalt  }
0x80: {  	_ =	shalt  }
0x81: {  	_ =	shalt  }
0x82: {  	_ =	shalt  }
0x83: {  	_ =	shalt  }
0x84: {  	_ =	shalt  }
0x85: {  	_ =	shalt  }
0x86: {  	_ =	shalt  }
0x87: {  	_ =	shalt  }
.Lfunc_end0:
.L_simem_size_0:
called_computation_lowered:
.L_overlay_start_0:
0x88: {  	s2 =	sld [smem:$0x3FD9]  }
0x89: {  	s3 =	sld [smem:$0x3FFE];
	_ =	sdelay $0x1  }
0x8a: {  	s1 =	srdreg.scid  }
0x8b: {  	s0 =	sand.u32 $0x1, s1  }
0x8c: {  	s18 =	sshll.u32 s0, $0xA;
	s2 =	sadd.s32 s3, s2  }
0x8d: {  	s2 =	sadd.s32 s2, s18  }
0x8e: {  	[smem:$0x3FC6] =	sst s2  }
0x8f: {  	_ = 	snop  }
0x90: {  	s2 =	sld [smem:$0x3FC9]  }
0x91: {  	s19 =	sld [smem:$0x3FC8]  }
0x92: {  	s4 =	sld [smem:$0x3FD0];
	(tm) =	ssettm $0x1  }
0x93: {  	s5 =	sld [smem:$0x3FFB];
	_ =	sdelay $0x3  }
0x94: {  	_ =	strace s5  }
0x95: {  	s5 =	sld [smem:$0x3FFC];
	_ =	sdelay $0x3  }
0x96: {  	_ =	strace s5  }
0x97: {  	s5 =	sld [smem:$0x3FFD];
	_ =	sdelay $0x3  }
0x98: {  	_ =	strace s5  }
0x99: {  	_ =	strace $0x8FFFFFFF  }
0x9a: {  	s20 =	sld [smem:$0x3FDB];
	_ =	sdelay $0x1  }
0x9b: {  	s6 =	simm.s32 $_scs_section_size  }
0x9c: {  	s7 =	simm.s32 $_size__tile_overlayer_lowered;
	s8 =	simm.s32 $_tile_overlayer_lowered  }
0x9d: {  	s23 =	simm.s32 $0x1BFF;
	s22 =	sshll.u32 s8, $0x1;
	s5 =	sadd.s32 s6, s20  }
0x9e: {  	s9 =	simm.s32 $0x0;
	s21 =	sshll.u32 s7, $0x1;
	s7 =	sadd.s32 s22, s5  }
0x9f: {  	[timem:s9], [sflag:s23] =	dma.local [hbm:s7], s21  }
0xa0: {  	_ =	swait.ge [sflag:s23], s21  }
0xa1: {  	s6 =	ssub.s32 $0x0, s21;
	[sflag:s23] =	ssyncset.done $0x0  }
0xa2: {  	[sflag:s23] =	ssyncadd.s32 s6;
	_ =	sdelay $0x1  }
0xa3: {  	s24 =	simm.s32 $0x1B8B  }
0xa4: {  	_ =	swait.ge [sflag:s24], $0x1  }
0xa5: {  	[sflag:s24] =	ssyncset.done $0x0  }
0xa6: {  	s25 =	simm.s32 $0x1B8E;
	[sflag:s24] =	ssyncadd.s32 $0xFFFFFFFF  }
0xa7: {  	s26 =	simm.s32 $execute0_lowered;
	[smem:$0x3FD2] =	sst s25  }
0xa8: {  	s6 =	sshll.u32 s26, $0x1;
	_ =	strace $0x80000046;
	[dreg:$0x1] =	wrdreg $0xFFFFFFFF  }
0xa9: {  	s28 =	simm.s32 $_size_execute0_lowered;
	s5 =	sadd.s32 s5, s6;
	[dreg:$0x0] =	wrdreg $0x0  }
0xaa: {  	s6 =	sshll.u32 s28, $0x1;
	[dreg:$0x2] =	wrdreg s5  }
0xab: {  	[dreg:$0x3] =	wrdreg s6  }
0xac: {  	[dreg:$0x4] =	wrdreg $0xC0  }
0xad: {  	_ =	task [dreg:s9], $0x5FFFF  }
0xae: {  	[dreg:$0x1] =	wrdreg $0xFFFFFFFF  }
0xaf: {  	[dreg:$0x0] =	wrdreg $0x60  }
0xb0: {  	[dreg:$0x2] =	wrdreg s2  }
0xb1: {  	[dreg:$0x3] =	wrdreg s19  }
0xb2: {  	[dreg:$0x4] =	wrdreg s4  }
0xb3: {  	[dreg:$0x5] =	wrdreg $0x9  }
0xb4: {  	_ =	task.clear_ibuf [dreg:s9], $0x6FFFF;
	_ =	strace $0x90000046  }
0xb5: {  	s29 =	simm.s32 $0x9;
	_ =	strace $0x80000048  }
0xb6: {  	_ =	swait.ge [sflag:s29], $0x1  }
0xb7: {  	[sflag:s29] =	ssyncadd.s32 $0xFFFFFFFF  }
0xb8: {  	_ =	strace $0x90000048  }
0xb9: {  	_ =	sfence  }
0xba: {  	s30 =	sld [smem:$0x0];
	_ =	sdelay $0x2  }
0xbb: {  	s31 =	sshll.u32 s1, $0xD;
	s1 =	sshrl.u32 s1, $0x2  }
0xbc: {  	s3 =	sand.u32 $0x4000, s31;
	s1 =	sadd.s32 s1, s30  }
0xbd: {  	s0 =	sor.u32 s3, s0;
	s1 =	sshll.u32 s1, $0x11  }
0xbe: {  	s0 =	sor.u32 s1, s0  }
0xbf: {  	s0 =	sadd.s32 $0x8F2B, s0  }
0xc0: {  	[sflag:s0] =	ssyncadd.remote.s32 $0x1  }
0xc1: {  	_ =	sfence.sel $0xFFFF  }
0xc2: {  	[dreg:$0x0] =	wrdreg $0xFFFFFFFF;
	(pc) =	sbr.abs _section_cstart, $3  }
0xc3: {  	[dreg:$0x1] =	wrdreg $0xFFFFFFFF  }
0xc4: {  	_ =	task.clear_ibuf [dreg:s9], $0x2FFFF;
	_ =	strace $0x9FFFFFFF  }
0xc5: {  	(tm) =	ssettm $0x7FFFFFFF  }
tec
execute0_lowered:
.L_overlay_start_1:
0x0: {  	(tag) =	ssettag $0x1  }
0x1: {  	s0 =	srdreg.scid  }
0x2: {  	s1 =	rddreg [dreg:$0x0];
	s0 =	sand.u32 $0x1, s0  }
0x3: {  	s3 =	stileid.u32;
	s8 =	rddreg [dreg:$0x1];
	s2 =	sshll.u32 s0, $0x4  }
0x4: {  	s4 =	simm.s32 $0x0;
	s6 =	sand.u32 $0x1, s3;
	s2 =	sor.u32 s3, s2  }
0x5: {  	s5 =	simm.s32 $0x1;
	p1 =	seq.s32 s6, $0x1;
	p0 =	seq.s32 s2, $0x0  }
0x6: {  	[smem:$0x7FF] =	sst s4;
	s0 =	ssub.s32 $0x2, s0;
	p0 =	por !p0, !p1  }
0x7: {  	s3 =	rddreg [dreg:$0x2];
	_ =	strace $0x80000047;
	p0 =	por !p0, !p0  }
0x8: {  	[dreg:$0x4] =	wrdreg s6;
	s2 =	sshrl.u32 s2, $0x1;
	s5 =	simm.s32 @!p0 $0x0  }
0x9: {  	s6 =	sshll.u32 s6, $0xB;
	s10 =	sshrl.u32 s0, $0x1;
	s2 =	ssub.s32 s2, s5  }
0xa: {  	s0 =	ssub.s32 s0, s10;
	s5 =	sshll.u32 s2, $0xC;
	s2 =	sshll.u32 s2, $0x7  }
0xb: {  	s13 =	sor.u32 $0x80, s6;
	s9 =	sand.u32 $0xFFFF8000, s5;
	s2 =	sand.u32 $0x380, s2  }
0xc: {  	s0 =	smax.u32 s0, $0x1;
	s7 =	sor.u32 s6, s5;
	s2 =	sor.u32 s2, s9  }
0xd: {  	[dreg:$0x17] =	wrdreg s13;
	s14 =	sshll.u32 s7, $0x4;
	s2 =	sshrl.u32 s2, $0x3  }
0xe: {  	[dreg:$0x16] =	wrdreg s0;
	s15 =	sand.u32 $0x1FFF8000, s14;
	s2 =	sadd.s32 s8, s2  }
0xf: {  	s16 =	sadd.s32 s15, s1;
	s1 =	sadd.s32 s1, s14;
	[dreg:$0x5] =	wrdreg s2  }
0x10: {  	s14 =	sor.u32 $0x100, s6;
	[dreg:$0x6] =	wrdreg s1  }
0x11: {  	s15 =	sor.u32 $0x180, s6;
	[dreg:$0x18] =	wrdreg s14  }
0x12: {  	s17 =	sadd.s32 $0x800, s16;
	[dreg:$0x19] =	wrdreg s15  }
0x13: {  	s18 =	sadd.s32 $0x1000, s16;
	[dreg:$0x7] =	wrdreg s17  }
0x14: {  	s19 =	sadd.s32 $0x1800, s16;
	[dreg:$0x8] =	wrdreg s18  }
0x15: {  	s20 =	sadd.s32 $0x2000, s16;
	[dreg:$0x9] =	wrdreg s19  }
0x16: {  	s21 =	sadd.s32 $0x2800, s16;
	[dreg:$0xa] =	wrdreg s20  }
0x17: {  	s22 =	sadd.s32 $0x3000, s16;
	[dreg:$0xb] =	wrdreg s21  }
0x18: {  	s23 =	sadd.s32 $0x3800, s16;
	[dreg:$0xc] =	wrdreg s22  }
0x19: {  	s24 =	sadd.s32 $0x4000, s16;
	[dreg:$0xd] =	wrdreg s23  }
0x1a: {  	s25 =	sadd.s32 $0x4800, s16;
	[dreg:$0xe] =	wrdreg s24  }
0x1b: {  	s26 =	sadd.s32 $0x5000, s16;
	[dreg:$0xf] =	wrdreg s25  }
0x1c: {  	s8 =	sadd.s32 $0x5800, s16;
	[dreg:$0x10] =	wrdreg s26  }
0x1d: {  	s9 =	sadd.s32 $0x6000, s16;
	[dreg:$0x11] =	wrdreg s8  }
0x1e: {  	s10 =	sadd.s32 $0x6800, s16;
	[dreg:$0x12] =	wrdreg s9  }
0x1f: {  	s11 =	sadd.s32 $0x7000, s16;
	[dreg:$0x13] =	wrdreg s10  }
0x20: {  	s12 =	sadd.s32 $0x7800, s16;
	[dreg:$0x14] =	wrdreg s11  }
0x21: {  	s16 =	sor.u32 $0x200, s6;
	[dreg:$0x15] =	wrdreg s12  }
0x22: {  	[dreg:$0x1a] =	wrdreg s16;
	s17 =	sor.u32 $0x280, s6  }
0x23: {  	s28 =	simm.s32 $0x5;
	s18 =	sor.u32 $0x300, s6;
	[dreg:$0x1b] =	wrdreg s17  }
0x24: {  	s29 =	simm.s32 $0x6;
	s19 =	sor.u32 $0x380, s6;
	[dreg:$0x1c] =	wrdreg s18  }
0x25: {  	s30 =	simm.s32 $0x9;
	s20 =	sor.u32 $0x400, s6;
	[dreg:$0x1d] =	wrdreg s19  }
0x26: {  	s31 =	simm.s32 $0xA;
	s21 =	sor.u32 $0x480, s6;
	[dreg:$0x1e] =	wrdreg s20  }
0x27: {  	s0 =	simm.s32 $0xC;
	s22 =	sor.u32 $0x500, s6;
	[dreg:$0x1f] =	wrdreg s21  }
0x28: {  	s7 =	simm.s32 $0x1;
	s23 =	sor.u32 $0x580, s6;
	[smem:$0x7F9] =	sst s22  }
0x29: {  	s15 =	sor.u32 $0x780, s6;
	s24 =	sor.u32 $0x600, s6;
	[smem:$0x7FA] =	sst s23  }
0x2a: {  	s2 =	simm.s32 $0x8;
	s25 =	sor.u32 $0x680, s6;
	[smem:$0x7FB] =	sst s24  }
0x2b: {  	s1 =	simm.s32 $0xB;
	s26 =	sor.u32 $0x700, s6;
	[smem:$0x7FC] =	sst s25  }
0x2c: {  	s16 =	simm.s32 $0x80;
	s8 =	simm.s32 $0x0;
	[smem:$0x7FD] =	sst s26  }
0x2d: {  	s17 =	simm.s32 $0x1800;
	s18 =	simm.s32 $0x5800;
	s19 =	simm.s32 $0x9800  }
0x2e: {  	s21 =	simm.s32 $0xD800;
	s22 =	simm.s32 $0x2;
	s24 =	simm.s32 $0x3  }
0x2f: {  	v0 =	vimm.s32 $0x0;
	v1 =	vlaneseq.u32;
	s25 =	simm.s32 $0x15800;
	s20 =	simm.s32 $0x4;
	s26 =	simm.s32 $0x7  }
.LBB2_1:
0x30: {  	s9 =	rddreg [dreg:$0x5];
	s10 =	simm.s32 $0x400  }
0x31: {  	[tilespmem:s4], [sflag:$0xD] =	stream.strided.gather [hbm4b:s9+s16], $0x1000, s10, s16, $0x38;
	[tilespmem:$0x19800] =	vst v63  }
0x32: {  	s11 =	rddreg [dreg:$0x6]  }
0x33: {  	[tilespmem:s17], [sflag:$0x1] =	stream.linear.gather [hbm4b:s11+s4], $0x4000, $0x38;
	[tilespmem:$0x19800] =	vst v63  }
0x34: {  	s12 =	rddreg [dreg:$0x7]  }
0x35: {  	[tilespmem:s18], [sflag:$0x2] =	stream.linear.gather [hbm4b:s12+s4], $0x4000, $0x38;
	[tilespmem:$0x19800] =	vst v63  }
0x36: {  	s13 =	rddreg [dreg:$0x8];
	s14 =	simm.s32 $0xD  }
0x37: {  	[tilespmem:s19], [sflag:$0x3] =	stream.linear.gather [hbm4b:s13+s4], $0x4000, $0x38;
	[tilespmem:$0x19800] =	vst v63  }
0x38: {  	_ =	swait.ge [sflag:s14], $0x1000  }
0x39: {  	[sflag:s14] =	ssyncset.done $0x0  }
0x3a: {  	s23 =	simm.s32 $0x0;
	[sflag:s14] =	ssyncadd.s32 $0xFFFFF000  }
0x3b: {  	v5 =	vld [tilespmem:s23+$0x0]  }
0x3c: {  	v4 =	vld [tilespmem:s23+$0x10]  }
0x3d: {  	v3 =	vld [tilespmem:s23+$0x20]  }
0x3e: {  	v2 =	vld [tilespmem:s23+$0x30]  }
0x3f: {  	v6 =	vimm.s32 $0x0;
	s9 =	simm.s32 $0x100  }
.LBB2_2:
0x40: {  	s10 =	sshra.s32 s9, $0x2;
	p0 =	sne.s32 s9, $0x1F00;
	s9 =	sadd.s32 $0x100, s9;
	vm0 =	vlt.s32 v5, $0x3  }
.Ltmp0:
0x41: {  	v5 =	vld [tilespmem:s10+$0x0];
	v7 =	vsel vm0, $0x1, v0;
	vm0 =	vlt.s32 v4, $0x3;
	(pc) =	sbr.rel @p0 .LBB2_2-.Ltmp0, $4  }
0x42: {  	v4 =	vld [tilespmem:s10+$0x10];
	v8 =	vsel vm0, $0x1, v0;
	vm0 =	vlt.s32 v3, $0x3;
	v6 =	vadd.s32 v7, v6  }
0x43: {  	v3 =	vld [tilespmem:s10+$0x20];
	v7 =	vsel vm0, $0x1, v0;
	vm0 =	vlt.s32 v2, $0x3;
	v6 =	vadd.s32 v8, v6  }
0x44: {  	v2 =	vld [tilespmem:s10+$0x30];
	v8 =	vsel vm0, $0x1, v0;
	v6 =	vadd.s32 v7, v6  }
0x45: {  	v6 =	vadd.s32 v8, v6  }
0x46: {  	vm0 =	vlt.s32 v5, $0x3;
	s9 =	simm.s32 $0x0  }
0x47: {  	v5 =	vsel vm0, $0x1, v0;
	vm13 =	vlt.s32 v4, $0x3;
	s10 =	sand.u32 $0x7C0, s9  }
0x48: {  	s9 =	simm.s32 $0x830;
	v4 =	vsel vm13, $0x1, v0;
	vm14 =	vlt.s32 v3, $0x3;
	v5 =	vadd.s32 v5, v6;
	v3 =	vld [tilespmem:s10+$0x800]  }
0x49: {  	vm15 =	vlt.s32 v2, $0x3;
	v2 =	vadd.s32 v4, v5;
	v4 =	vld [tilespmem:s9+$0xFFFFFFE0]  }
0x4a: {  	v6 =	vsel vm14, $0x1, v0;
	v5 =	vld [tilespmem:s9+$0xFFFFFFF0]  }
0x4b: {  	v7 =	vsel vm15, $0x1, v0;
	v2 =	vadd.s32 v6, v2;
	v6 =	vld [tilespmem:s9+$0x0]  }
0x4c: {  	s10 =	simm.s32 $0x40;
	v2 =	vadd.s32 v7, v2;
	v7 =	vimm.s32 $0x0  }
.LBB2_4:
0x4d: {  	s11 =	sand.u32 $0x7C0, s10;
	p0 =	sne.s32 s10, $0x7C0;
	s10 =	sadd.s32 $0x40, s10;
	vm0 =	vlt.s32 v3, $0x3  }
.Ltmp1:
0x4e: {  	s9 =	sadd.s32 $0x40, s9;
	v3 =	vld [tilespmem:s11+$0x800];
	v8 =	vsel vm0, $0x1, v0;
	vm0 =	vlt.s32 v4, $0x3;
	(pc) =	sbr.rel @p0 .LBB2_4-.Ltmp1, $4  }
0x4f: {  	v4 =	vld [tilespmem:s9+$0xFFFFFFE0];
	v9 =	vsel vm0, $0x1, v0;
	vm0 =	vlt.s32 v5, $0x3;
	v7 =	vadd.s32 v8, v7  }
0x50: {  	v5 =	vld [tilespmem:s9+$0xFFFFFFF0];
	v8 =	vsel vm0, $0x1, v0;
	vm0 =	vlt.s32 v6, $0x3;
	v7 =	vadd.s32 v9, v7  }
0x51: {  	v6 =	vld [tilespmem:s9+$0x0];
	v9 =	vsel vm0, $0x1, v0;
	v7 =	vadd.s32 v8, v7  }
0x52: {  	v7 =	vadd.s32 v9, v7  }
0x53: {  	vm0 =	vlt.s32 v3, $0x3  }
0x54: {  	v3 =	vsel vm0, $0x1, v0;
	vm12 =	vlt.s32 v4, $0x3  }
0x55: {  	(xrf0) =	vadd.scan.msk.s32 $0xffff, v2;
	v4 =	vsel vm12, $0x1, v0;
	vm13 =	vlt.s32 v5, $0x3;
	v3 =	vadd.s32 v3, v7  }
0x56: {  	v2 =	vsel vm13, $0x1, v0;
	vm14 =	vlt.s32 v6, $0x3;
	v3 =	vadd.s32 v4, v3  }
0x57: {  	v4 =	vsel vm14, $0x1, v0;
	v2 =	vadd.s32 v2, v3  }
0x58: {  	v2 =	vadd.s32 v4, v2  }
0x59: {  	(xrf0) =	vadd.scan.msk.s32 $0xffff, v2;
	_ =	sdelay $0x1  }
0x5a: {  	v2, _, _ =	vpop (xrf0)  }
0x5b: {  	(v2sf) =	vpush v2, $0xF;
	_ =	sdelay $0x2  }
0x5c: {  	v2, _, _ =	vpop (xrf0)  }
0x5d: {  	(v2sf) =	vpush v2, $0xF;
	_ =	sdelay $0x2  }
0x5e: {  	v2 =	vld [tilespmem:s6+$0x0];
	_ =	sdelay $0x4  }
0x5f: {  	vm15 =	vlt.s32 v2, $0x3  }
0x60: {  	v2 =	vsel vm15, $0x1, v0  }
0x61: {  	(xrf0) =	vadd.scan.msk.s32 $0xffff, v2  }
0x62: {  	s12 =	rddreg [dreg:$0x4];
	s9 =	spop (v2sf)  }
0x63: {  	s10 =	smul.u32 s12, s9;
	s11 =	ssub.s32 $0x800, s9  }
0x64: {  	s11 =	smul.u32 s12, s11  }
0x65: {  	s9 =	sadd.s32 s5, s9;
	s10 =	sadd.s32 s5, s10  }
0x66: {  	s14 =	spop (v2sf);
	s9 =	sadd.s32 s11, s9;
	v2 =	vmov s10  }
0x67: {  	v3, _, _ =	vpop (xrf0);
	s10 =	simm.s32 $0x0;
	s9 =	sadd.s32 s14, s9;
	v2 =	vadd.s32 $0xFFFFFFFF, v2  }
0x68: {  	(v2sf) =	vpush v3, $0xF;
	v4 =	vadd.s32 s10, v3;
	v2 =	vbroadcast v2, $0x0;
	s23 =	sadd.s32 $0x0, s9  }
0x69: {  	v5 =	vsub.s32 s23, v4  }
0x6a: {  	v4 =	vadd.s32 v4, v2;
	v5 =	vadd.s32 v1, v5  }
0x6b: {  	s11 =	simm.s32 $0x1000;
	v4 =	vsel vm15, v4, v5  }
0x6c: {  	s13 =	sadd.s32 $0x10, s6;
	[tilespmem:s11+$0x0] =	vst v4  }
0x6d: {  	s12 =	simm.s32 $0x10;
	s23 =	simm.s32 $0x20;
	v3 =	vld [tilespmem:s13+$0x0]  }
.LBB2_6:
0x6e: {  	p0 =	sne.s32 s23, $0x70;
	_ =	sdelay $0x3  }
0x6f: {  	vm0 =	vlt.s32 v3, $0x3  }
0x70: {  	v3 =	vsel vm0, $0x1, v0  }
0x71: {  	(xrf0) =	vadd.scan.msk.s32 $0xffff, v3;
	_ =	sdelay $0x2  }
0x72: {  	s14 =	spop (v2sf)  }
0x73: {  	s10 =	sadd.s32 s10, s14;
	_ =	sdelay $0x1  }
0x74: {  	v3, _, _ =	vpop (xrf0)  }
0x75: {  	s14 =	sadd.s32 s9, s12;
	s12 =	smov.u32 s23;
	v4 =	vadd.s32 s10, v3;
	(v2sf) =	vpush v3, $0xF  }
.Ltmp2:
0x76: {  	v3 =	vadd.s32 v4, v2;
	v4 =	vsub.s32 s14, v4;
	(pc) =	sbr.rel @p0 .LBB2_6-.Ltmp2, $4  }
0x77: {  	v4 =	vadd.s32 v1, v4  }
0x78: {  	s11 =	sadd.s32 $0x10, s11;
	v3 =	vsel vm0, v3, v4  }
0x79: {  	s13 =	sadd.s32 $0x10, s13;
	[tilespmem:s11+$0x0] =	vst v3  }
0x7a: {  	s23 =	sadd.s32 $0x10, s23;
	v3 =	vld [tilespmem:s13+$0x0]  }
0x7b: {  	_ =	sdelay $0x3  }
0x7c: {  	vm0 =	vlt.s32 v3, $0x3  }
0x7d: {  	v3 =	vsel vm0, $0x1, v0  }
0x7e: {  	(xrf0) =	vadd.scan.msk.s32 $0xffff, v3;
	_ =	sdelay $0x5  }
0x7f: {  	v3, _, _ =	vpop (xrf0)  }
0x80: {  	(v2sf) =	vpush v3, $0xF;
	_ =	sdelay $0x8  }
0x81: {  	s13 =	spop (v2sf)  }
0x82: {  	s10 =	sadd.s32 s10, s13  }
0x83: {  	s12 =	sadd.s32 s9, s12;
	v3 =	vadd.s32 s10, v3  }
0x84: {  	v4 =	vsub.s32 s12, v3  }
0x85: {  	v3 =	vadd.s32 v3, v2;
	v4 =	vadd.s32 v1, v4  }
0x86: {  	s11 =	sadd.s32 $0x10, s11;
	v3 =	vsel vm0, v3, v4  }
0x87: {  	[tilespmem:s11+$0x0] =	vst v3;
	s11 =	spop (v2sf)  }
0x88: {  	_ =	swait.ge [sflag:s7], $0x4000  }
0x89: {  	s14 =	simm.s32 $0x80;
	[sflag:s7] =	ssyncset.done $0x0  }
0x8a: {  	s23 =	simm.s32 $0x1000;
	s13 =	rddreg [dreg:$0x9];
	[sflag:s7] =	ssyncadd.s32 $0xFFFFC000  }
0x8b: {  	[hbm4b:s3+s14] =	stream.indirect.scatter [tilespmem:s17], [sflag:$0x7], $0x80, s23, s14, $0xb8;
	[tilespmem:$0x19800] =	vst v63  }
0x8c: {  	s14 =	rddreg [dreg:$0x17]  }
0x8d: {  	[tilespmem:s21], [sflag:$0x4] =	stream.linear.gather [hbm4b:s13+s4], $0x4000, $0x38;
	[tilespmem:$0x19800] =	vst v63  }
0x8e: {  	v3 =	vld [tilespmem:s14+$0x0];
	_ =	sdelay $0x4  }
0x8f: {  	vm15 =	vlt.s32 v3, $0x3  }
0x90: {  	v3 =	vsel vm15, $0x1, v0  }
0x91: {  	(xrf0) =	vadd.scan.msk.s32 $0xffff, v3;
	_ =	sdelay $0x5  }
0x92: {  	s10 =	sadd.s32 s10, s11;
	v3, _, _ =	vpop (xrf0)  }
0x93: {  	s23 =	sadd.s32 $0x80, s9;
	v4 =	vadd.s32 s10, v3;
	(v2sf) =	vpush v3, $0xF  }
0x94: {  	v5 =	vsub.s32 s23, v4  }
0x95: {  	v4 =	vadd.s32 v4, v2;
	v5 =	vadd.s32 v1, v5  }
0x96: {  	s11 =	simm.s32 $0x1080;
	v4 =	vsel vm15, v4, v5  }
0x97: {  	s13 =	sadd.s32 $0x10, s14;
	[tilespmem:s11+$0x0] =	vst v4  }
0x98: {  	s12 =	simm.s32 $0x90;
	s23 =	simm.s32 $0xA0;
	v3 =	vld [tilespmem:s13+$0x0]  }
.LBB2_8:
0x99: {  	p0 =	sne.s32 s23, $0xF0;
	_ =	sdelay $0x3  }
0x9a: {  	vm0 =	vlt.s32 v3, $0x3  }
0x9b: {  	v3 =	vsel vm0, $0x1, v0  }
0x9c: {  	(xrf0) =	vadd.scan.msk.s32 $0xffff, v3;
	_ =	sdelay $0x2  }
0x9d: {  	s14 =	spop (v2sf)  }
0x9e: {  	s10 =	sadd.s32 s10, s14;
	_ =	sdelay $0x1  }
0x9f: {  	v3, _, _ =	vpop (xrf0)  }
0xa0: {  	s14 =	sadd.s32 s9, s12;
	s12 =	smov.u32 s23;
	v4 =	vadd.s32 s10, v3;
	(v2sf) =	vpush v3, $0xF  }
.Ltmp3:
0xa1: {  	v3 =	vadd.s32 v4, v2;
	v4 =	vsub.s32 s14, v4;
	(pc) =	sbr.rel @p0 .LBB2_8-.Ltmp3, $4  }
0xa2: {  	v4 =	vadd.s32 v1, v4  }
0xa3: {  	s11 =	sadd.s32 $0x10, s11;
	v3 =	vsel vm0, v3, v4  }
0xa4: {  	s13 =	sadd.s32 $0x10, s13;
	[tilespmem:s11+$0x0] =	vst v3  }
0xa5: {  	s23 =	sadd.s32 $0x10, s23;
	v3 =	vld [tilespmem:s13+$0x0]  }
0xa6: {  	_ =	sdelay $0x3  }
0xa7: {  	vm0 =	vlt.s32 v3, $0x3  }
0xa8: {  	v3 =	vsel vm0, $0x1, v0  }
0xa9: {  	(xrf0) =	vadd.scan.msk.s32 $0xffff, v3;
	_ =	sdelay $0x5  }
0xaa: {  	v3, _, _ =	vpop (xrf0)  }
0xab: {  	(v2sf) =	vpush v3, $0xF;
	_ =	sdelay $0x8  }
0xac: {  	s13 =	spop (v2sf)  }
0xad: {  	s10 =	sadd.s32 s10, s13  }
0xae: {  	s12 =	sadd.s32 s9, s12;
	v3 =	vadd.s32 s10, v3  }
0xaf: {  	v4 =	vsub.s32 s12, v3  }
0xb0: {  	v3 =	vadd.s32 v3, v2;
	v4 =	vadd.s32 v1, v4  }
0xb1: {  	s11 =	sadd.s32 $0x10, s11;
	v3 =	vsel vm0, v3, v4  }
0xb2: {  	[tilespmem:s11+$0x0] =	vst v3;
	s11 =	spop (v2sf)  }
0xb3: {  	_ =	swait.ge [sflag:s22], $0x4000  }
0xb4: {  	[sflag:s22] =	ssyncset.done $0x0  }
0xb5: {  	s13 =	simm.s32 $0x1080;
	[sflag:s22] =	ssyncadd.s32 $0xFFFFC000  }
0xb6: {  	[hbm4b:s3+s16] =	stream.indirect.scatter [tilespmem:s18], [sflag:$0x8], $0x80, s13, s16, $0xb8;
	[tilespmem:$0x19800] =	vst v63  }
0xb7: {  	s23 =	simm.s32 $0x11800;
	s14 =	rddreg [dreg:$0xa]  }
0xb8: {  	[tilespmem:s23], [sflag:$0x5] =	stream.linear.gather [hbm4b:s14+s4], $0x4000, $0x38;
	[tilespmem:$0x19800] =	vst v63  }
0xb9: {  	s14 =	rddreg [dreg:$0x18]  }
0xba: {  	v3 =	vld [tilespmem:s14+$0x0];
	_ =	sdelay $0x4  }
0xbb: {  	vm15 =	vlt.s32 v3, $0x3  }
0xbc: {  	v3 =	vsel vm15, $0x1, v0  }
0xbd: {  	(xrf0) =	vadd.scan.msk.s32 $0xffff, v3;
	_ =	sdelay $0x5  }
0xbe: {  	s10 =	sadd.s32 s10, s11;
	v3, _, _ =	vpop (xrf0)  }
0xbf: {  	s23 =	sadd.s32 $0x100, s9;
	v4 =	vadd.s32 s10, v3;
	(v2sf) =	vpush v3, $0xF  }
0xc0: {  	v5 =	vsub.s32 s23, v4  }
0xc1: {  	v4 =	vadd.s32 v4, v2;
	v5 =	vadd.s32 v1, v5  }
0xc2: {  	s11 =	simm.s32 $0x1100;
	v4 =	vsel vm15, v4, v5  }
0xc3: {  	s13 =	sadd.s32 $0x10, s14;
	[tilespmem:s11+$0x0] =	vst v4  }
0xc4: {  	s12 =	simm.s32 $0x110;
	s23 =	simm.s32 $0x120;
	v3 =	vld [tilespmem:s13+$0x0]  }
.LBB2_10:
0xc5: {  	p0 =	sne.s32 s23, $0x170;
	_ =	sdelay $0x3  }
0xc6: {  	vm0 =	vlt.s32 v3, $0x3  }
0xc7: {  	v3 =	vsel vm0, $0x1, v0  }
0xc8: {  	(xrf0) =	vadd.scan.msk.s32 $0xffff, v3;
	_ =	sdelay $0x2  }
0xc9: {  	s14 =	spop (v2sf)  }
0xca: {  	s10 =	sadd.s32 s10, s14;
	_ =	sdelay $0x1  }
0xcb: {  	v3, _, _ =	vpop (xrf0)  }
0xcc: {  	s14 =	sadd.s32 s9, s12;
	s12 =	smov.u32 s23;
	v4 =	vadd.s32 s10, v3;
	(v2sf) =	vpush v3, $0xF  }
.Ltmp4:
0xcd: {  	v3 =	vadd.s32 v4, v2;
	v4 =	vsub.s32 s14, v4;
	(pc) =	sbr.rel @p0 .LBB2_10-.Ltmp4, $4  }
0xce: {  	v4 =	vadd.s32 v1, v4  }
0xcf: {  	s11 =	sadd.s32 $0x10, s11;
	v3 =	vsel vm0, v3, v4  }
0xd0: {  	s13 =	sadd.s32 $0x10, s13;
	[tilespmem:s11+$0x0] =	vst v3  }
0xd1: {  	s23 =	sadd.s32 $0x10, s23;
	v3 =	vld [tilespmem:s13+$0x0]  }
0xd2: {  	_ =	sdelay $0x3  }
0xd3: {  	vm0 =	vlt.s32 v3, $0x3  }
0xd4: {  	v3 =	vsel vm0, $0x1, v0  }
0xd5: {  	(xrf0) =	vadd.scan.msk.s32 $0xffff, v3;
	_ =	sdelay $0x5  }
0xd6: {  	v3, _, _ =	vpop (xrf0)  }
0xd7: {  	(v2sf) =	vpush v3, $0xF;
	_ =	sdelay $0x8  }
0xd8: {  	s13 =	spop (v2sf)  }
0xd9: {  	s10 =	sadd.s32 s10, s13  }
0xda: {  	s12 =	sadd.s32 s9, s12;
	v3 =	vadd.s32 s10, v3  }
0xdb: {  	v4 =	vsub.s32 s12, v3  }
0xdc: {  	v3 =	vadd.s32 v3, v2;
	v4 =	vadd.s32 v1, v4  }
0xdd: {  	s11 =	sadd.s32 $0x10, s11;
	v3 =	vsel vm0, v3, v4  }
0xde: {  	[tilespmem:s11+$0x0] =	vst v3;
	s11 =	spop (v2sf)  }
0xdf: {  	_ =	swait.ge [sflag:s24], $0x4000  }
0xe0: {  	[sflag:s24] =	ssyncset.done $0x0  }
0xe1: {  	s23 =	simm.s32 $0x1100;
	s13 =	rddreg [dreg:$0xb];
	[sflag:s24] =	ssyncadd.s32 $0xFFFFC000  }
0xe2: {  	[hbm4b:s3+s16] =	stream.indirect.scatter [tilespmem:s19], [sflag:$0x9], $0x80, s23, s16, $0xb8;
	[tilespmem:$0x19800] =	vst v63  }
0xe3: {  	s14 =	rddreg [dreg:$0x19]  }
0xe4: {  	[tilespmem:s25], [sflag:$0x6] =	stream.linear.gather [hbm4b:s13+s4], $0x4000, $0x38;
	[tilespmem:$0x19800] =	vst v63  }
0xe5: {  	v3 =	vld [tilespmem:s14+$0x0];
	_ =	sdelay $0x4  }
0xe6: {  	vm15 =	vlt.s32 v3, $0x3  }
0xe7: {  	v3 =	vsel vm15, $0x1, v0  }
0xe8: {  	(xrf0) =	vadd.scan.msk.s32 $0xffff, v3;
	_ =	sdelay $0x5  }
0xe9: {  	s10 =	sadd.s32 s10, s11;
	v3, _, _ =	vpop (xrf0)  }
0xea: {  	s23 =	sadd.s32 $0x180, s9;
	v4 =	vadd.s32 s10, v3;
	(v2sf) =	vpush v3, $0xF  }
0xeb: {  	v5 =	vsub.s32 s23, v4  }
0xec: {  	v4 =	vadd.s32 v4, v2;
	v5 =	vadd.s32 v1, v5  }
0xed: {  	s11 =	simm.s32 $0x1180;
	v4 =	vsel vm15, v4, v5  }
0xee: {  	s13 =	sadd.s32 $0x10, s14;
	[tilespmem:s11+$0x0] =	vst v4  }
0xef: {  	s12 =	simm.s32 $0x190;
	s23 =	simm.s32 $0x1A0;
	v3 =	vld [tilespmem:s13+$0x0]  }
.LBB2_12:
0xf0: {  	p0 =	sne.s32 s23, $0x1F0;
	_ =	sdelay $0x3  }
0xf1: {  	vm0 =	vlt.s32 v3, $0x3  }
0xf2: {  	v3 =	vsel vm0, $0x1, v0  }
0xf3: {  	(xrf0) =	vadd.scan.msk.s32 $0xffff, v3;
	_ =	sdelay $0x2  }
0xf4: {  	s14 =	spop (v2sf)  }
0xf5: {  	s10 =	sadd.s32 s10, s14;
	_ =	sdelay $0x1  }
0xf6: {  	v3, _, _ =	vpop (xrf0)  }
0xf7: {  	s14 =	sadd.s32 s9, s12;
	s12 =	smov.u32 s23;
	v4 =	vadd.s32 s10, v3;
	(v2sf) =	vpush v3, $0xF  }
.Ltmp5:
0xf8: {  	v3 =	vadd.s32 v4, v2;
	v4 =	vsub.s32 s14, v4;
	(pc) =	sbr.rel @p0 .LBB2_12-.Ltmp5, $4  }
0xf9: {  	v4 =	vadd.s32 v1, v4  }
0xfa: {  	s11 =	sadd.s32 $0x10, s11;
	v3 =	vsel vm0, v3, v4  }
0xfb: {  	s13 =	sadd.s32 $0x10, s13;
	[tilespmem:s11+$0x0] =	vst v3  }
0xfc: {  	s23 =	sadd.s32 $0x10, s23;
	v3 =	vld [tilespmem:s13+$0x0]  }
0xfd: {  	_ =	sdelay $0x3  }
0xfe: {  	vm0 =	vlt.s32 v3, $0x3  }
0xff: {  	v3 =	vsel vm0, $0x1, v0  }
0x100: {  	(xrf0) =	vadd.scan.msk.s32 $0xffff, v3;
	_ =	sdelay $0x5  }
0x101: {  	v3, _, _ =	vpop (xrf0)  }
0x102: {  	(v2sf) =	vpush v3, $0xF;
	_ =	sdelay $0x8  }
0x103: {  	s13 =	spop (v2sf)  }
0x104: {  	s10 =	sadd.s32 s10, s13  }
0x105: {  	s12 =	sadd.s32 s9, s12;
	v3 =	vadd.s32 s10, v3  }
0x106: {  	v4 =	vsub.s32 s12, v3  }
0x107: {  	v3 =	vadd.s32 v3, v2;
	v4 =	vadd.s32 v1, v4  }
0x108: {  	s11 =	sadd.s32 $0x10, s11;
	v3 =	vsel vm0, v3, v4  }
0x109: {  	[tilespmem:s11+$0x0] =	vst v3;
	s11 =	spop (v2sf)  }
0x10a: {  	_ =	swait.ge [sflag:s20], $0x4000  }
0x10b: {  	[sflag:s20] =	ssyncset.done $0x0  }
0x10c: {  	s23 =	simm.s32 $0x1180;
	[sflag:s20] =	ssyncadd.s32 $0xFFFFC000  }
0x10d: {  	[hbm4b:s3+s16] =	stream.indirect.scatter [tilespmem:s21], [sflag:$0xA], $0x80, s23, s16, $0xb8;
	[tilespmem:$0x19800] =	vst v63  }
0x10e: {  	_ =	swait.ge [sflag:s26], $0x4000  }
0x10f: {  	[sflag:s26] =	ssyncset.done $0x0;
	s13 =	rddreg [dreg:$0xc]  }
0x110: {  	s14 =	rddreg [dreg:$0x1a];
	[sflag:s26] =	ssyncadd.s32 $0xFFFFC000  }
0x111: {  	[tilespmem:s17], [sflag:$0x1] =	stream.linear.gather [hbm4b:s13+s4], $0x4000, $0x38;
	[tilespmem:$0x19800] =	vst v63  }
0x112: {  	v3 =	vld [tilespmem:s14+$0x0];
	_ =	sdelay $0x4  }
0x113: {  	vm15 =	vlt.s32 v3, $0x3  }
0x114: {  	v3 =	vsel vm15, $0x1, v0  }
0x115: {  	(xrf0) =	vadd.scan.msk.s32 $0xffff, v3;
	_ =	sdelay $0x5  }
0x116: {  	s10 =	sadd.s32 s10, s11;
	v3, _, _ =	vpop (xrf0)  }
0x117: {  	s23 =	sadd.s32 $0x200, s9;
	v4 =	vadd.s32 s10, v3;
	(v2sf) =	vpush v3, $0xF  }
0x118: {  	v5 =	vsub.s32 s23, v4  }
0x119: {  	v4 =	vadd.s32 v4, v2;
	v5 =	vadd.s32 v1, v5  }
0x11a: {  	s11 =	simm.s32 $0x1200;
	v4 =	vsel vm15, v4, v5  }
0x11b: {  	s13 =	sadd.s32 $0x10, s14;
	[tilespmem:s11+$0x0] =	vst v4  }
0x11c: {  	s12 =	simm.s32 $0x210;
	s23 =	simm.s32 $0x220;
	v3 =	vld [tilespmem:s13+$0x0]  }
.LBB2_14:
0x11d: {  	p0 =	sne.s32 s23, $0x270;
	_ =	sdelay $0x3  }
0x11e: {  	vm0 =	vlt.s32 v3, $0x3  }
0x11f: {  	v3 =	vsel vm0, $0x1, v0  }
0x120: {  	(xrf0) =	vadd.scan.msk.s32 $0xffff, v3;
	_ =	sdelay $0x2  }
0x121: {  	s14 =	spop (v2sf)  }
0x122: {  	s10 =	sadd.s32 s10, s14;
	_ =	sdelay $0x1  }
0x123: {  	v3, _, _ =	vpop (xrf0)  }
0x124: {  	s14 =	sadd.s32 s9, s12;
	s12 =	smov.u32 s23;
	v4 =	vadd.s32 s10, v3;
	(v2sf) =	vpush v3, $0xF  }
.Ltmp6:
0x125: {  	v3 =	vadd.s32 v4, v2;
	v4 =	vsub.s32 s14, v4;
	(pc) =	sbr.rel @p0 .LBB2_14-.Ltmp6, $4  }
0x126: {  	v4 =	vadd.s32 v1, v4  }
0x127: {  	s11 =	sadd.s32 $0x10, s11;
	v3 =	vsel vm0, v3, v4  }
0x128: {  	s13 =	sadd.s32 $0x10, s13;
	[tilespmem:s11+$0x0] =	vst v3  }
0x129: {  	s23 =	sadd.s32 $0x10, s23;
	v3 =	vld [tilespmem:s13+$0x0]  }
0x12a: {  	_ =	sdelay $0x3  }
0x12b: {  	vm0 =	vlt.s32 v3, $0x3  }
0x12c: {  	v3 =	vsel vm0, $0x1, v0  }
0x12d: {  	(xrf0) =	vadd.scan.msk.s32 $0xffff, v3;
	_ =	sdelay $0x5  }
0x12e: {  	v3, _, _ =	vpop (xrf0)  }
0x12f: {  	(v2sf) =	vpush v3, $0xF;
	_ =	sdelay $0x8  }
0x130: {  	s13 =	spop (v2sf)  }
0x131: {  	s10 =	sadd.s32 s10, s13  }
0x132: {  	s12 =	sadd.s32 s9, s12;
	v3 =	vadd.s32 s10, v3  }
0x133: {  	v4 =	vsub.s32 s12, v3  }
0x134: {  	v3 =	vadd.s32 v3, v2;
	v4 =	vadd.s32 v1, v4  }
0x135: {  	s11 =	sadd.s32 $0x10, s11;
	v3 =	vsel vm0, v3, v4  }
0x136: {  	[tilespmem:s11+$0x0] =	vst v3;
	s11 =	spop (v2sf)  }
0x137: {  	_ =	swait.ge [sflag:s28], $0x4000  }
0x138: {  	[sflag:s28] =	ssyncset.done $0x0  }
0x139: {  	s14 =	simm.s32 $0x11800;
	s23 =	simm.s32 $0x1200;
	[sflag:s28] =	ssyncadd.s32 $0xFFFFC000  }
0x13a: {  	[hbm4b:s3+s16] =	stream.indirect.scatter [tilespmem:s14], [sflag:$0xB], $0x80, s23, s16, $0xb8;
	[tilespmem:$0x19800] =	vst v63  }
0x13b: {  	_ =	swait.ge [sflag:s2], $0x4000  }
0x13c: {  	[sflag:s2] =	ssyncset.done $0x0;
	s13 =	rddreg [dreg:$0xd]  }
0x13d: {  	s14 =	rddreg [dreg:$0x1b];
	[sflag:s2] =	ssyncadd.s32 $0xFFFFC000  }
0x13e: {  	[tilespmem:s18], [sflag:$0x2] =	stream.linear.gather [hbm4b:s13+s4], $0x4000, $0x38;
	[tilespmem:$0x19800] =	vst v63  }
0x13f: {  	v3 =	vld [tilespmem:s14+$0x0];
	_ =	sdelay $0x4  }
0x140: {  	vm15 =	vlt.s32 v3, $0x3  }
0x141: {  	v3 =	vsel vm15, $0x1, v0  }
0x142: {  	(xrf0) =	vadd.scan.msk.s32 $0xffff, v3;
	_ =	sdelay $0x5  }
0x143: {  	s10 =	sadd.s32 s10, s11;
	v3, _, _ =	vpop (xrf0)  }
0x144: {  	s23 =	sadd.s32 $0x280, s9;
	v4 =	vadd.s32 s10, v3;
	(v2sf) =	vpush v3, $0xF  }
0x145: {  	v5 =	vsub.s32 s23, v4  }
0x146: {  	v4 =	vadd.s32 v4, v2;
	v5 =	vadd.s32 v1, v5  }
0x147: {  	s11 =	simm.s32 $0x1280;
	v4 =	vsel vm15, v4, v5  }
0x148: {  	s13 =	sadd.s32 $0x10, s14;
	[tilespmem:s11+$0x0] =	vst v4  }
0x149: {  	s12 =	simm.s32 $0x290;
	s23 =	simm.s32 $0x2A0;
	v3 =	vld [tilespmem:s13+$0x0]  }
.LBB2_16:
0x14a: {  	p0 =	sne.s32 s23, $0x2F0;
	_ =	sdelay $0x3  }
0x14b: {  	vm0 =	vlt.s32 v3, $0x3  }
0x14c: {  	v3 =	vsel vm0, $0x1, v0  }
0x14d: {  	(xrf0) =	vadd.scan.msk.s32 $0xffff, v3;
	_ =	sdelay $0x2  }
0x14e: {  	s14 =	spop (v2sf)  }
0x14f: {  	s10 =	sadd.s32 s10, s14;
	_ =	sdelay $0x1  }
0x150: {  	v3, _, _ =	vpop (xrf0)  }
0x151: {  	s14 =	sadd.s32 s9, s12;
	s12 =	smov.u32 s23;
	v4 =	vadd.s32 s10, v3;
	(v2sf) =	vpush v3, $0xF  }
.Ltmp7:
0x152: {  	v3 =	vadd.s32 v4, v2;
	v4 =	vsub.s32 s14, v4;
	(pc) =	sbr.rel @p0 .LBB2_16-.Ltmp7, $4  }
0x153: {  	v4 =	vadd.s32 v1, v4  }
0x154: {  	s11 =	sadd.s32 $0x10, s11;
	v3 =	vsel vm0, v3, v4  }
0x155: {  	s13 =	sadd.s32 $0x10, s13;
	[tilespmem:s11+$0x0] =	vst v3  }
0x156: {  	s23 =	sadd.s32 $0x10, s23;
	v3 =	vld [tilespmem:s13+$0x0]  }
0x157: {  	_ =	sdelay $0x3  }
0x158: {  	vm0 =	vlt.s32 v3, $0x3  }
0x159: {  	v3 =	vsel vm0, $0x1, v0  }
0x15a: {  	(xrf0) =	vadd.scan.msk.s32 $0xffff, v3;
	_ =	sdelay $0x5  }
0x15b: {  	v3, _, _ =	vpop (xrf0)  }
0x15c: {  	(v2sf) =	vpush v3, $0xF;
	_ =	sdelay $0x8  }
0x15d: {  	s13 =	spop (v2sf)  }
0x15e: {  	s10 =	sadd.s32 s10, s13  }
0x15f: {  	s12 =	sadd.s32 s9, s12;
	v3 =	vadd.s32 s10, v3  }
0x160: {  	v4 =	vsub.s32 s12, v3  }
0x161: {  	v3 =	vadd.s32 v3, v2;
	v4 =	vadd.s32 v1, v4  }
0x162: {  	s11 =	sadd.s32 $0x10, s11;
	v3 =	vsel vm0, v3, v4  }
0x163: {  	[tilespmem:s11+$0x0] =	vst v3;
	s11 =	spop (v2sf)  }
0x164: {  	_ =	swait.ge [sflag:s29], $0x4000  }
0x165: {  	[sflag:s29] =	ssyncset.done $0x0  }
0x166: {  	s23 =	simm.s32 $0x1280;
	[sflag:s29] =	ssyncadd.s32 $0xFFFFC000  }
0x167: {  	[hbm4b:s3+s16] =	stream.indirect.scatter [tilespmem:s25], [sflag:$0xC], $0x80, s23, s16, $0xb8;
	[tilespmem:$0x19800] =	vst v63  }
0x168: {  	_ =	swait.ge [sflag:s30], $0x4000  }
0x169: {  	[sflag:s30] =	ssyncset.done $0x0;
	s13 =	rddreg [dreg:$0xe]  }
0x16a: {  	s14 =	rddreg [dreg:$0x1c];
	[sflag:s30] =	ssyncadd.s32 $0xFFFFC000  }
0x16b: {  	[tilespmem:s19], [sflag:$0x3] =	stream.linear.gather [hbm4b:s13+s4], $0x4000, $0x38;
	[tilespmem:$0x19800] =	vst v63  }
0x16c: {  	v3 =	vld [tilespmem:s14+$0x0];
	_ =	sdelay $0x4  }
0x16d: {  	vm15 =	vlt.s32 v3, $0x3  }
0x16e: {  	v3 =	vsel vm15, $0x1, v0  }
0x16f: {  	(xrf0) =	vadd.scan.msk.s32 $0xffff, v3;
	_ =	sdelay $0x5  }
0x170: {  	s10 =	sadd.s32 s10, s11;
	v3, _, _ =	vpop (xrf0)  }
0x171: {  	s23 =	sadd.s32 $0x300, s9;
	v4 =	vadd.s32 s10, v3;
	(v2sf) =	vpush v3, $0xF  }
0x172: {  	v5 =	vsub.s32 s23, v4  }
0x173: {  	v4 =	vadd.s32 v4, v2;
	v5 =	vadd.s32 v1, v5  }
0x174: {  	s11 =	simm.s32 $0x1300;
	v4 =	vsel vm15, v4, v5  }
0x175: {  	s13 =	sadd.s32 $0x10, s14;
	[tilespmem:s11+$0x0] =	vst v4  }
0x176: {  	s12 =	simm.s32 $0x310;
	s23 =	simm.s32 $0x320;
	v3 =	vld [tilespmem:s13+$0x0]  }
.LBB2_18:
0x177: {  	p0 =	sne.s32 s23, $0x370;
	_ =	sdelay $0x3  }
0x178: {  	vm0 =	vlt.s32 v3, $0x3  }
0x179: {  	v3 =	vsel vm0, $0x1, v0  }
0x17a: {  	(xrf0) =	vadd.scan.msk.s32 $0xffff, v3;
	_ =	sdelay $0x2  }
0x17b: {  	s14 =	spop (v2sf)  }
0x17c: {  	s10 =	sadd.s32 s10, s14;
	_ =	sdelay $0x1  }
0x17d: {  	v3, _, _ =	vpop (xrf0)  }
0x17e: {  	s14 =	sadd.s32 s9, s12;
	s12 =	smov.u32 s23;
	v4 =	vadd.s32 s10, v3;
	(v2sf) =	vpush v3, $0xF  }
.Ltmp8:
0x17f: {  	v3 =	vadd.s32 v4, v2;
	v4 =	vsub.s32 s14, v4;
	(pc) =	sbr.rel @p0 .LBB2_18-.Ltmp8, $4  }
0x180: {  	v4 =	vadd.s32 v1, v4  }
0x181: {  	s11 =	sadd.s32 $0x10, s11;
	v3 =	vsel vm0, v3, v4  }
0x182: {  	s13 =	sadd.s32 $0x10, s13;
	[tilespmem:s11+$0x0] =	vst v3  }
0x183: {  	s23 =	sadd.s32 $0x10, s23;
	v3 =	vld [tilespmem:s13+$0x0]  }
0x184: {  	_ =	sdelay $0x3  }
0x185: {  	vm0 =	vlt.s32 v3, $0x3  }
0x186: {  	v3 =	vsel vm0, $0x1, v0  }
0x187: {  	(xrf0) =	vadd.scan.msk.s32 $0xffff, v3;
	_ =	sdelay $0x5  }
0x188: {  	v3, _, _ =	vpop (xrf0)  }
0x189: {  	(v2sf) =	vpush v3, $0xF;
	_ =	sdelay $0x8  }
0x18a: {  	s13 =	spop (v2sf)  }
0x18b: {  	s10 =	sadd.s32 s10, s13  }
0x18c: {  	s12 =	sadd.s32 s9, s12;
	v3 =	vadd.s32 s10, v3  }
0x18d: {  	v4 =	vsub.s32 s12, v3  }
0x18e: {  	v3 =	vadd.s32 v3, v2;
	v4 =	vadd.s32 v1, v4  }
0x18f: {  	s11 =	sadd.s32 $0x10, s11;
	v3 =	vsel vm0, v3, v4  }
0x190: {  	[tilespmem:s11+$0x0] =	vst v3;
	s11 =	spop (v2sf)  }
0x191: {  	_ =	swait.ge [sflag:s7], $0x4000  }
0x192: {  	[sflag:s7] =	ssyncset.done $0x0  }
0x193: {  	s23 =	simm.s32 $0x1300;
	[sflag:s7] =	ssyncadd.s32 $0xFFFFC000  }
0x194: {  	[hbm4b:s3+s16] =	stream.indirect.scatter [tilespmem:s17], [sflag:$0x7], $0x80, s23, s16, $0xb8;
	[tilespmem:$0x19800] =	vst v63  }
0x195: {  	_ =	swait.ge [sflag:s31], $0x4000  }
0x196: {  	[sflag:s31] =	ssyncset.done $0x0;
	s13 =	rddreg [dreg:$0xf]  }
0x197: {  	s14 =	rddreg [dreg:$0x1d];
	[sflag:s31] =	ssyncadd.s32 $0xFFFFC000  }
0x198: {  	[tilespmem:s21], [sflag:$0x4] =	stream.linear.gather [hbm4b:s13+s4], $0x4000, $0x38;
	[tilespmem:$0x19800] =	vst v63  }
0x199: {  	v3 =	vld [tilespmem:s14+$0x0];
	_ =	sdelay $0x4  }
0x19a: {  	vm15 =	vlt.s32 v3, $0x3  }
0x19b: {  	v3 =	vsel vm15, $0x1, v0  }
0x19c: {  	(xrf0) =	vadd.scan.msk.s32 $0xffff, v3;
	_ =	sdelay $0x5  }
0x19d: {  	s10 =	sadd.s32 s10, s11;
	v3, _, _ =	vpop (xrf0)  }
0x19e: {  	s23 =	sadd.s32 $0x380, s9;
	v4 =	vadd.s32 s10, v3;
	(v2sf) =	vpush v3, $0xF  }
0x19f: {  	v5 =	vsub.s32 s23, v4  }
0x1a0: {  	v4 =	vadd.s32 v4, v2;
	v5 =	vadd.s32 v1, v5  }
0x1a1: {  	s11 =	simm.s32 $0x1380;
	v4 =	vsel vm15, v4, v5  }
0x1a2: {  	s13 =	sadd.s32 $0x10, s14;
	[tilespmem:s11+$0x0] =	vst v4  }
0x1a3: {  	s12 =	simm.s32 $0x390;
	s23 =	simm.s32 $0x3A0;
	v3 =	vld [tilespmem:s13+$0x0]  }
.LBB2_20:
0x1a4: {  	p0 =	sne.s32 s23, $0x3F0;
	_ =	sdelay $0x3  }
0x1a5: {  	vm0 =	vlt.s32 v3, $0x3  }
0x1a6: {  	v3 =	vsel vm0, $0x1, v0  }
0x1a7: {  	(xrf0) =	vadd.scan.msk.s32 $0xffff, v3;
	_ =	sdelay $0x2  }
0x1a8: {  	s14 =	spop (v2sf)  }
0x1a9: {  	s10 =	sadd.s32 s10, s14;
	_ =	sdelay $0x1  }
0x1aa: {  	v3, _, _ =	vpop (xrf0)  }
0x1ab: {  	s14 =	sadd.s32 s9, s12;
	s12 =	smov.u32 s23;
	v4 =	vadd.s32 s10, v3;
	(v2sf) =	vpush v3, $0xF  }
.Ltmp9:
0x1ac: {  	v3 =	vadd.s32 v4, v2;
	v4 =	vsub.s32 s14, v4;
	(pc) =	sbr.rel @p0 .LBB2_20-.Ltmp9, $4  }
0x1ad: {  	v4 =	vadd.s32 v1, v4  }
0x1ae: {  	s11 =	sadd.s32 $0x10, s11;
	v3 =	vsel vm0, v3, v4  }
0x1af: {  	s13 =	sadd.s32 $0x10, s13;
	[tilespmem:s11+$0x0] =	vst v3  }
0x1b0: {  	s23 =	sadd.s32 $0x10, s23;
	v3 =	vld [tilespmem:s13+$0x0]  }
0x1b1: {  	_ =	sdelay $0x3  }
0x1b2: {  	vm0 =	vlt.s32 v3, $0x3  }
0x1b3: {  	v3 =	vsel vm0, $0x1, v0  }
0x1b4: {  	(xrf0) =	vadd.scan.msk.s32 $0xffff, v3;
	_ =	sdelay $0x5  }
0x1b5: {  	v3, _, _ =	vpop (xrf0)  }
0x1b6: {  	(v2sf) =	vpush v3, $0xF;
	_ =	sdelay $0x8  }
0x1b7: {  	s13 =	spop (v2sf)  }
0x1b8: {  	s10 =	sadd.s32 s10, s13  }
0x1b9: {  	s12 =	sadd.s32 s9, s12;
	v3 =	vadd.s32 s10, v3  }
0x1ba: {  	v4 =	vsub.s32 s12, v3  }
0x1bb: {  	v3 =	vadd.s32 v3, v2;
	v4 =	vadd.s32 v1, v4  }
0x1bc: {  	s11 =	sadd.s32 $0x10, s11;
	v3 =	vsel vm0, v3, v4  }
0x1bd: {  	[tilespmem:s11+$0x0] =	vst v3;
	s11 =	spop (v2sf)  }
0x1be: {  	_ =	swait.ge [sflag:s22], $0x4000  }
0x1bf: {  	[sflag:s22] =	ssyncset.done $0x0  }
0x1c0: {  	s13 =	simm.s32 $0x1380;
	[sflag:s22] =	ssyncadd.s32 $0xFFFFC000  }
0x1c1: {  	[hbm4b:s3+s16] =	stream.indirect.scatter [tilespmem:s18], [sflag:$0x8], $0x80, s13, s16, $0xb8;
	[tilespmem:$0x19800] =	vst v63  }
0x1c2: {  	_ =	swait.ge [sflag:s1], $0x4000  }
0x1c3: {  	[sflag:s1] =	ssyncset.done $0x0  }
0x1c4: {  	s23 =	simm.s32 $0x11800;
	s14 =	rddreg [dreg:$0x10];
	[sflag:s1] =	ssyncadd.s32 $0xFFFFC000  }
0x1c5: {  	[tilespmem:s23], [sflag:$0x5] =	stream.linear.gather [hbm4b:s14+s4], $0x4000, $0x38;
	[tilespmem:$0x19800] =	vst v63  }
0x1c6: {  	s14 =	rddreg [dreg:$0x1e]  }
0x1c7: {  	v3 =	vld [tilespmem:s14+$0x0];
	_ =	sdelay $0x4  }
0x1c8: {  	vm15 =	vlt.s32 v3, $0x3  }
0x1c9: {  	v3 =	vsel vm15, $0x1, v0  }
0x1ca: {  	(xrf0) =	vadd.scan.msk.s32 $0xffff, v3;
	_ =	sdelay $0x5  }
0x1cb: {  	s10 =	sadd.s32 s10, s11;
	v3, _, _ =	vpop (xrf0)  }
0x1cc: {  	s23 =	sadd.s32 $0x400, s9;
	v4 =	vadd.s32 s10, v3;
	(v2sf) =	vpush v3, $0xF  }
0x1cd: {  	v5 =	vsub.s32 s23, v4  }
0x1ce: {  	v4 =	vadd.s32 v4, v2;
	v5 =	vadd.s32 v1, v5  }
0x1cf: {  	s11 =	simm.s32 $0x1400;
	v4 =	vsel vm15, v4, v5  }
0x1d0: {  	s13 =	sadd.s32 $0x10, s14;
	[tilespmem:s11+$0x0] =	vst v4  }
0x1d1: {  	s12 =	simm.s32 $0x410;
	s23 =	simm.s32 $0x420;
	v3 =	vld [tilespmem:s13+$0x0]  }
.LBB2_22:
0x1d2: {  	p0 =	sne.s32 s23, $0x470;
	_ =	sdelay $0x3  }
0x1d3: {  	vm0 =	vlt.s32 v3, $0x3  }
0x1d4: {  	v3 =	vsel vm0, $0x1, v0  }
0x1d5: {  	(xrf0) =	vadd.scan.msk.s32 $0xffff, v3;
	_ =	sdelay $0x2  }
0x1d6: {  	s14 =	spop (v2sf)  }
0x1d7: {  	s10 =	sadd.s32 s10, s14;
	_ =	sdelay $0x1  }
0x1d8: {  	v3, _, _ =	vpop (xrf0)  }
0x1d9: {  	s14 =	sadd.s32 s9, s12;
	s12 =	smov.u32 s23;
	v4 =	vadd.s32 s10, v3;
	(v2sf) =	vpush v3, $0xF  }
.Ltmp10:
0x1da: {  	v3 =	vadd.s32 v4, v2;
	v4 =	vsub.s32 s14, v4;
	(pc) =	sbr.rel @p0 .LBB2_22-.Ltmp10, $4  }
0x1db: {  	v4 =	vadd.s32 v1, v4  }
0x1dc: {  	s11 =	sadd.s32 $0x10, s11;
	v3 =	vsel vm0, v3, v4  }
0x1dd: {  	s13 =	sadd.s32 $0x10, s13;
	[tilespmem:s11+$0x0] =	vst v3  }
0x1de: {  	s23 =	sadd.s32 $0x10, s23;
	v3 =	vld [tilespmem:s13+$0x0]  }
0x1df: {  	_ =	sdelay $0x3  }
0x1e0: {  	vm0 =	vlt.s32 v3, $0x3  }
0x1e1: {  	v3 =	vsel vm0, $0x1, v0  }
0x1e2: {  	(xrf0) =	vadd.scan.msk.s32 $0xffff, v3;
	_ =	sdelay $0x5  }
0x1e3: {  	v3, _, _ =	vpop (xrf0)  }
0x1e4: {  	(v2sf) =	vpush v3, $0xF;
	_ =	sdelay $0x8  }
0x1e5: {  	s13 =	spop (v2sf)  }
0x1e6: {  	s10 =	sadd.s32 s10, s13  }
0x1e7: {  	s12 =	sadd.s32 s9, s12;
	v3 =	vadd.s32 s10, v3  }
0x1e8: {  	v4 =	vsub.s32 s12, v3  }
0x1e9: {  	v3 =	vadd.s32 v3, v2;
	v4 =	vadd.s32 v1, v4  }
0x1ea: {  	s11 =	sadd.s32 $0x10, s11;
	v3 =	vsel vm0, v3, v4  }
0x1eb: {  	[tilespmem:s11+$0x0] =	vst v3;
	s11 =	spop (v2sf)  }
0x1ec: {  	_ =	swait.ge [sflag:s24], $0x4000  }
0x1ed: {  	[sflag:s24] =	ssyncset.done $0x0  }
0x1ee: {  	s23 =	simm.s32 $0x1400;
	[sflag:s24] =	ssyncadd.s32 $0xFFFFC000  }
0x1ef: {  	[hbm4b:s3+s16] =	stream.indirect.scatter [tilespmem:s19], [sflag:$0x9], $0x80, s23, s16, $0xb8;
	[tilespmem:$0x19800] =	vst v63  }
0x1f0: {  	_ =	swait.ge [sflag:s0], $0x4000  }
0x1f1: {  	[sflag:s0] =	ssyncset.done $0x0;
	s13 =	rddreg [dreg:$0x11]  }
0x1f2: {  	s14 =	rddreg [dreg:$0x1f];
	[sflag:s0] =	ssyncadd.s32 $0xFFFFC000  }
0x1f3: {  	[tilespmem:s25], [sflag:$0x6] =	stream.linear.gather [hbm4b:s13+s4], $0x4000, $0x38;
	[tilespmem:$0x19800] =	vst v63  }
0x1f4: {  	v3 =	vld [tilespmem:s14+$0x0];
	_ =	sdelay $0x4  }
0x1f5: {  	vm15 =	vlt.s32 v3, $0x3  }
0x1f6: {  	v3 =	vsel vm15, $0x1, v0  }
0x1f7: {  	(xrf0) =	vadd.scan.msk.s32 $0xffff, v3;
	_ =	sdelay $0x5  }
0x1f8: {  	s10 =	sadd.s32 s10, s11;
	v3, _, _ =	vpop (xrf0)  }
0x1f9: {  	s23 =	sadd.s32 $0x480, s9;
	v4 =	vadd.s32 s10, v3;
	(v2sf) =	vpush v3, $0xF  }
0x1fa: {  	v5 =	vsub.s32 s23, v4  }
0x1fb: {  	v4 =	vadd.s32 v4, v2;
	v5 =	vadd.s32 v1, v5  }
0x1fc: {  	s11 =	simm.s32 $0x1480;
	v4 =	vsel vm15, v4, v5  }
0x1fd: {  	s13 =	sadd.s32 $0x10, s14;
	[tilespmem:s11+$0x0] =	vst v4  }
0x1fe: {  	s12 =	simm.s32 $0x490;
	s23 =	simm.s32 $0x4A0;
	v3 =	vld [tilespmem:s13+$0x0]  }
.LBB2_24:
0x1ff: {  	p0 =	sne.s32 s23, $0x4F0;
	_ =	sdelay $0x3  }
0x200: {  	vm0 =	vlt.s32 v3, $0x3  }
0x201: {  	v3 =	vsel vm0, $0x1, v0  }
0x202: {  	(xrf0) =	vadd.scan.msk.s32 $0xffff, v3;
	_ =	sdelay $0x2  }
0x203: {  	s14 =	spop (v2sf)  }
0x204: {  	s10 =	sadd.s32 s10, s14;
	_ =	sdelay $0x1  }
0x205: {  	v3, _, _ =	vpop (xrf0)  }
0x206: {  	s14 =	sadd.s32 s9, s12;
	s12 =	smov.u32 s23;
	v4 =	vadd.s32 s10, v3;
	(v2sf) =	vpush v3, $0xF  }
.Ltmp11:
0x207: {  	v3 =	vadd.s32 v4, v2;
	v4 =	vsub.s32 s14, v4;
	(pc) =	sbr.rel @p0 .LBB2_24-.Ltmp11, $4  }
0x208: {  	v4 =	vadd.s32 v1, v4  }
0x209: {  	s11 =	sadd.s32 $0x10, s11;
	v3 =	vsel vm0, v3, v4  }
0x20a: {  	s13 =	sadd.s32 $0x10, s13;
	[tilespmem:s11+$0x0] =	vst v3  }
0x20b: {  	s23 =	sadd.s32 $0x10, s23;
	v3 =	vld [tilespmem:s13+$0x0]  }
0x20c: {  	_ =	sdelay $0x3  }
0x20d: {  	vm0 =	vlt.s32 v3, $0x3  }
0x20e: {  	v3 =	vsel vm0, $0x1, v0  }
0x20f: {  	(xrf0) =	vadd.scan.msk.s32 $0xffff, v3;
	_ =	sdelay $0x5  }
0x210: {  	v3, _, _ =	vpop (xrf0)  }
0x211: {  	(v2sf) =	vpush v3, $0xF;
	_ =	sdelay $0x8  }
0x212: {  	s13 =	spop (v2sf)  }
0x213: {  	s10 =	sadd.s32 s10, s13  }
0x214: {  	s12 =	sadd.s32 s9, s12;
	v3 =	vadd.s32 s10, v3  }
0x215: {  	v4 =	vsub.s32 s12, v3  }
0x216: {  	v3 =	vadd.s32 v3, v2;
	v4 =	vadd.s32 v1, v4  }
0x217: {  	s11 =	sadd.s32 $0x10, s11;
	v3 =	vsel vm0, v3, v4  }
0x218: {  	[tilespmem:s11+$0x0] =	vst v3;
	s11 =	spop (v2sf)  }
0x219: {  	_ =	swait.ge [sflag:s20], $0x4000  }
0x21a: {  	[sflag:s20] =	ssyncset.done $0x0  }
0x21b: {  	s23 =	simm.s32 $0x1480;
	[sflag:s20] =	ssyncadd.s32 $0xFFFFC000  }
0x21c: {  	[hbm4b:s3+s16] =	stream.indirect.scatter [tilespmem:s21], [sflag:$0xA], $0x80, s23, s16, $0xb8;
	[tilespmem:$0x19800] =	vst v63  }
0x21d: {  	_ =	swait.ge [sflag:s26], $0x4000  }
0x21e: {  	[sflag:s26] =	ssyncset.done $0x0;
	s14 =	sld [smem:$0x7F9]  }
0x21f: {  	s13 =	rddreg [dreg:$0x12];
	[sflag:s26] =	ssyncadd.s32 $0xFFFFC000  }
0x220: {  	[tilespmem:s17], [sflag:$0x1] =	stream.linear.gather [hbm4b:s13+s4], $0x4000, $0x38;
	[tilespmem:$0x19800] =	vst v63  }
0x221: {  	v3 =	vld [tilespmem:s14+$0x0];
	_ =	sdelay $0x4  }
0x222: {  	vm15 =	vlt.s32 v3, $0x3  }
0x223: {  	v3 =	vsel vm15, $0x1, v0  }
0x224: {  	(xrf0) =	vadd.scan.msk.s32 $0xffff, v3;
	_ =	sdelay $0x5  }
0x225: {  	s10 =	sadd.s32 s10, s11;
	v3, _, _ =	vpop (xrf0)  }
0x226: {  	s23 =	sadd.s32 $0x500, s9;
	v4 =	vadd.s32 s10, v3;
	(v2sf) =	vpush v3, $0xF  }
0x227: {  	v5 =	vsub.s32 s23, v4  }
0x228: {  	v4 =	vadd.s32 v4, v2;
	v5 =	vadd.s32 v1, v5  }
0x229: {  	s11 =	simm.s32 $0x1500;
	v4 =	vsel vm15, v4, v5  }
0x22a: {  	s13 =	sadd.s32 $0x10, s14;
	[tilespmem:s11+$0x0] =	vst v4  }
0x22b: {  	s12 =	simm.s32 $0x510;
	s23 =	simm.s32 $0x520;
	v3 =	vld [tilespmem:s13+$0x0]  }
.LBB2_26:
0x22c: {  	p0 =	sne.s32 s23, $0x570;
	_ =	sdelay $0x3  }
0x22d: {  	vm0 =	vlt.s32 v3, $0x3  }
0x22e: {  	v3 =	vsel vm0, $0x1, v0  }
0x22f: {  	(xrf0) =	vadd.scan.msk.s32 $0xffff, v3;
	_ =	sdelay $0x2  }
0x230: {  	s14 =	spop (v2sf)  }
0x231: {  	s10 =	sadd.s32 s10, s14;
	_ =	sdelay $0x1  }
0x232: {  	v3, _, _ =	vpop (xrf0)  }
0x233: {  	s14 =	sadd.s32 s9, s12;
	s12 =	smov.u32 s23;
	v4 =	vadd.s32 s10, v3;
	(v2sf) =	vpush v3, $0xF  }
.Ltmp12:
0x234: {  	v3 =	vadd.s32 v4, v2;
	v4 =	vsub.s32 s14, v4;
	(pc) =	sbr.rel @p0 .LBB2_26-.Ltmp12, $4  }
0x235: {  	v4 =	vadd.s32 v1, v4  }
0x236: {  	s11 =	sadd.s32 $0x10, s11;
	v3 =	vsel vm0, v3, v4  }
0x237: {  	s13 =	sadd.s32 $0x10, s13;
	[tilespmem:s11+$0x0] =	vst v3  }
0x238: {  	s23 =	sadd.s32 $0x10, s23;
	v3 =	vld [tilespmem:s13+$0x0]  }
0x239: {  	_ =	sdelay $0x3  }
0x23a: {  	vm0 =	vlt.s32 v3, $0x3  }
0x23b: {  	v3 =	vsel vm0, $0x1, v0  }
0x23c: {  	(xrf0) =	vadd.scan.msk.s32 $0xffff, v3;
	_ =	sdelay $0x5  }
0x23d: {  	v3, _, _ =	vpop (xrf0)  }
0x23e: {  	(v2sf) =	vpush v3, $0xF;
	_ =	sdelay $0x8  }
0x23f: {  	s13 =	spop (v2sf)  }
0x240: {  	s10 =	sadd.s32 s10, s13  }
0x241: {  	s12 =	sadd.s32 s9, s12;
	v3 =	vadd.s32 s10, v3  }
0x242: {  	v4 =	vsub.s32 s12, v3  }
0x243: {  	v3 =	vadd.s32 v3, v2;
	v4 =	vadd.s32 v1, v4  }
0x244: {  	s11 =	sadd.s32 $0x10, s11;
	v3 =	vsel vm0, v3, v4  }
0x245: {  	[tilespmem:s11+$0x0] =	vst v3;
	s11 =	spop (v2sf)  }
0x246: {  	_ =	swait.ge [sflag:s28], $0x4000  }
0x247: {  	[sflag:s28] =	ssyncset.done $0x0  }
0x248: {  	s14 =	simm.s32 $0x11800;
	s23 =	simm.s32 $0x1500;
	[sflag:s28] =	ssyncadd.s32 $0xFFFFC000  }
0x249: {  	[hbm4b:s3+s16] =	stream.indirect.scatter [tilespmem:s14], [sflag:$0xB], $0x80, s23, s16, $0xb8;
	[tilespmem:$0x19800] =	vst v63  }
0x24a: {  	_ =	swait.ge [sflag:s2], $0x4000  }
0x24b: {  	[sflag:s2] =	ssyncset.done $0x0;
	s14 =	sld [smem:$0x7FA]  }
0x24c: {  	s13 =	rddreg [dreg:$0x13];
	[sflag:s2] =	ssyncadd.s32 $0xFFFFC000  }
0x24d: {  	[tilespmem:s18], [sflag:$0x2] =	stream.linear.gather [hbm4b:s13+s4], $0x4000, $0x38;
	[tilespmem:$0x19800] =	vst v63  }
0x24e: {  	v3 =	vld [tilespmem:s14+$0x0];
	_ =	sdelay $0x4  }
0x24f: {  	vm15 =	vlt.s32 v3, $0x3  }
0x250: {  	v3 =	vsel vm15, $0x1, v0  }
0x251: {  	(xrf0) =	vadd.scan.msk.s32 $0xffff, v3;
	_ =	sdelay $0x5  }
0x252: {  	s10 =	sadd.s32 s10, s11;
	v3, _, _ =	vpop (xrf0)  }
0x253: {  	s23 =	sadd.s32 $0x580, s9;
	v4 =	vadd.s32 s10, v3;
	(v2sf) =	vpush v3, $0xF  }
0x254: {  	v5 =	vsub.s32 s23, v4  }
0x255: {  	v4 =	vadd.s32 v4, v2;
	v5 =	vadd.s32 v1, v5  }
0x256: {  	s11 =	simm.s32 $0x1580;
	v4 =	vsel vm15, v4, v5  }
0x257: {  	s13 =	sadd.s32 $0x10, s14;
	[tilespmem:s11+$0x0] =	vst v4  }
0x258: {  	s12 =	simm.s32 $0x590;
	s23 =	simm.s32 $0x5A0;
	v3 =	vld [tilespmem:s13+$0x0]  }
.LBB2_28:
0x259: {  	p0 =	sne.s32 s23, $0x5F0;
	_ =	sdelay $0x3  }
0x25a: {  	vm0 =	vlt.s32 v3, $0x3  }
0x25b: {  	v3 =	vsel vm0, $0x1, v0  }
0x25c: {  	(xrf0) =	vadd.scan.msk.s32 $0xffff, v3;
	_ =	sdelay $0x2  }
0x25d: {  	s14 =	spop (v2sf)  }
0x25e: {  	s10 =	sadd.s32 s10, s14;
	_ =	sdelay $0x1  }
0x25f: {  	v3, _, _ =	vpop (xrf0)  }
0x260: {  	s14 =	sadd.s32 s9, s12;
	s12 =	smov.u32 s23;
	v4 =	vadd.s32 s10, v3;
	(v2sf) =	vpush v3, $0xF  }
.Ltmp13:
0x261: {  	v3 =	vadd.s32 v4, v2;
	v4 =	vsub.s32 s14, v4;
	(pc) =	sbr.rel @p0 .LBB2_28-.Ltmp13, $4  }
0x262: {  	v4 =	vadd.s32 v1, v4  }
0x263: {  	s11 =	sadd.s32 $0x10, s11;
	v3 =	vsel vm0, v3, v4  }
0x264: {  	s13 =	sadd.s32 $0x10, s13;
	[tilespmem:s11+$0x0] =	vst v3  }
0x265: {  	s23 =	sadd.s32 $0x10, s23;
	v3 =	vld [tilespmem:s13+$0x0]  }
0x266: {  	_ =	sdelay $0x3  }
0x267: {  	vm0 =	vlt.s32 v3, $0x3  }
0x268: {  	v3 =	vsel vm0, $0x1, v0  }
0x269: {  	(xrf0) =	vadd.scan.msk.s32 $0xffff, v3;
	_ =	sdelay $0x5  }
0x26a: {  	v3, _, _ =	vpop (xrf0)  }
0x26b: {  	(v2sf) =	vpush v3, $0xF;
	_ =	sdelay $0x8  }
0x26c: {  	s13 =	spop (v2sf)  }
0x26d: {  	s10 =	sadd.s32 s10, s13  }
0x26e: {  	s12 =	sadd.s32 s9, s12;
	v3 =	vadd.s32 s10, v3  }
0x26f: {  	v4 =	vsub.s32 s12, v3  }
0x270: {  	v3 =	vadd.s32 v3, v2;
	v4 =	vadd.s32 v1, v4  }
0x271: {  	s11 =	sadd.s32 $0x10, s11;
	v3 =	vsel vm0, v3, v4  }
0x272: {  	[tilespmem:s11+$0x0] =	vst v3;
	s11 =	spop (v2sf)  }
0x273: {  	_ =	swait.ge [sflag:s29], $0x4000  }
0x274: {  	[sflag:s29] =	ssyncset.done $0x0  }
0x275: {  	s23 =	simm.s32 $0x1580;
	[sflag:s29] =	ssyncadd.s32 $0xFFFFC000  }
0x276: {  	[hbm4b:s3+s16] =	stream.indirect.scatter [tilespmem:s25], [sflag:$0xC], $0x80, s23, s16, $0xb8;
	[tilespmem:$0x19800] =	vst v63  }
0x277: {  	_ =	swait.ge [sflag:s30], $0x4000  }
0x278: {  	[sflag:s30] =	ssyncset.done $0x0;
	s14 =	sld [smem:$0x7FB]  }
0x279: {  	s13 =	rddreg [dreg:$0x14];
	[sflag:s30] =	ssyncadd.s32 $0xFFFFC000  }
0x27a: {  	[tilespmem:s19], [sflag:$0x3] =	stream.linear.gather [hbm4b:s13+s4], $0x4000, $0x38;
	[tilespmem:$0x19800] =	vst v63  }
0x27b: {  	v3 =	vld [tilespmem:s14+$0x0];
	_ =	sdelay $0x4  }
0x27c: {  	vm15 =	vlt.s32 v3, $0x3  }
0x27d: {  	v3 =	vsel vm15, $0x1, v0  }
0x27e: {  	(xrf0) =	vadd.scan.msk.s32 $0xffff, v3;
	_ =	sdelay $0x5  }
0x27f: {  	s10 =	sadd.s32 s10, s11;
	v3, _, _ =	vpop (xrf0)  }
0x280: {  	s23 =	sadd.s32 $0x600, s9;
	v4 =	vadd.s32 s10, v3;
	(v2sf) =	vpush v3, $0xF  }
0x281: {  	v5 =	vsub.s32 s23, v4  }
0x282: {  	v4 =	vadd.s32 v4, v2;
	v5 =	vadd.s32 v1, v5  }
0x283: {  	s11 =	simm.s32 $0x1600;
	v4 =	vsel vm15, v4, v5  }
0x284: {  	s13 =	sadd.s32 $0x10, s14;
	[tilespmem:s11+$0x0] =	vst v4  }
0x285: {  	s12 =	simm.s32 $0x610;
	s23 =	simm.s32 $0x620;
	v3 =	vld [tilespmem:s13+$0x0]  }
.LBB2_30:
0x286: {  	p0 =	sne.s32 s23, $0x670;
	_ =	sdelay $0x3  }
0x287: {  	vm0 =	vlt.s32 v3, $0x3  }
0x288: {  	v3 =	vsel vm0, $0x1, v0  }
0x289: {  	(xrf0) =	vadd.scan.msk.s32 $0xffff, v3;
	_ =	sdelay $0x2  }
0x28a: {  	s14 =	spop (v2sf)  }
0x28b: {  	s10 =	sadd.s32 s10, s14;
	_ =	sdelay $0x1  }
0x28c: {  	v3, _, _ =	vpop (xrf0)  }
0x28d: {  	s14 =	sadd.s32 s9, s12;
	s12 =	smov.u32 s23;
	v4 =	vadd.s32 s10, v3;
	(v2sf) =	vpush v3, $0xF  }
.Ltmp14:
0x28e: {  	v3 =	vadd.s32 v4, v2;
	v4 =	vsub.s32 s14, v4;
	(pc) =	sbr.rel @p0 .LBB2_30-.Ltmp14, $4  }
0x28f: {  	v4 =	vadd.s32 v1, v4  }
0x290: {  	s11 =	sadd.s32 $0x10, s11;
	v3 =	vsel vm0, v3, v4  }
0x291: {  	s13 =	sadd.s32 $0x10, s13;
	[tilespmem:s11+$0x0] =	vst v3  }
0x292: {  	s23 =	sadd.s32 $0x10, s23;
	v3 =	vld [tilespmem:s13+$0x0]  }
0x293: {  	_ =	sdelay $0x3  }
0x294: {  	vm0 =	vlt.s32 v3, $0x3  }
0x295: {  	v3 =	vsel vm0, $0x1, v0  }
0x296: {  	(xrf0) =	vadd.scan.msk.s32 $0xffff, v3;
	_ =	sdelay $0x5  }
0x297: {  	v3, _, _ =	vpop (xrf0)  }
0x298: {  	(v2sf) =	vpush v3, $0xF;
	_ =	sdelay $0x8  }
0x299: {  	s13 =	spop (v2sf)  }
0x29a: {  	s10 =	sadd.s32 s10, s13  }
0x29b: {  	s12 =	sadd.s32 s9, s12;
	v3 =	vadd.s32 s10, v3  }
0x29c: {  	v4 =	vsub.s32 s12, v3  }
0x29d: {  	v3 =	vadd.s32 v3, v2;
	v4 =	vadd.s32 v1, v4  }
0x29e: {  	s11 =	sadd.s32 $0x10, s11;
	v3 =	vsel vm0, v3, v4  }
0x29f: {  	[tilespmem:s11+$0x0] =	vst v3;
	s11 =	spop (v2sf)  }
0x2a0: {  	_ =	swait.ge [sflag:s7], $0x4000  }
0x2a1: {  	[sflag:s7] =	ssyncset.done $0x0  }
0x2a2: {  	s23 =	simm.s32 $0x1600;
	[sflag:s7] =	ssyncadd.s32 $0xFFFFC000  }
0x2a3: {  	[hbm4b:s3+s16] =	stream.indirect.scatter [tilespmem:s17], [sflag:$0x7], $0x80, s23, s16, $0xb8;
	[tilespmem:$0x19800] =	vst v63  }
0x2a4: {  	_ =	swait.ge [sflag:s31], $0x4000  }
0x2a5: {  	[sflag:s31] =	ssyncset.done $0x0;
	s14 =	sld [smem:$0x7FC]  }
0x2a6: {  	s13 =	rddreg [dreg:$0x15];
	[sflag:s31] =	ssyncadd.s32 $0xFFFFC000  }
0x2a7: {  	[tilespmem:s21], [sflag:$0x4] =	stream.linear.gather [hbm4b:s13+s4], $0x4000, $0x38;
	[tilespmem:$0x19800] =	vst v63  }
0x2a8: {  	v3 =	vld [tilespmem:s14+$0x0];
	_ =	sdelay $0x4  }
0x2a9: {  	vm15 =	vlt.s32 v3, $0x3  }
0x2aa: {  	v3 =	vsel vm15, $0x1, v0  }
0x2ab: {  	(xrf0) =	vadd.scan.msk.s32 $0xffff, v3;
	_ =	sdelay $0x5  }
0x2ac: {  	s10 =	sadd.s32 s10, s11;
	v3, _, _ =	vpop (xrf0)  }
0x2ad: {  	s23 =	sadd.s32 $0x680, s9;
	v4 =	vadd.s32 s10, v3;
	(v2sf) =	vpush v3, $0xF  }
0x2ae: {  	v5 =	vsub.s32 s23, v4  }
0x2af: {  	v4 =	vadd.s32 v4, v2;
	v5 =	vadd.s32 v1, v5  }
0x2b0: {  	s11 =	simm.s32 $0x1680;
	v4 =	vsel vm15, v4, v5  }
0x2b1: {  	s13 =	sadd.s32 $0x10, s14;
	[tilespmem:s11+$0x0] =	vst v4  }
0x2b2: {  	s12 =	simm.s32 $0x690;
	s23 =	simm.s32 $0x6A0;
	v3 =	vld [tilespmem:s13+$0x0]  }
.LBB2_32:
0x2b3: {  	p0 =	sne.s32 s23, $0x6F0;
	_ =	sdelay $0x3  }
0x2b4: {  	vm0 =	vlt.s32 v3, $0x3  }
0x2b5: {  	v3 =	vsel vm0, $0x1, v0  }
0x2b6: {  	(xrf0) =	vadd.scan.msk.s32 $0xffff, v3;
	_ =	sdelay $0x2  }
0x2b7: {  	s14 =	spop (v2sf)  }
0x2b8: {  	s10 =	sadd.s32 s10, s14;
	_ =	sdelay $0x1  }
0x2b9: {  	v3, _, _ =	vpop (xrf0)  }
0x2ba: {  	s14 =	sadd.s32 s9, s12;
	s12 =	smov.u32 s23;
	v4 =	vadd.s32 s10, v3;
	(v2sf) =	vpush v3, $0xF  }
.Ltmp15:
0x2bb: {  	v3 =	vadd.s32 v4, v2;
	v4 =	vsub.s32 s14, v4;
	(pc) =	sbr.rel @p0 .LBB2_32-.Ltmp15, $4  }
0x2bc: {  	v4 =	vadd.s32 v1, v4  }
0x2bd: {  	s11 =	sadd.s32 $0x10, s11;
	v3 =	vsel vm0, v3, v4  }
0x2be: {  	s13 =	sadd.s32 $0x10, s13;
	[tilespmem:s11+$0x0] =	vst v3  }
0x2bf: {  	s23 =	sadd.s32 $0x10, s23;
	v3 =	vld [tilespmem:s13+$0x0]  }
0x2c0: {  	_ =	sdelay $0x3  }
0x2c1: {  	vm0 =	vlt.s32 v3, $0x3  }
0x2c2: {  	v3 =	vsel vm0, $0x1, v0  }
0x2c3: {  	(xrf0) =	vadd.scan.msk.s32 $0xffff, v3;
	_ =	sdelay $0x5  }
0x2c4: {  	v3, _, _ =	vpop (xrf0)  }
0x2c5: {  	(v2sf) =	vpush v3, $0xF;
	_ =	sdelay $0x8  }
0x2c6: {  	s13 =	spop (v2sf)  }
0x2c7: {  	s10 =	sadd.s32 s10, s13  }
0x2c8: {  	s12 =	sadd.s32 s9, s12;
	v3 =	vadd.s32 s10, v3  }
0x2c9: {  	v4 =	vsub.s32 s12, v3  }
0x2ca: {  	v3 =	vadd.s32 v3, v2;
	v4 =	vadd.s32 v1, v4  }
0x2cb: {  	s11 =	sadd.s32 $0x10, s11;
	v3 =	vsel vm0, v3, v4  }
0x2cc: {  	[tilespmem:s11+$0x0] =	vst v3;
	s23 =	spop (v2sf)  }
0x2cd: {  	_ =	swait.ge [sflag:s22], $0x4000  }
0x2ce: {  	[sflag:s22] =	ssyncset.done $0x0;
	s14 =	sld [smem:$0x7FD]  }
0x2cf: {  	s13 =	simm.s32 $0x1680;
	[sflag:s22] =	ssyncadd.s32 $0xFFFFC000  }
0x2d0: {  	[hbm4b:s3+s16] =	stream.indirect.scatter [tilespmem:s18], [sflag:$0x8], $0x80, s13, s16, $0xb8;
	[tilespmem:$0x19800] =	vst v63  }
0x2d1: {  	v3 =	vld [tilespmem:s14+$0x0];
	_ =	sdelay $0x4  }
0x2d2: {  	vm15 =	vlt.s32 v3, $0x3  }
0x2d3: {  	v3 =	vsel vm15, $0x1, v0  }
0x2d4: {  	(xrf0) =	vadd.scan.msk.s32 $0xffff, v3;
	_ =	sdelay $0x5  }
0x2d5: {  	s10 =	sadd.s32 s10, s23;
	v3, _, _ =	vpop (xrf0)  }
0x2d6: {  	s23 =	sadd.s32 $0x700, s9;
	v4 =	vadd.s32 s10, v3;
	(v2sf) =	vpush v3, $0xF  }
0x2d7: {  	v5 =	vsub.s32 s23, v4  }
0x2d8: {  	v4 =	vadd.s32 v4, v2;
	v5 =	vadd.s32 v1, v5  }
0x2d9: {  	s11 =	simm.s32 $0x1700;
	v4 =	vsel vm15, v4, v5  }
0x2da: {  	s13 =	sadd.s32 $0x10, s14;
	[tilespmem:s11+$0x0] =	vst v4  }
0x2db: {  	s12 =	simm.s32 $0x710;
	s23 =	simm.s32 $0x720;
	v3 =	vld [tilespmem:s13+$0x0]  }
.LBB2_34:
0x2dc: {  	p0 =	sne.s32 s23, $0x770;
	_ =	sdelay $0x3  }
0x2dd: {  	vm0 =	vlt.s32 v3, $0x3  }
0x2de: {  	v3 =	vsel vm0, $0x1, v0  }
0x2df: {  	(xrf0) =	vadd.scan.msk.s32 $0xffff, v3;
	_ =	sdelay $0x2  }
0x2e0: {  	s14 =	spop (v2sf)  }
0x2e1: {  	s10 =	sadd.s32 s10, s14;
	_ =	sdelay $0x1  }
0x2e2: {  	v3, _, _ =	vpop (xrf0)  }
0x2e3: {  	s14 =	sadd.s32 s9, s12;
	s12 =	smov.u32 s23;
	v4 =	vadd.s32 s10, v3;
	(v2sf) =	vpush v3, $0xF  }
.Ltmp16:
0x2e4: {  	v3 =	vadd.s32 v4, v2;
	v4 =	vsub.s32 s14, v4;
	(pc) =	sbr.rel @p0 .LBB2_34-.Ltmp16, $4  }
0x2e5: {  	v4 =	vadd.s32 v1, v4  }
0x2e6: {  	s11 =	sadd.s32 $0x10, s11;
	v3 =	vsel vm0, v3, v4  }
0x2e7: {  	s13 =	sadd.s32 $0x10, s13;
	[tilespmem:s11+$0x0] =	vst v3  }
0x2e8: {  	s23 =	sadd.s32 $0x10, s23;
	v3 =	vld [tilespmem:s13+$0x0]  }
0x2e9: {  	_ =	sdelay $0x3  }
0x2ea: {  	vm0 =	vlt.s32 v3, $0x3  }
0x2eb: {  	v3 =	vsel vm0, $0x1, v0  }
0x2ec: {  	(xrf0) =	vadd.scan.msk.s32 $0xffff, v3;
	_ =	sdelay $0x5  }
0x2ed: {  	v3, _, _ =	vpop (xrf0)  }
0x2ee: {  	(v2sf) =	vpush v3, $0xF;
	_ =	sdelay $0x8  }
0x2ef: {  	s13 =	spop (v2sf)  }
0x2f0: {  	s10 =	sadd.s32 s10, s13  }
0x2f1: {  	s12 =	sadd.s32 s9, s12;
	v3 =	vadd.s32 s10, v3  }
0x2f2: {  	v4 =	vsub.s32 s12, v3  }
0x2f3: {  	v3 =	vadd.s32 v3, v2;
	v4 =	vadd.s32 v1, v4  }
0x2f4: {  	s11 =	sadd.s32 $0x10, s11;
	v3 =	vsel vm0, v3, v4  }
0x2f5: {  	[tilespmem:s11+$0x0] =	vst v3;
	s13 =	spop (v2sf)  }
0x2f6: {  	_ =	swait.ge [sflag:s24], $0x4000  }
0x2f7: {  	[sflag:s24] =	ssyncset.done $0x0  }
0x2f8: {  	s14 =	simm.s32 $0x1700;
	[sflag:s24] =	ssyncadd.s32 $0xFFFFC000  }
0x2f9: {  	[hbm4b:s3+s16] =	stream.indirect.scatter [tilespmem:s19], [sflag:$0x9], $0x80, s14, s16, $0xb8;
	[tilespmem:$0x19800] =	vst v63  }
0x2fa: {  	v3 =	vld [tilespmem:s15+$0x0];
	_ =	sdelay $0x4  }
0x2fb: {  	vm15 =	vlt.s32 v3, $0x3  }
0x2fc: {  	v3 =	vsel vm15, $0x1, v0  }
0x2fd: {  	(xrf0) =	vadd.scan.msk.s32 $0xffff, v3;
	_ =	sdelay $0x5  }
0x2fe: {  	s10 =	sadd.s32 s10, s13;
	v3, _, _ =	vpop (xrf0)  }
0x2ff: {  	s23 =	sadd.s32 $0x780, s9;
	v4 =	vadd.s32 s10, v3;
	(v2sf) =	vpush v3, $0xF  }
0x300: {  	v5 =	vsub.s32 s23, v4  }
0x301: {  	v4 =	vadd.s32 v4, v2;
	v5 =	vadd.s32 v1, v5  }
0x302: {  	s11 =	simm.s32 $0x1780;
	v4 =	vsel vm15, v4, v5  }
0x303: {  	s13 =	sadd.s32 $0x10, s15;
	[tilespmem:s11+$0x0] =	vst v4  }
0x304: {  	s12 =	simm.s32 $0x790;
	s23 =	simm.s32 $0x7A0;
	v3 =	vld [tilespmem:s13+$0x0]  }
.LBB2_36:
0x305: {  	p0 =	sne.s32 s23, $0x7F0;
	_ =	sdelay $0x3  }
0x306: {  	vm0 =	vlt.s32 v3, $0x3  }
0x307: {  	v3 =	vsel vm0, $0x1, v0  }
0x308: {  	(xrf0) =	vadd.scan.msk.s32 $0xffff, v3;
	_ =	sdelay $0x2  }
0x309: {  	s14 =	spop (v2sf)  }
0x30a: {  	s10 =	sadd.s32 s10, s14;
	_ =	sdelay $0x1  }
0x30b: {  	v3, _, _ =	vpop (xrf0)  }
0x30c: {  	s14 =	sadd.s32 s9, s12;
	s12 =	smov.u32 s23;
	v4 =	vadd.s32 s10, v3;
	(v2sf) =	vpush v3, $0xF  }
.Ltmp17:
0x30d: {  	v3 =	vadd.s32 v4, v2;
	v4 =	vsub.s32 s14, v4;
	(pc) =	sbr.rel @p0 .LBB2_36-.Ltmp17, $4  }
0x30e: {  	v4 =	vadd.s32 v1, v4  }
0x30f: {  	s11 =	sadd.s32 $0x10, s11;
	v3 =	vsel vm0, v3, v4  }
0x310: {  	s13 =	sadd.s32 $0x10, s13;
	[tilespmem:s11+$0x0] =	vst v3  }
0x311: {  	s23 =	sadd.s32 $0x10, s23;
	v3 =	vld [tilespmem:s13+$0x0]  }
0x312: {  	_ =	sdelay $0x3  }
0x313: {  	vm0 =	vlt.s32 v3, $0x3  }
0x314: {  	v3 =	vsel vm0, $0x1, v0  }
0x315: {  	(xrf0) =	vadd.scan.msk.s32 $0xffff, v3;
	_ =	sdelay $0x5  }
0x316: {  	v3, _, _ =	vpop (xrf0)  }
0x317: {  	(v2sf) =	vpush v3, $0xF;
	_ =	sdelay $0x8  }
0x318: {  	s13 =	spop (v2sf)  }
0x319: {  	s10 =	sadd.s32 s10, s13  }
0x31a: {  	s9 =	sadd.s32 s9, s12;
	v3 =	vadd.s32 s10, v3  }
0x31b: {  	v4 =	vsub.s32 s9, v3  }
0x31c: {  	v2 =	vadd.s32 v3, v2;
	v3 =	vadd.s32 v1, v4  }
0x31d: {  	s13 =	sadd.s32 $0x10, s11;
	v2 =	vsel vm0, v2, v3  }
0x31e: {  	[tilespmem:s13+$0x0] =	vst v2;
	s14 =	spop (v2sf)  }
0x31f: {  	_ =	swait.ge [sflag:s20], $0x4000  }
0x320: {  	[sflag:s20] =	ssyncset.done $0x0  }
0x321: {  	s9 =	simm.s32 $0x1780;
	[sflag:s20] =	ssyncadd.s32 $0xFFFFC000  }
0x322: {  	[hbm4b:s3+s16] =	stream.indirect.scatter [tilespmem:s21], [sflag:$0xA], $0x80, s9, s16, $0xb8;
	[tilespmem:$0x19800] =	vst v63  }
0x323: {  	_ =	swait.ge [sflag:s26], $0x4000  }
0x324: {  	[sflag:s26] =	ssyncset.done $0x0  }
0x325: {  	[sflag:s26] =	ssyncadd.s32 $0xFFFFC000  }
0x326: {  	_ =	swait.ge [sflag:s2], $0x4000  }
0x327: {  	[sflag:s2] =	ssyncset.done $0x0  }
0x328: {  	[sflag:s2] =	ssyncadd.s32 $0xFFFFC000  }
0x329: {  	_ =	swait.ge [sflag:s30], $0x4000  }
0x32a: {  	[sflag:s30] =	ssyncset.done $0x0  }
0x32b: {  	[sflag:s30] =	ssyncadd.s32 $0xFFFFC000  }
0x32c: {  	_ =	swait.ge [sflag:s31], $0x4000  }
0x32d: {  	[sflag:s31] =	ssyncset.done $0x0  }
0x32e: {  	[sflag:s31] =	ssyncadd.s32 $0xFFFFC000  }
0x32f: {  	_ =	swait.ge [sflag:s1], $0x4000  }
0x330: {  	[sflag:s1] =	ssyncset.done $0x0  }
0x331: {  	[sflag:s1] =	ssyncadd.s32 $0xFFFFC000  }
0x332: {  	_ =	swait.ge [sflag:s0], $0x4000  }
0x333: {  	s8 =	sadd.s32 $0x1, s8;
	s23 =	rddreg [dreg:$0x16]  }
0x334: {  	p0 =	sne.s32 s8, s23  }
.Ltmp18:
0x335: {  	_ = 	snop;
	(pc) =	sbr.rel @p0 .LBB2_1-.Ltmp18, $3  }
0x336: {  	_ =	sdelay $0x1  }
0x337: {  	[sflag:s0] =	ssyncset.done $0x0  }
0x338: {  	[sflag:s0] =	ssyncadd.s32 $0xFFFFC000  }
0x339: {  	_ =	sfence.sel $0x180000  }
0x33a: {  	[bflag:$0x0] =	sbarrier.arrive $0xFFFF  }
0x33b: {  	_ =	strace $0x90000047  }
0x33c: {  	s0 =	stileid.u32;
	[bflag:$0x2] =	sbarrier.arrive $0xFFFF  }
0x33d: {  	p0 =	sne.s32 s0, $0x0;
	s0 =	rddreg [dreg:$0x3]  }
0x33e: {  	s0 =	sadd.s32 @!p0 $0x100000, s0  }
0x33f: {  	[sflag:s0] =	ssyncadd.tile.s32 @!p0 $0x1;
	_ =	shalt  }
.Lfunc_end2:
_tile_overlayer_lowered:
.L_overlay_start_2:
0x340: {  	(tag) =	ssettag $0x2  }
0x341: {  	s0 =	rddreg [dreg:$0x0];
	s2 =	stileid.u32  }
0x342: {  	s1 =	rddreg [dreg:$0x1];
	p0 =	sne.s32 s2, $0x0  }
0x343: {  	s3 =	rddreg [dreg:$0x2];
	[bflag:$0x3] =	sbarrier.arrive $0xFFFF;
	s2 =	simm.s32 @!p0 $0x1C0E  }
0x344: {  	[timem:s3], [sflag:s2] =	dma.local @!p0 [hbm:s0], s1  }
0x345: {  	s0 =	simm.s32 @!p0 $0xE  }
0x346: {  	_ =	swait.ge @!p0 [sflag:s0], s1  }
0x347: {  	s1 =	ssub.s32 @!p0 $0x0, s1;
	[sflag:s0] =	ssyncset.done @!p0 $0x0  }
0x348: {  	[sflag:s0] =	ssyncadd.s32 @!p0 s1  }
0x349: {  	[bflag:$0x3] =	sbarrier.arrive $0xFFFF  }
0x34a: {  	_ =	shalt  }

</sc_bundles>
